<compile_context>
chip_gen: v7x
topology: tpu7x:2x2x1
jax: 0.10.2.dev20260603
libtpu: 0.0.44.dev20260713+nightly
codegen_flags: <defaults>
</compile_context>

<pallas_src>
import functools

import jax
import jax.numpy as jnp
import numpy as np
from jax import lax
from jax.experimental import pallas as pl
from jax.experimental.pallas import tpu as pltpu
from jax.experimental.pallas import tpu_sc as plsc

N = 100000
D = 128
B = 4096

NC = 2
NS = 16
NW = NC * NS
BPW = B // NW
CHUNK = 128
CCH = 256
BUF = B + 32
RPW = 3128
RPW_LAST = N - (NW - 1) * RPW

_mesh = plsc.VectorSubcoreMesh(core_axis_name="c", subcore_axis_name="s")
_sc_params = pltpu.CompilerParams(needs_layout_passes=False)


def _wid():
    return lax.axis_index("s") * NC + lax.axis_index("c")


@functools.partial(
    pl.kernel,
    out_type=[
        jax.ShapeDtypeStruct((B, D), jnp.float32),
        jax.ShapeDtypeStruct((B, D), jnp.float32),
        jax.ShapeDtypeStruct((B, D), jnp.float32),
        jax.ShapeDtypeStruct((NW, D), jnp.float32),
    ],
    mesh=_mesh,
    scratch_types=[
        pltpu.VMEM((BPW,), jnp.int32),
        pltpu.VMEM((BPW,), jnp.int32),
        pltpu.VMEM((BPW, D), jnp.float32),
        pltpu.VMEM((BPW, D), jnp.float32),
        pltpu.VMEM((BPW, D), jnp.float32),
        pltpu.VMEM((NW,), jnp.int32),
        pltpu.VMEM((NW, D), jnp.float32),
        pltpu.SemaphoreType.DMA,
        pltpu.SemaphoreType.DMA,
        pltpu.SemaphoreType.DMA,
        pltpu.SemaphoreType.DMA,
    ],
)
def _k1(mem_h, dtdg_h, ids0_h, ids1_h, anchors_h,
        g0_o, gm1_o, gd_o, glo_o,
        idx0_v, idx1_v, rows0_v, rows1_v, rowsd_v, aidx_v, arows_v,
        sem0, sem1, semd, sema):
    wid = _wid()
    base = wid * BPW
    s0 = pltpu.async_copy(ids0_h.at[pl.ds(base, BPW)], idx0_v, sem0)
    s1 = pltpu.async_copy(ids1_h.at[pl.ds(base, BPW)], idx1_v, sem1)
    s0.wait()
    g0 = pltpu.async_copy(mem_h.at[idx0_v], rows0_v, sem0)
    s1.wait()
    g1 = pltpu.async_copy(mem_h.at[idx1_v], rows1_v, sem1)
    gd = pltpu.async_copy(dtdg_h.at[idx1_v], rowsd_v, semd)
    g0.wait()
    w0 = pltpu.async_copy(rows0_v, g0_o.at[pl.ds(base, BPW)], sem0)
    g1.wait()
    w1 = pltpu.async_copy(rows1_v, gm1_o.at[pl.ds(base, BPW)], sem1)
    gd.wait()
    wd = pltpu.async_copy(rowsd_v, gd_o.at[pl.ds(base, BPW)], semd)

    @pl.when(wid == 0)
    def _():
        pltpu.async_copy(anchors_h, aidx_v, sema).wait()
        pltpu.async_copy(mem_h.at[aidx_v], arows_v, sema).wait()
        pltpu.async_copy(arows_v, glo_o, sema).wait()

    w0.wait()
    w1.wait()
    wd.wait()


def _k0_body(i0c, i0r, i1c, i1r, loc, is0_o, m01_o, is1_o, j0d_o, j1d_o):
    row0 = i0r[...]
    row1 = i1r[...]
    ch = 512

    def body(c, carry):
        sl = pl.ds(c * ch, ch)
        c0 = i0c[sl, :]
        c1 = i1c[sl, :]
        io2 = lax.broadcasted_iota(jnp.int32, (ch, B), 1)
        w0 = jnp.max(jnp.where(c0 == row0, io2, -1), axis=1, keepdims=True)
        m01 = jnp.max(jnp.where(c1 == row0, io2, -1), axis=1, keepdims=True)
        w1 = jnp.max(jnp.where(c1 == row1, io2, -1), axis=1, keepdims=True)
        rix = lax.broadcasted_iota(jnp.int32, (ch, 1), 0) + c * ch
        is0_o[sl, :] = (w0 == rix).astype(jnp.int32)
        m01_o[sl, :] = m01
        is1_o[sl, :] = (w1 == rix).astype(jnp.int32)
        return carry

    lax.fori_loop(0, B // ch, body, 0)

    io2 = lax.broadcasted_iota(jnp.int32, (NW, B), 1)
    lo = loc[...]
    j0d_o[...] = jnp.max(jnp.where(lo == row0, io2, -1), axis=1, keepdims=True)
    j1d_o[...] = jnp.max(jnp.where(lo == row1, io2, -1), axis=1, keepdims=True)


_k0 = pl.pallas_call(
    _k0_body,
    out_shape=[
        jax.ShapeDtypeStruct((B, 1), jnp.int32),
        jax.ShapeDtypeStruct((B, 1), jnp.int32),
        jax.ShapeDtypeStruct((B, 1), jnp.int32),
        jax.ShapeDtypeStruct((NW, 1), jnp.int32),
        jax.ShapeDtypeStruct((NW, 1), jnp.int32),
    ],
)


def _k2_body(msgs0, g0, wc, wcb, wh, whb, upd_o):
    x = msgs0[...]
    g = g0[...]
    dn = (((1,), (1,)), ((), ()))
    i_c = lax.dot_general(x, wc[...], dn, preferred_element_type=jnp.float32)
    i_c = i_c + wcb[...]
    h = lax.dot_general(g, wh[...], dn, preferred_element_type=jnp.float32)
    h = h + whb[...]
    gate_c = i_c[:, :D] + h[:, D:2 * D]
    h_c = jnp.tanh(i_c[:, D:] + h[:, 3 * D:])
    s_c = jax.nn.sigmoid(gate_c)
    upd_o[...] = (1.0 - s_c) * h_c + s_c * g


_k2 = pl.pallas_call(
    _k2_body,
    out_shape=jax.ShapeDtypeStruct((B, D), jnp.float32),
)


@functools.partial(
    pl.kernel,
    out_type=jax.ShapeDtypeStruct((B, D), jnp.float32),
    mesh=_mesh,
    scratch_types=[
        pltpu.VMEM((BPW,), jnp.int32),
        pltpu.VMEM((BPW, D), jnp.float32),
        pltpu.SemaphoreType.DMA,
    ],
)
def _k3(upd_h, sidx_h, gu_o, idx_v, rows_v, sem):
    wid = _wid()
    base = wid * BPW
    pltpu.sync_copy(sidx_h.at[pl.ds(base, BPW)], idx_v)
    pltpu.async_copy(upd_h.at[idx_v], rows_v, sem).wait()
    pltpu.sync_copy(rows_v, gu_o.at[pl.ds(base, BPW)])


def _k4_body(msgs1, gd, gm1, gu, msk, wc, wcb, wd, wdb, wh, whb,
             upd, j0d, j1d, glo, outp_o, dummy_o):
    m1r = jnp.where(msk[...] > 0, gu[...], gm1[...])
    dn = (((1,), (1,)), ((), ()))
    i_c = lax.dot_general(msgs1[...], wc[...], dn,
                          preferred_element_type=jnp.float32) + wcb[...]
    i_d = lax.dot_general(gd[...], wd[...], dn,
                          preferred_element_type=jnp.float32) + wdb[...]
    h = lax.dot_general(m1r, wh[...], dn,
                        preferred_element_type=jnp.float32) + whb[...]
    gate_d = i_d[:, :D] + h[:, :D]
    gate_c = i_c[:, :D] + h[:, D:2 * D]
    h_d = jnp.tanh(i_d[:, D:2 * D] + h[:, 2 * D:3 * D])
    h_c = jnp.tanh(i_c[:, D:2 * D] + h[:, 3 * D:])
    s_d = jax.nn.sigmoid(gate_d)
    s_c = jax.nn.sigmoid(gate_c)
    outp = s_d * 0.5 * h_d + s_c * 0.5 * h_c + (2.0 - s_d - s_c) * 0.5 * m1r
    outp_o[...] = outp

    io2 = lax.broadcasted_iota(jnp.int32, (NW, B), 1)
    oh0 = (j0d[...] == io2).astype(jnp.float32)
    oh1 = (j1d[...] == io2).astype(jnp.float32)
    u_d = jnp.dot(oh0, upd[...], preferred_element_type=jnp.float32)
    o_d = jnp.dot(oh1, outp, preferred_element_type=jnp.float32)
    m_d = jnp.where(j0d[...] >= 0, u_d, glo[...])
    dummy_o[...] = jnp.where(j1d[...] >= 0, o_d, m_d)


_k4 = pl.pallas_call(
    _k4_body,
    out_shape=[
        jax.ShapeDtypeStruct((B, D), jnp.float32),
        jax.ShapeDtypeStruct((NW, D), jnp.float32),
    ],
)


@functools.partial(
    pl.kernel,
    out_type=[
        jax.ShapeDtypeStruct((N, D), jnp.float32),
        jax.ShapeDtypeStruct((N,), jnp.float32),
    ],
    mesh=_mesh,
    scratch_types=[
        pltpu.VMEM((B,), jnp.int32),
        pltpu.VMEM((B,), jnp.int32),
        pltpu.VMEM((B,), jnp.int32),
        pltpu.VMEM((B,), jnp.int32),
        pltpu.VMEM((B,), jnp.float32),
        pltpu.VMEM((RPW,), jnp.float32),
        pltpu.VMEM((BUF,), jnp.int32),
        pltpu.VMEM((BUF,), jnp.int32),
        pltpu.VMEM((CHUNK,), jnp.int32),
        pltpu.VMEM((CHUNK, D), jnp.float32),
        pltpu.VMEM((16,), jnp.int32),
        pltpu.VMEM((16, D), jnp.float32),
        pltpu.VMEM((CCH, D), jnp.float32),
        pltpu.VMEM((CCH, D), jnp.float32),
        pltpu.SemaphoreType.DMA,
        pltpu.SemaphoreType.DMA,
        pltpu.SemaphoreType.DMA,
        pltpu.SemaphoreType.DMA,
        pltpu.SemaphoreType.DMA,
    ],
    compiler_params=_sc_params,
)
def _k5(mem_h, lu_h, upd_h, outp_h, ids0_h, is0_h, ids1_h, is1_h,
        ts_h, out_mem, out_lu,
        ids0_v, is0_v, ids1_v, is1_v, ts_v, lu_v, tid_v, src_v, sidx_v,
        rows_v, six_v, srw_v, crwa_v, crwb_v, semga, semgb, semsa, semsb,
        sem):
    wid = _wid()
    lo = wid * RPW
    hi = jnp.minimum(lo + RPW, N)
    last = NW - 1

    d1 = pltpu.async_copy(ids0_h, ids0_v, sem)
    d2 = pltpu.async_copy(is0_h, is0_v, sem)
    d3 = pltpu.async_copy(ids1_h, ids1_v, sem)
    d4 = pltpu.async_copy(is1_h, is1_v, sem)
    d5 = pltpu.async_copy(ts_h, ts_v, sem)

    iota16 = lax.iota(jnp.int32, 16)

    nfull = (hi - lo) // CCH
    even = (nfull // 2) * 2

    def copy_body(c):
        offa = lo + c * CCH
        offb = offa + CCH

        @pl.when(c > 0)
        def _():
            pltpu.make_async_copy(crwa_v, out_mem.at[pl.ds(lo, CCH)],
                                  semsa).wait()
            pltpu.make_async_copy(crwb_v, out_mem.at[pl.ds(lo, CCH)],
                                  semsb).wait()

        ga = pltpu.async_copy(mem_h.at[pl.ds(offa, CCH)], crwa_v, semga)
        gb = pltpu.async_copy(mem_h.at[pl.ds(offb, CCH)], crwb_v, semgb)
        ga.wait()
        pltpu.async_copy(crwa_v, out_mem.at[pl.ds(offa, CCH)], semsa)
        gb.wait()
        pltpu.async_copy(crwb_v, out_mem.at[pl.ds(offb, CCH)], semsb)
        return c + 2

    lax.while_loop(lambda c: c < even, copy_body, jnp.int32(0))

    @pl.when(even > 0)
    def _():
        pltpu.make_async_copy(crwa_v, out_mem.at[pl.ds(lo, CCH)],
                              semsa).wait()
        pltpu.make_async_copy(crwb_v, out_mem.at[pl.ds(lo, CCH)],
                              semsb).wait()

    @pl.when(nfull > even)
    def _():
        off = lo + even * CCH
        pltpu.sync_copy(mem_h.at[pl.ds(off, CCH)], crwa_v)
        pltpu.sync_copy(crwa_v, out_mem.at[pl.ds(off, CCH)])

    @pl.when(wid < last)
    def _():
        pltpu.sync_copy(mem_h.at[pl.ds(lo + 12 * CCH, 56)],
                        crwa_v.at[pl.ds(0, 56)])
        pltpu.sync_copy(crwa_v.at[pl.ds(0, 56)],
                        out_mem.at[pl.ds(lo + 12 * CCH, 56)])

    @pl.when(wid == last)
    def _():
        pltpu.sync_copy(mem_h.at[pl.ds(lo + 11 * CCH, 216)],
                        crwa_v.at[pl.ds(0, 216)])
        pltpu.sync_copy(crwa_v.at[pl.ds(0, 216)],
                        out_mem.at[pl.ds(lo + 11 * CCH, 216)])

    d1.wait(); d2.wait(); d3.wait(); d4.wait(); d5.wait()

    def compact(ids_v, isw_v, pad_s):
        def body(i, k):
            sl = pl.ds(i * 16, 16)
            ids16 = ids_v[sl]
            isw16 = isw_v[sl]
            m = (ids16 >= lo) & (ids16 < hi) & (isw16 > 0)
            incl = plsc.cumsum(jnp.where(m, 1, 0).astype(jnp.int32))
            pos = k + incl - 1
            plsc.store_scatter(tid_v, [pos], ids16, mask=m)
            plsc.store_scatter(src_v, [pos], iota16 + i * 16, mask=m)
            return k + jnp.max(incl)

        k = lax.fori_loop(0, B // 16, body, jnp.int32(0))
        pad_t = jnp.full((16,), lo, jnp.int32)
        for j in range(2):
            tid_v[pl.ds(k + j * 16, 16)] = pad_t
            src_v[pl.ds(k + j * 16, 16)] = pad_s
        return k

    def scatter_rows(src_h, k):
        nf = k // CHUNK

        def body(c):
            base = c * CHUNK
            for j in range(CHUNK // 16):
                sidx_v[pl.ds(j * 16, 16)] = tid_v[pl.ds(base + j * 16, 16)]
            pltpu.async_copy(src_h.at[src_v.at[pl.ds(base, CHUNK)]], rows_v,
                             sem).wait()
            pltpu.async_copy(rows_v, out_mem.at[sidx_v], sem).wait()
            return c + 1

        lax.while_loop(lambda c: c < nf, body, jnp.int32(0))
        nt = (k - nf * CHUNK + 15) // 16

        def tbody(t):
            base = nf * CHUNK + t * 16
            six_v[...] = tid_v[pl.ds(base, 16)]
            pltpu.async_copy(src_h.at[src_v.at[pl.ds(base, 16)]], srw_v,
                             sem).wait()
            pltpu.async_copy(srw_v, out_mem.at[six_v], sem).wait()
            return t + 1

        lax.while_loop(lambda t: t < nt, tbody, jnp.int32(0))

    k0 = compact(ids0_v, is0_v, iota16 + wid * 16)
    scatter_rows(upd_h, k0)
    k1 = compact(ids1_v, is1_v, jnp.full((16,), B + wid, jnp.int32))
    scatter_rows(outp_h, k1 + 1)

    def lu_body(i, carry):
        sl = pl.ds(i * 16, 16)
        ids16 = ids1_v[sl]
        m = (ids16 >= lo) & (ids16 < hi)
        loc16 = jnp.clip(ids16 - lo, 0, RPW - 1)
        plsc.store_scatter(lu_v, [loc16], ts_v[sl], mask=m)
        return carry

    @pl.when(wid < last)
    def _():
        pltpu.sync_copy(lu_h.at[pl.ds(lo, RPW)], lu_v)

    @pl.when(wid == last)
    def _():
        pltpu.sync_copy(lu_h.at[pl.ds(last * RPW, RPW_LAST)],
                        lu_v.at[pl.ds(0, RPW_LAST)])

    lax.fori_loop(0, B // 16, lu_body, 0)

    @pl.when(wid < last)
    def _():
        pltpu.sync_copy(lu_v, out_lu.at[pl.ds(lo, RPW)])

    @pl.when(wid == last)
    def _():
        pltpu.sync_copy(lu_v.at[pl.ds(0, RPW_LAST)],
                        out_lu.at[pl.ds(last * RPW, RPW_LAST)])



_ANCHORS = np.arange(NW, dtype=np.int32) * RPW


def kernel(unique_node_ids_0, unique_messages_0, unique_node_ids_1,
           unique_messages_1, CTDT_messages, DTDG_output, memory, last_update,
           timestamps, W_C_w, W_C_b, W_D_w, W_D_b, W_h_w, W_h_b):
    ids0 = unique_node_ids_0.astype(jnp.int32)
    ids1 = unique_node_ids_1.astype(jnp.int32)
    anchors = jnp.asarray(_ANCHORS)

    g0, gm1, gd, glo = _k1(memory, DTDG_output, ids0, ids1, anchors)

    i0c = ids0.reshape(B, 1)
    i0r = ids0.reshape(1, B)
    i1c = ids1.reshape(B, 1)
    i1r = ids1.reshape(1, B)
    is0, m01, is1, j0d, j1d = _k0(i0c, i0r, i1c, i1r, anchors.reshape(NW, 1))
    upd = _k2(unique_messages_0, g0, W_C_w, W_C_b.reshape(1, 2 * D),
              W_h_w, W_h_b.reshape(1, 4 * D))

    sidx = jnp.where(m01 >= 0, m01, jnp.arange(B, dtype=jnp.int32)
                     .reshape(B, 1)).reshape(B)
    gu = _k3(upd, sidx)

    outp, dummy = _k4(
        unique_messages_1, gd, gm1, gu, m01, W_C_w, W_C_b.reshape(1, 2 * D),
        W_D_w, W_D_b.reshape(1, 2 * D), W_h_w, W_h_b.reshape(1, 4 * D),
        upd, j0d, j1d, glo)

    outp_ext = jnp.concatenate([outp, dummy], axis=0)
    out_mem, out_lu = _k5(memory, last_update, upd, outp_ext,
                          ids0, is0.reshape(B), ids1, is1.reshape(B),
                          timestamps.astype(jnp.float32))
    return (out_mem, out_lu)

# --- scband reference (transcript-rebuilt; emitter-appended) ---
"""Pipeline reference for scband-ctdtmemory-updater-9423158247662 (READ-ONLY COPY).

The authoritative reference and input builder live on the scoring server;
editing this copy changes nothing except your own understanding.
"""

import jax, jax.numpy as jnp
import numpy as np

N = 100000
D = 128
MSG = 128
HID = 128
B = 4096

def setup_inputs(seed: int = 0):
    key = jax.random.key(seed)
    ks = jax.random.split(key, 9)
    return {
        'unique_node_ids_0': jax.random.randint(ks[0], (B,), 0, N),
        'unique_messages_0': jax.random.normal(ks[1], (B, MSG), jnp.float32),
        'unique_node_ids_1': jax.random.randint(ks[2], (B,), 0, N),
        'unique_messages_1': jax.random.normal(ks[3], (B, MSG), jnp.float32),
        'CTDT_messages': jnp.zeros((B, MSG), jnp.float32),
        'DTDG_output': jax.random.normal(ks[4], (N, HID), jnp.float32),
        'memory': jax.random.normal(ks[5], (N, D), jnp.float32),
        'last_update': jnp.zeros((N,), jnp.float32),
        'timestamps': jnp.ones((B,), jnp.float32),
        'W_C_w': jax.random.normal(ks[6], (2 * D, MSG), jnp.float32) * 0.05,
        'W_C_b': jnp.zeros((2 * D,), jnp.float32),
        'W_D_w': jax.random.normal(ks[7], (2 * D, HID), jnp.float32) * 0.05,
        'W_D_b': jnp.zeros((2 * D,), jnp.float32),
        'W_h_w': jax.random.normal(ks[8], (4 * D, D), jnp.float32) * 0.05,
        'W_h_b': jnp.zeros((4 * D,), jnp.float32),
    }

def reference(unique_node_ids_0, unique_messages_0, unique_node_ids_1, unique_messages_1, CTDT_messages, DTDG_output, memory, last_update, timestamps, W_C_w, W_C_b, W_D_w, W_D_b, W_h_w, W_h_b):
    d = memory.shape[1]
    mem = memory
    # intermediate block (k loop, divide-1 = 1 iteration)
    i_C = unique_messages_0 @ W_C_w.T + W_C_b
    h = mem[unique_node_ids_0] @ W_h_w.T + W_h_b
    gate_C = i_C[:, :d] + h[:, d:2 * d]
    h_C = jnp.tanh(i_C[:, d:] + h[:, 3 * d:])
    sC = jax.nn.sigmoid(gate_C)
    upd = (1.0 - sC) * h_C + sC * mem[unique_node_ids_0]
    mem = mem.at[unique_node_ids_0].set(upd)
    # final block with DTDG gating
    i_C = unique_messages_1 @ W_C_w.T + W_C_b
    i_D = DTDG_output[unique_node_ids_1] @ W_D_w.T + W_D_b
    h = mem[unique_node_ids_1] @ W_h_w.T + W_h_b
    gate_D = i_D[:, :d] + h[:, :d]
    gate_C = i_C[:, :d] + h[:, d:2 * d]
    h_D = jnp.tanh(i_D[:, d:] + h[:, 2 * d:3 * d])
    h_C = jnp.tanh(i_C[:, d:2 * d] + h[:, 3 * d:])
    sD = jax.nn.sigmoid(gate_D)
    sC = jax.nn.sigmoid(gate_C)
    output = sD / 2.0 * h_D + sC / 2.0 * h_C + (2.0 - sD - sC) / 2.0 * mem[unique_node_ids_1]
    mem = mem.at[unique_node_ids_1].set(output)
    updated_last_update = last_update.at[unique_node_ids_1].set(timestamps)
    return (mem, updated_last_update)

if __name__ == "__main__":
    import jax
    _d = setup_inputs()
    print(jax.jit(kernel)(*tuple(_d.values())))

</pallas_src>

<mosaic_0001>
#map = affine_map<(d0, d1) -> (0, 0)>
#map1 = affine_map<(d0, d1) -> (0)>
module attributes {stable_mosaic.version = 14 : i64} {
  func.func @_k1(%arg0: i32, %arg1: i32, %arg2: memref<100000x128xf32, #tpu.memory_space<hbm>>, %arg3: memref<100000x128xf32, #tpu.memory_space<hbm>>, %arg4: memref<4096xi32, #tpu.memory_space<hbm>>, %arg5: memref<4096xi32, #tpu.memory_space<hbm>>, %arg6: memref<32xi32, #tpu.memory_space<hbm>>, %arg7: memref<4096x128xf32, #tpu.memory_space<hbm>>, %arg8: memref<4096x128xf32, #tpu.memory_space<hbm>>, %arg9: memref<4096x128xf32, #tpu.memory_space<hbm>>, %arg10: memref<32x128xf32, #tpu.memory_space<hbm>>, %arg11: memref<128xi32, #tpu.memory_space<vmem>>, %arg12: memref<128xi32, #tpu.memory_space<vmem>>, %arg13: memref<128x128xf32, #tpu.memory_space<vmem>>, %arg14: memref<128x128xf32, #tpu.memory_space<vmem>>, %arg15: memref<128x128xf32, #tpu.memory_space<vmem>>, %arg16: memref<32xi32, #tpu.memory_space<vmem>>, %arg17: memref<32x128xf32, #tpu.memory_space<vmem>>, %arg18: memref<!tpu.dma_semaphore, #tpu.memory_space<semaphore_mem>>, %arg19: memref<!tpu.dma_semaphore, #tpu.memory_space<semaphore_mem>>, %arg20: memref<!tpu.dma_semaphore, #tpu.memory_space<semaphore_mem>>, %arg21: memref<!tpu.dma_semaphore, #tpu.memory_space<semaphore_mem>>) attributes {dimension_semantics = [#tpu.dimension_semantics<core_parallel>, #tpu.dimension_semantics<subcore_parallel>], iteration_bounds = array<i64: 2, 16>, scalar_prefetch = 0 : i64, scratch_operands = 11 : i64, tpu.core_type = #tpu.core_type<sc_vector_subcore>, window_params = [{transform_indices = #map}, {transform_indices = #map}, {transform_indices = #map1}, {transform_indices = #map1}, {transform_indices = #map1}, {transform_indices = #map}, {transform_indices = #map}, {transform_indices = #map}, {transform_indices = #map}]} {
    %mul3A = arith.constant 2 : i32
    %mul3A_0 = arith.muli %arg1, %mul3A : i32
    %add3A = arith.addi %mul3A_0, %arg0 : i32
    %mul3A_1 = arith.constant 128 : i32
    %mul3A_2 = arith.muli %add3A, %mul3A_1 : i32
    %dma_start3A = tpu.memref_slice %arg4[%mul3A_2] : memref<4096xi32, #tpu.memory_space<hbm>> -> memref<128xi32, #tpu.memory_space<hbm>>
    %dma_start3A_3 = tpu.memref_slice %arg4[%mul3A_2] : memref<4096xi32, #tpu.memory_space<hbm>> -> memref<128xi32, #tpu.memory_space<hbm>>
    tpu.enqueue_dma source(%dma_start3A_3 : memref<128xi32, #tpu.memory_space<hbm>>) target(%arg11 : memref<128xi32, #tpu.memory_space<vmem>>) target_semaphore(%arg18 : memref<!tpu.dma_semaphore, #tpu.memory_space<semaphore_mem>>)
    %dma_start3A_4 = tpu.memref_slice %arg5[%mul3A_2] : memref<4096xi32, #tpu.memory_space<hbm>> -> memref<128xi32, #tpu.memory_space<hbm>>
    %dma_start3A_5 = tpu.memref_slice %arg5[%mul3A_2] : memref<4096xi32, #tpu.memory_space<hbm>> -> memref<128xi32, #tpu.memory_space<hbm>>
    tpu.enqueue_dma source(%dma_start3A_5 : memref<128xi32, #tpu.memory_space<hbm>>) target(%arg12 : memref<128xi32, #tpu.memory_space<vmem>>) target_semaphore(%arg19 : memref<!tpu.dma_semaphore, #tpu.memory_space<semaphore_mem>>)
    %dma_wait3A = tpu.memref_slice %arg4[%mul3A_2] : memref<4096xi32, #tpu.memory_space<hbm>> -> memref<128xi32, #tpu.memory_space<hbm>>
    %dma_wait3A_6 = tpu.memref_slice %arg4[%mul3A_2] : memref<4096xi32, #tpu.memory_space<hbm>> -> memref<128xi32, #tpu.memory_space<hbm>>
    tpu.wait_dma2 semaphore(%arg18 : memref<!tpu.dma_semaphore, #tpu.memory_space<semaphore_mem>>) src(%dma_wait3A_6 : memref<128xi32, #tpu.memory_space<hbm>>) dst(%arg11 : memref<128xi32, #tpu.memory_space<vmem>>)
    %dma_start3A_7 = arith.constant 0 : i32
    %dma_start3A_8 = arith.constant 0 : i32
    %dma_start3A_9 = tpu.memref_slice %arg2[%dma_start3A_7, %dma_start3A_8] : memref<100000x128xf32, #tpu.memory_space<hbm>> -> memref<100000x128xf32, #tpu.memory_space<hbm>>
    tpu.enqueue_indirect_dma source(%dma_start3A_9 : memref<100000x128xf32, #tpu.memory_space<hbm>>) target(%arg13 : memref<128x128xf32, #tpu.memory_space<vmem>>) offsets(%arg11 : memref<128xi32, #tpu.memory_space<vmem>>) semaphore(%arg18 : memref<!tpu.dma_semaphore, #tpu.memory_space<semaphore_mem>>)
    %dma_wait3A_10 = tpu.memref_slice %arg5[%mul3A_2] : memref<4096xi32, #tpu.memory_space<hbm>> -> memref<128xi32, #tpu.memory_space<hbm>>
    %dma_wait3A_11 = tpu.memref_slice %arg5[%mul3A_2] : memref<4096xi32, #tpu.memory_space<hbm>> -> memref<128xi32, #tpu.memory_space<hbm>>
    tpu.wait_dma2 semaphore(%arg19 : memref<!tpu.dma_semaphore, #tpu.memory_space<semaphore_mem>>) src(%dma_wait3A_11 : memref<128xi32, #tpu.memory_space<hbm>>) dst(%arg12 : memref<128xi32, #tpu.memory_space<vmem>>)
    %dma_start3A_12 = arith.constant 0 : i32
    %dma_start3A_13 = arith.constant 0 : i32
    %dma_start3A_14 = tpu.memref_slice %arg2[%dma_start3A_12, %dma_start3A_13] : memref<100000x128xf32, #tpu.memory_space<hbm>> -> memref<100000x128xf32, #tpu.memory_space<hbm>>
    tpu.enqueue_indirect_dma source(%dma_start3A_14 : memref<100000x128xf32, #tpu.memory_space<hbm>>) target(%arg14 : memref<128x128xf32, #tpu.memory_space<vmem>>) offsets(%arg12 : memref<128xi32, #tpu.memory_space<vmem>>) semaphore(%arg19 : memref<!tpu.dma_semaphore, #tpu.memory_space<semaphore_mem>>)
    %dma_start3A_15 = arith.constant 0 : i32
    %dma_start3A_16 = arith.constant 0 : i32
    %dma_start3A_17 = tpu.memref_slice %arg3[%dma_start3A_15, %dma_start3A_16] : memref<100000x128xf32, #tpu.memory_space<hbm>> -> memref<100000x128xf32, #tpu.memory_space<hbm>>
    tpu.enqueue_indirect_dma source(%dma_start3A_17 : memref<100000x128xf32, #tpu.memory_space<hbm>>) target(%arg15 : memref<128x128xf32, #tpu.memory_space<vmem>>) offsets(%arg12 : memref<128xi32, #tpu.memory_space<vmem>>) semaphore(%arg20 : memref<!tpu.dma_semaphore, #tpu.memory_space<semaphore_mem>>)
    %dma_wait3A_18 = arith.constant 0 : i32
    %dma_wait3A_19 = arith.constant 0 : i32
    %dma_wait3A_20 = tpu.memref_slice %arg2[%dma_wait3A_18, %dma_wait3A_19] : memref<100000x128xf32, #tpu.memory_space<hbm>> -> memref<100000x128xf32, #tpu.memory_space<hbm>>
    tpu.wait_indirect_dma semaphore(%arg18 : memref<!tpu.dma_semaphore, #tpu.memory_space<semaphore_mem>>) src(%dma_wait3A_20 : memref<100000x128xf32, #tpu.memory_space<hbm>>) dst(%arg13 : memref<128x128xf32, #tpu.memory_space<vmem>>)
    %dma_start3A_21 = arith.constant 0 : i32
    %dma_start3A_22 = tpu.memref_slice %arg7[%mul3A_2, %dma_start3A_21] : memref<4096x128xf32, #tpu.memory_space<hbm>> -> memref<128x128xf32, #tpu.memory_space<hbm>>
    %dma_start3A_23 = arith.constant 0 : i32
    %dma_start3A_24 = tpu.memref_slice %arg7[%mul3A_2, %dma_start3A_23] : memref<4096x128xf32, #tpu.memory_space<hbm>> -> memref<128x128xf32, #tpu.memory_space<hbm>>
    tpu.enqueue_dma source(%arg13 : memref<128x128xf32, #tpu.memory_space<vmem>>) target(%dma_start3A_24 : memref<128x128xf32, #tpu.memory_space<hbm>>) target_semaphore(%arg18 : memref<!tpu.dma_semaphore, #tpu.memory_space<semaphore_mem>>)
    %dma_wait3A_25 = arith.constant 0 : i32
    %dma_wait3A_26 = arith.constant 0 : i32
    %dma_wait3A_27 = tpu.memref_slice %arg2[%dma_wait3A_25, %dma_wait3A_26] : memref<100000x128xf32, #tpu.memory_space<hbm>> -> memref<100000x128xf32, #tpu.memory_space<hbm>>
    tpu.wait_indirect_dma semaphore(%arg19 : memref<!tpu.dma_semaphore, #tpu.memory_space<semaphore_mem>>) src(%dma_wait3A_27 : memref<100000x128xf32, #tpu.memory_space<hbm>>) dst(%arg14 : memref<128x128xf32, #tpu.memory_space<vmem>>)
    %dma_start3A_28 = arith.constant 0 : i32
    %dma_start3A_29 = tpu.memref_slice %arg8[%mul3A_2, %dma_start3A_28] : memref<4096x128xf32, #tpu.memory_space<hbm>> -> memref<128x128xf32, #tpu.memory_space<hbm>>
    %dma_start3A_30 = arith.constant 0 : i32
    %dma_start3A_31 = tpu.memref_slice %arg8[%mul3A_2, %dma_start3A_30] : memref<4096x128xf32, #tpu.memory_space<hbm>> -> memref<128x128xf32, #tpu.memory_space<hbm>>
    tpu.enqueue_dma source(%arg14 : memref<128x128xf32, #tpu.memory_space<vmem>>) target(%dma_start3A_31 : memref<128x128xf32, #tpu.memory_space<hbm>>) target_semaphore(%arg19 : memref<!tpu.dma_semaphore, #tpu.memory_space<semaphore_mem>>)
    %dma_wait3A_32 = arith.constant 0 : i32
    %dma_wait3A_33 = arith.constant 0 : i32
    %dma_wait3A_34 = tpu.memref_slice %arg3[%dma_wait3A_32, %dma_wait3A_33] : memref<100000x128xf32, #tpu.memory_space<hbm>> -> memref<100000x128xf32, #tpu.memory_space<hbm>>
    tpu.wait_indirect_dma semaphore(%arg20 : memref<!tpu.dma_semaphore, #tpu.memory_space<semaphore_mem>>) src(%dma_wait3A_34 : memref<100000x128xf32, #tpu.memory_space<hbm>>) dst(%arg15 : memref<128x128xf32, #tpu.memory_space<vmem>>)
    %dma_start3A_35 = arith.constant 0 : i32
    %dma_start3A_36 = tpu.memref_slice %arg9[%mul3A_2, %dma_start3A_35] : memref<4096x128xf32, #tpu.memory_space<hbm>> -> memref<128x128xf32, #tpu.memory_space<hbm>>
    %dma_start3A_37 = arith.constant 0 : i32
    %dma_start3A_38 = tpu.memref_slice %arg9[%mul3A_2, %dma_start3A_37] : memref<4096x128xf32, #tpu.memory_space<hbm>> -> memref<128x128xf32, #tpu.memory_space<hbm>>
    tpu.enqueue_dma source(%arg15 : memref<128x128xf32, #tpu.memory_space<vmem>>) target(%dma_start3A_38 : memref<128x128xf32, #tpu.memory_space<hbm>>) target_semaphore(%arg20 : memref<!tpu.dma_semaphore, #tpu.memory_space<semaphore_mem>>)
    %eq3A = arith.constant 0 : i32
    %eq3A_39 = arith.cmpi eq, %add3A, %eq3A : i32
    %convert_element_type3A = arith.extui %eq3A_39 : i1 to i32
    %cond3A = arith.constant 0 : i32
    %cond3A_40 = arith.cmpi ne, %convert_element_type3A, %cond3A : i32
    scf.if %cond3A_40 {
      tpu.enqueue_dma source(%arg6 : memref<32xi32, #tpu.memory_space<hbm>>) target(%arg16 : memref<32xi32, #tpu.memory_space<vmem>>) target_semaphore(%arg21 : memref<!tpu.dma_semaphore, #tpu.memory_space<semaphore_mem>>)
      tpu.wait_dma2 semaphore(%arg21 : memref<!tpu.dma_semaphore, #tpu.memory_space<semaphore_mem>>) src(%arg6 : memref<32xi32, #tpu.memory_space<hbm>>) dst(%arg16 : memref<32xi32, #tpu.memory_space<vmem>>)
      %dma_start3A_53 = arith.constant 0 : i32
      %dma_start3A_54 = arith.constant 0 : i32
      %dma_start3A_55 = tpu.memref_slice %arg2[%dma_start3A_53, %dma_start3A_54] : memref<100000x128xf32, #tpu.memory_space<hbm>> -> memref<100000x128xf32, #tpu.memory_space<hbm>>
      tpu.enqueue_indirect_dma source(%dma_start3A_55 : memref<100000x128xf32, #tpu.memory_space<hbm>>) target(%arg17 : memref<32x128xf32, #tpu.memory_space<vmem>>) offsets(%arg16 : memref<32xi32, #tpu.memory_space<vmem>>) semaphore(%arg21 : memref<!tpu.dma_semaphore, #tpu.memory_space<semaphore_mem>>)
      %dma_wait3A_56 = arith.constant 0 : i32
      %dma_wait3A_57 = arith.constant 0 : i32
      %dma_wait3A_58 = tpu.memref_slice %arg2[%dma_wait3A_56, %dma_wait3A_57] : memref<100000x128xf32, #tpu.memory_space<hbm>> -> memref<100000x128xf32, #tpu.memory_space<hbm>>
      tpu.wait_indirect_dma semaphore(%arg21 : memref<!tpu.dma_semaphore, #tpu.memory_space<semaphore_mem>>) src(%dma_wait3A_58 : memref<100000x128xf32, #tpu.memory_space<hbm>>) dst(%arg17 : memref<32x128xf32, #tpu.memory_space<vmem>>)
      tpu.enqueue_dma source(%arg17 : memref<32x128xf32, #tpu.memory_space<vmem>>) target(%arg10 : memref<32x128xf32, #tpu.memory_space<hbm>>) target_semaphore(%arg21 : memref<!tpu.dma_semaphore, #tpu.memory_space<semaphore_mem>>)
      tpu.wait_dma2 semaphore(%arg21 : memref<!tpu.dma_semaphore, #tpu.memory_space<semaphore_mem>>) src(%arg17 : memref<32x128xf32, #tpu.memory_space<vmem>>) dst(%arg10 : memref<32x128xf32, #tpu.memory_space<hbm>>)
    } else {
    }
    %dma_wait3A_41 = arith.constant 0 : i32
    %dma_wait3A_42 = tpu.memref_slice %arg7[%mul3A_2, %dma_wait3A_41] : memref<4096x128xf32, #tpu.memory_space<hbm>> -> memref<128x128xf32, #tpu.memory_space<hbm>>
    %dma_wait3A_43 = arith.constant 0 : i32
    %dma_wait3A_44 = tpu.memref_slice %arg7[%mul3A_2, %dma_wait3A_43] : memref<4096x128xf32, #tpu.memory_space<hbm>> -> memref<128x128xf32, #tpu.memory_space<hbm>>
    tpu.wait_dma2 semaphore(%arg18 : memref<!tpu.dma_semaphore, #tpu.memory_space<semaphore_mem>>) src(%arg13 : memref<128x128xf32, #tpu.memory_space<vmem>>) dst(%dma_wait3A_44 : memref<128x128xf32, #tpu.memory_space<hbm>>)
    %dma_wait3A_45 = arith.constant 0 : i32
    %dma_wait3A_46 = tpu.memref_slice %arg8[%mul3A_2, %dma_wait3A_45] : memref<4096x128xf32, #tpu.memory_space<hbm>> -> memref<128x128xf32, #tpu.memory_space<hbm>>
    %dma_wait3A_47 = arith.constant 0 : i32
    %dma_wait3A_48 = tpu.memref_slice %arg8[%mul3A_2, %dma_wait3A_47] : memref<4096x128xf32, #tpu.memory_space<hbm>> -> memref<128x128xf32, #tpu.memory_space<hbm>>
    tpu.wait_dma2 semaphore(%arg19 : memref<!tpu.dma_semaphore, #tpu.memory_space<semaphore_mem>>) src(%arg14 : memref<128x128xf32, #tpu.memory_space<vmem>>) dst(%dma_wait3A_48 : memref<128x128xf32, #tpu.memory_space<hbm>>)
    %dma_wait3A_49 = arith.constant 0 : i32
    %dma_wait3A_50 = tpu.memref_slice %arg9[%mul3A_2, %dma_wait3A_49] : memref<4096x128xf32, #tpu.memory_space<hbm>> -> memref<128x128xf32, #tpu.memory_space<hbm>>
    %dma_wait3A_51 = arith.constant 0 : i32
    %dma_wait3A_52 = tpu.memref_slice %arg9[%mul3A_2, %dma_wait3A_51] : memref<4096x128xf32, #tpu.memory_space<hbm>> -> memref<128x128xf32, #tpu.memory_space<hbm>>
    tpu.wait_dma2 semaphore(%arg20 : memref<!tpu.dma_semaphore, #tpu.memory_space<semaphore_mem>>) src(%arg15 : memref<128x128xf32, #tpu.memory_space<vmem>>) dst(%dma_wait3A_52 : memref<128x128xf32, #tpu.memory_space<hbm>>)
    return
  }
}

#map = affine_map<(d0, d1) -> (0, 0)>
#map1 = affine_map<(d0, d1) -> (0)>
module attributes {stable_mosaic.version = 14 : i64} {
  func.func @_k5(%arg0: i32, %arg1: i32, %arg2: memref<100000x128xf32, #tpu.memory_space<hbm>>, %arg3: memref<100000xf32, #tpu.memory_space<hbm>>, %arg4: memref<4096x128xf32, #tpu.memory_space<hbm>>, %arg5: memref<4128x128xf32, #tpu.memory_space<hbm>>, %arg6: memref<4096xi32, #tpu.memory_space<hbm>>, %arg7: memref<4096xi32, #tpu.memory_space<hbm>>, %arg8: memref<4096xi32, #tpu.memory_space<hbm>>, %arg9: memref<4096xi32, #tpu.memory_space<hbm>>, %arg10: memref<4096xf32, #tpu.memory_space<hbm>>, %arg11: memref<100000x128xf32, #tpu.memory_space<hbm>>, %arg12: memref<100000xf32, #tpu.memory_space<hbm>>, %arg13: memref<4096xi32, #tpu.memory_space<vmem>>, %arg14: memref<4096xi32, #tpu.memory_space<vmem>>, %arg15: memref<4096xi32, #tpu.memory_space<vmem>>, %arg16: memref<4096xi32, #tpu.memory_space<vmem>>, %arg17: memref<4096xf32, #tpu.memory_space<vmem>>, %arg18: memref<3128xf32, #tpu.memory_space<vmem>>, %arg19: memref<4128xi32, #tpu.memory_space<vmem>>, %arg20: memref<4128xi32, #tpu.memory_space<vmem>>, %arg21: memref<128xi32, #tpu.memory_space<vmem>>, %arg22: memref<128x128xf32, #tpu.memory_space<vmem>>, %arg23: memref<16xi32, #tpu.memory_space<vmem>>, %arg24: memref<16x128xf32, #tpu.memory_space<vmem>>, %arg25: memref<256x128xf32, #tpu.memory_space<vmem>>, %arg26: memref<256x128xf32, #tpu.memory_space<vmem>>, %arg27: memref<!tpu.dma_semaphore, #tpu.memory_space<semaphore_mem>>, %arg28: memref<!tpu.dma_semaphore, #tpu.memory_space<semaphore_mem>>, %arg29: memref<!tpu.dma_semaphore, #tpu.memory_space<semaphore_mem>>, %arg30: memref<!tpu.dma_semaphore, #tpu.memory_space<semaphore_mem>>, %arg31: memref<!tpu.dma_semaphore, #tpu.memory_space<semaphore_mem>>) attributes {dimension_semantics = [#tpu.dimension_semantics<core_parallel>, #tpu.dimension_semantics<subcore_parallel>], iteration_bounds = array<i64: 2, 16>, scalar_prefetch = 0 : i64, scratch_operands = 19 : i64, tpu.core_type = #tpu.core_type<sc_vector_subcore>, window_params = [{transform_indices = #map}, {transform_indices = #map1}, {transform_indices = #map}, {transform_indices = #map}, {transform_indices = #map1}, {transform_indices = #map1}, {transform_indices = #map1}, {transform_indices = #map1}, {transform_indices = #map1}, {transform_indices = #map}, {transform_indices = #map1}]} {
    %mul3A = arith.constant 2 : i32
    %mul3A_0 = arith.muli %arg1, %mul3A : i32
    %add3A = arith.addi %mul3A_0, %arg0 : i32
    %mul3A_1 = arith.constant 3128 : i32
    %mul3A_2 = arith.muli %add3A, %mul3A_1 : i32
    %add3A_3 = arith.constant 3128 : i32
    %add3A_4 = arith.addi %mul3A_2, %add3A_3 : i32
    %min3A = arith.constant 100000 : i32
    %min3A_5 = arith.minsi %add3A_4, %min3A : i32
    tpu.enqueue_dma source(%arg6 : memref<4096xi32, #tpu.memory_space<hbm>>) target(%arg13 : memref<4096xi32, #tpu.memory_space<vmem>>) target_semaphore(%arg31 : memref<!tpu.dma_semaphore, #tpu.memory_space<semaphore_mem>>)
    tpu.enqueue_dma source(%arg7 : memref<4096xi32, #tpu.memory_space<hbm>>) target(%arg14 : memref<4096xi32, #tpu.memory_space<vmem>>) target_semaphore(%arg31 : memref<!tpu.dma_semaphore, #tpu.memory_space<semaphore_mem>>)
    tpu.enqueue_dma source(%arg8 : memref<4096xi32, #tpu.memory_space<hbm>>) target(%arg15 : memref<4096xi32, #tpu.memory_space<vmem>>) target_semaphore(%arg31 : memref<!tpu.dma_semaphore, #tpu.memory_space<semaphore_mem>>)
    tpu.enqueue_dma source(%arg9 : memref<4096xi32, #tpu.memory_space<hbm>>) target(%arg16 : memref<4096xi32, #tpu.memory_space<vmem>>) target_semaphore(%arg31 : memref<!tpu.dma_semaphore, #tpu.memory_space<semaphore_mem>>)
    tpu.enqueue_dma source(%arg10 : memref<4096xf32, #tpu.memory_space<hbm>>) target(%arg17 : memref<4096xf32, #tpu.memory_space<vmem>>) target_semaphore(%arg31 : memref<!tpu.dma_semaphore, #tpu.memory_space<semaphore_mem>>)
    %iota3A = tpu.iota {dimensions = array<i32: 0>} : vector<16xi32>
    %sub3A = arith.subi %min3A_5, %mul3A_2 : i32
    %jit3A = arith.constant 256 : i32
    %div3A = arith.divsi %sub3A, %jit3A : i32
    %sign3A = arith.constant 0 : i32
    %sign3A_6 = arith.cmpi sgt, %sub3A, %sign3A : i32
    %sign3A_7 = arith.extui %sign3A_6 : i1 to i32
    %sign3A_8 = arith.constant 0 : i32
    %sign3A_9 = arith.cmpi slt, %sub3A, %sign3A_8 : i32
    %sign3A_10 = arith.extui %sign3A_9 : i1 to i32
    %sign3A_11 = arith.subi %sign3A_7, %sign3A_10 : i32
    %sign3A_12 = arith.constant 0 : i32
    %sign3A_13 = arith.cmpi sgt, %jit3A, %sign3A_12 : i32
    %sign3A_14 = arith.extui %sign3A_13 : i1 to i32
    %sign3A_15 = arith.constant 0 : i32
    %sign3A_16 = arith.cmpi slt, %jit3A, %sign3A_15 : i32
    %sign3A_17 = arith.extui %sign3A_16 : i1 to i32
    %sign3A_18 = arith.subi %sign3A_14, %sign3A_17 : i32
    %ne3A = arith.cmpi ne, %sign3A_11, %sign3A_18 : i32
    %rem3A = arith.remsi %sub3A, %jit3A : i32
    %ne3A_19 = arith.constant 0 : i32
    %ne3A_20 = arith.cmpi ne, %rem3A, %ne3A_19 : i32
    %and3A = arith.andi %ne3A, %ne3A_20 : i1
    %sub3A_21 = arith.constant 1 : i32
    %sub3A_22 = arith.subi %div3A, %sub3A_21 : i32
    %select_n3A = arith.select %and3A, %sub3A_22, %div3A : i32
    %jit3A_23 = arith.constant 2 : i32
    %div3A_24 = arith.divsi %select_n3A, %jit3A_23 : i32
    %sign3A_25 = arith.constant 0 : i32
    %sign3A_26 = arith.cmpi sgt, %select_n3A, %sign3A_25 : i32
    %sign3A_27 = arith.extui %sign3A_26 : i1 to i32
    %sign3A_28 = arith.constant 0 : i32
    %sign3A_29 = arith.cmpi slt, %select_n3A, %sign3A_28 : i32
    %sign3A_30 = arith.extui %sign3A_29 : i1 to i32
    %sign3A_31 = arith.subi %sign3A_27, %sign3A_30 : i32
    %sign3A_32 = arith.constant 0 : i32
    %sign3A_33 = arith.cmpi sgt, %jit3A_23, %sign3A_32 : i32
    %sign3A_34 = arith.extui %sign3A_33 : i1 to i32
    %sign3A_35 = arith.constant 0 : i32
    %sign3A_36 = arith.cmpi slt, %jit3A_23, %sign3A_35 : i32
    %sign3A_37 = arith.extui %sign3A_36 : i1 to i32
    %sign3A_38 = arith.subi %sign3A_34, %sign3A_37 : i32
    %ne3A_39 = arith.cmpi ne, %sign3A_31, %sign3A_38 : i32
    %rem3A_40 = arith.remsi %select_n3A, %jit3A_23 : i32
    %ne3A_41 = arith.constant 0 : i32
    %ne3A_42 = arith.cmpi ne, %rem3A_40, %ne3A_41 : i32
    %and3A_43 = arith.andi %ne3A_39, %ne3A_42 : i1
    %sub3A_44 = arith.constant 1 : i32
    %sub3A_45 = arith.subi %div3A_24, %sub3A_44 : i32
    %select_n3A_46 = arith.select %and3A_43, %sub3A_45, %div3A_24 : i32
    %mul3A_47 = arith.constant 2 : i32
    %mul3A_48 = arith.muli %select_n3A_46, %mul3A_47 : i32
    %while3A = arith.constant 0 : i32
    %while3A_49 = scf.while (%while3A_258 = %while3A) : (i32) -> i32 {
      %lt3A_259 = arith.cmpi slt, %while3A_258, %mul3A_48 : i32
      scf.condition(%lt3A_259) %while3A_258 : i32
    } do {
    ^bb0(%while3A_258: i32):
      %mul3A_259 = arith.constant 256 : i32
      %mul3A_260 = arith.muli %while3A_258, %mul3A_259 : i32
      %add3A_261 = arith.addi %mul3A_2, %mul3A_260 : i32
      %add3A_262 = arith.constant 256 : i32
      %add3A_263 = arith.addi %add3A_261, %add3A_262 : i32
      %gt3A_264 = arith.constant 0 : i32
      %gt3A_265 = arith.cmpi sgt, %while3A_258, %gt3A_264 : i32
      %convert_element_type3A_266 = arith.extui %gt3A_265 : i1 to i32
      %cond3A_267 = arith.constant 0 : i32
      %cond3A_268 = arith.cmpi ne, %convert_element_type3A_266, %cond3A_267 : i32
      scf.if %cond3A_268 {
        %dma_wait3A_293 = arith.constant 0 : i32
        %dma_wait3A_294 = tpu.memref_slice %arg11[%mul3A_2, %dma_wait3A_293] : memref<100000x128xf32, #tpu.memory_space<hbm>> -> memref<256x128xf32, #tpu.memory_space<hbm>>
        %dma_wait3A_295 = arith.constant 0 : i32
        %dma_wait3A_296 = tpu.memref_slice %arg11[%mul3A_2, %dma_wait3A_295] : memref<100000x128xf32, #tpu.memory_space<hbm>> -> memref<256x128xf32, #tpu.memory_space<hbm>>
        tpu.wait_dma2 semaphore(%arg29 : memref<!tpu.dma_semaphore, #tpu.memory_space<semaphore_mem>>) src(%arg25 : memref<256x128xf32, #tpu.memory_space<vmem>>) dst(%dma_wait3A_296 : memref<256x128xf32, #tpu.memory_space<hbm>>)
        %dma_wait3A_297 = arith.constant 0 : i32
        %dma_wait3A_298 = tpu.memref_slice %arg11[%mul3A_2, %dma_wait3A_297] : memref<100000x128xf32, #tpu.memory_space<hbm>> -> memref<256x128xf32, #tpu.memory_space<hbm>>
        %dma_wait3A_299 = arith.constant 0 : i32
        %dma_wait3A_300 = tpu.memref_slice %arg11[%mul3A_2, %dma_wait3A_299] : memref<100000x128xf32, #tpu.memory_space<hbm>> -> memref<256x128xf32, #tpu.memory_space<hbm>>
        tpu.wait_dma2 semaphore(%arg30 : memref<!tpu.dma_semaphore, #tpu.memory_space<semaphore_mem>>) src(%arg26 : memref<256x128xf32, #tpu.memory_space<vmem>>) dst(%dma_wait3A_300 : memref<256x128xf32, #tpu.memory_space<hbm>>)
      } else {
      }
      %dma_start3A = arith.constant 0 : i32
      %dma_start3A_269 = tpu.memref_slice %arg2[%add3A_261, %dma_start3A] : memref<100000x128xf32, #tpu.memory_space<hbm>> -> memref<256x128xf32, #tpu.memory_space<hbm>>
      %dma_start3A_270 = arith.constant 0 : i32
      %dma_start3A_271 = tpu.memref_slice %arg2[%add3A_261, %dma_start3A_270] : memref<100000x128xf32, #tpu.memory_space<hbm>> -> memref<256x128xf32, #tpu.memory_space<hbm>>
      tpu.enqueue_dma source(%dma_start3A_271 : memref<256x128xf32, #tpu.memory_space<hbm>>) target(%arg25 : memref<256x128xf32, #tpu.memory_space<vmem>>) target_semaphore(%arg27 : memref<!tpu.dma_semaphore, #tpu.memory_space<semaphore_mem>>)
      %dma_start3A_272 = arith.constant 0 : i32
      %dma_start3A_273 = tpu.memref_slice %arg2[%add3A_263, %dma_start3A_272] : memref<100000x128xf32, #tpu.memory_space<hbm>> -> memref<256x128xf32, #tpu.memory_space<hbm>>
      %dma_start3A_274 = arith.constant 0 : i32
      %dma_start3A_275 = tpu.memref_slice %arg2[%add3A_263, %dma_start3A_274] : memref<100000x128xf32, #tpu.memory_space<hbm>> -> memref<256x128xf32, #tpu.memory_space<hbm>>
      tpu.enqueue_dma source(%dma_start3A_275 : memref<256x128xf32, #tpu.memory_space<hbm>>) target(%arg26 : memref<256x128xf32, #tpu.memory_space<vmem>>) target_semaphore(%arg28 : memref<!tpu.dma_semaphore, #tpu.memory_space<semaphore_mem>>)
      %dma_wait3A = arith.constant 0 : i32
      %dma_wait3A_276 = tpu.memref_slice %arg2[%add3A_261, %dma_wait3A] : memref<100000x128xf32, #tpu.memory_space<hbm>> -> memref<256x128xf32, #tpu.memory_space<hbm>>
      %dma_wait3A_277 = arith.constant 0 : i32
      %dma_wait3A_278 = tpu.memref_slice %arg2[%add3A_261, %dma_wait3A_277] : memref<100000x128xf32, #tpu.memory_space<hbm>> -> memref<256x128xf32, #tpu.memory_space<hbm>>
      tpu.wait_dma2 semaphore(%arg27 : memref<!tpu.dma_semaphore, #tpu.memory_space<semaphore_mem>>) src(%dma_wait3A_278 : memref<256x128xf32, #tpu.memory_space<hbm>>) dst(%arg25 : memref<256x128xf32, #tpu.memory_space<vmem>>)
      %dma_start3A_279 = arith.constant 0 : i32
      %dma_start3A_280 = tpu.memref_slice %arg11[%add3A_261, %dma_start3A_279] : memref<100000x128xf32, #tpu.memory_space<hbm>> -> memref<256x128xf32, #tpu.memory_space<hbm>>
      %dma_start3A_281 = arith.constant 0 : i32
      %dma_start3A_282 = tpu.memref_slice %arg11[%add3A_261, %dma_start3A_281] : memref<100000x128xf32, #tpu.memory_space<hbm>> -> memref<256x128xf32, #tpu.memory_space<hbm>>
      tpu.enqueue_dma source(%arg25 : memref<256x128xf32, #tpu.memory_space<vmem>>) target(%dma_start3A_282 : memref<256x128xf32, #tpu.memory_space<hbm>>) target_semaphore(%arg29 : memref<!tpu.dma_semaphore, #tpu.memory_space<semaphore_mem>>)
      %dma_wait3A_283 = arith.constant 0 : i32
      %dma_wait3A_284 = tpu.memref_slice %arg2[%add3A_263, %dma_wait3A_283] : memref<100000x128xf32, #tpu.memory_space<hbm>> -> memref<256x128xf32, #tpu.memory_space<hbm>>
      %dma_wait3A_285 = arith.constant 0 : i32
      %dma_wait3A_286 = tpu.memref_slice %arg2[%add3A_263, %dma_wait3A_285] : memref<100000x128xf32, #tpu.memory_space<hbm>> -> memref<256x128xf32, #tpu.memory_space<hbm>>
      tpu.wait_dma2 semaphore(%arg28 : memref<!tpu.dma_semaphore, #tpu.memory_space<semaphore_mem>>) src(%dma_wait3A_286 : memref<256x128xf32, #tpu.memory_space<hbm>>) dst(%arg26 : memref<256x128xf32, #tpu.memory_space<vmem>>)
      %dma_start3A_287 = arith.constant 0 : i32
      %dma_start3A_288 = tpu.memref_slice %arg11[%add3A_263, %dma_start3A_287] : memref<100000x128xf32, #tpu.memory_space<hbm>> -> memref<256x128xf32, #tpu.memory_space<hbm>>
      %dma_start3A_289 = arith.constant 0 : i32
      %dma_start3A_290 = tpu.memref_slice %arg11[%add3A_263, %dma_start3A_289] : memref<100000x128xf32, #tpu.memory_space<hbm>> -> memref<256x128xf32, #tpu.memory_space<hbm>>
      tpu.enqueue_dma source(%arg26 : memref<256x128xf32, #tpu.memory_space<vmem>>) target(%dma_start3A_290 : memref<256x128xf32, #tpu.memory_space<hbm>>) target_semaphore(%arg30 : memref<!tpu.dma_semaphore, #tpu.memory_space<semaphore_mem>>)
      %add3A_291 = arith.constant 2 : i32
      %add3A_292 = arith.addi %while3A_258, %add3A_291 : i32
      scf.yield %add3A_292 : i32
    }
    %gt3A = arith.constant 0 : i32
    %gt3A_50 = arith.cmpi sgt, %mul3A_48, %gt3A : i32
    %convert_element_type3A = arith.extui %gt3A_50 : i1 to i32
    %cond3A = arith.constant 0 : i32
    %cond3A_51 = arith.cmpi ne, %convert_element_type3A, %cond3A : i32
    scf.if %cond3A_51 {
      %dma_wait3A = arith.constant 0 : i32
      %dma_wait3A_258 = tpu.memref_slice %arg11[%mul3A_2, %dma_wait3A] : memref<100000x128xf32, #tpu.memory_space<hbm>> -> memref<256x128xf32, #tpu.memory_space<hbm>>
      %dma_wait3A_259 = arith.constant 0 : i32
      %dma_wait3A_260 = tpu.memref_slice %arg11[%mul3A_2, %dma_wait3A_259] : memref<100000x128xf32, #tpu.memory_space<hbm>> -> memref<256x128xf32, #tpu.memory_space<hbm>>
      tpu.wait_dma2 semaphore(%arg29 : memref<!tpu.dma_semaphore, #tpu.memory_space<semaphore_mem>>) src(%arg25 : memref<256x128xf32, #tpu.memory_space<vmem>>) dst(%dma_wait3A_260 : memref<256x128xf32, #tpu.memory_space<hbm>>)
      %dma_wait3A_261 = arith.constant 0 : i32
      %dma_wait3A_262 = tpu.memref_slice %arg11[%mul3A_2, %dma_wait3A_261] : memref<100000x128xf32, #tpu.memory_space<hbm>> -> memref<256x128xf32, #tpu.memory_space<hbm>>
      %dma_wait3A_263 = arith.constant 0 : i32
      %dma_wait3A_264 = tpu.memref_slice %arg11[%mul3A_2, %dma_wait3A_263] : memref<100000x128xf32, #tpu.memory_space<hbm>> -> memref<256x128xf32, #tpu.memory_space<hbm>>
      tpu.wait_dma2 semaphore(%arg30 : memref<!tpu.dma_semaphore, #tpu.memory_space<semaphore_mem>>) src(%arg26 : memref<256x128xf32, #tpu.memory_space<vmem>>) dst(%dma_wait3A_264 : memref<256x128xf32, #tpu.memory_space<hbm>>)
    } else {
    }
    %gt3A_52 = arith.cmpi sgt, %select_n3A, %mul3A_48 : i32
    %convert_element_type3A_53 = arith.extui %gt3A_52 : i1 to i32
    %cond3A_54 = arith.constant 0 : i32
    %cond3A_55 = arith.cmpi ne, %convert_element_type3A_53, %cond3A_54 : i32
    scf.if %cond3A_55 {
      %mul3A_258 = arith.constant 256 : i32
      %mul3A_259 = arith.muli %mul3A_48, %mul3A_258 : i32
      %add3A_260 = arith.addi %mul3A_2, %mul3A_259 : i32
      "tpu.region"() ({
        %run_scoped3A = tpu.sem_alloc : memref<!tpu.dma_semaphore, #tpu.memory_space<semaphore_mem>>
        %dma_start3A = arith.constant 0 : i32
        %dma_start3A_261 = tpu.memref_slice %arg2[%add3A_260, %dma_start3A] : memref<100000x128xf32, #tpu.memory_space<hbm>> -> memref<256x128xf32, #tpu.memory_space<hbm>>
        %dma_start3A_262 = arith.constant 0 : i32
        %dma_start3A_263 = tpu.memref_slice %arg2[%add3A_260, %dma_start3A_262] : memref<100000x128xf32, #tpu.memory_space<hbm>> -> memref<256x128xf32, #tpu.memory_space<hbm>>
        tpu.enqueue_dma source(%dma_start3A_263 : memref<256x128xf32, #tpu.memory_space<hbm>>) target(%arg25 : memref<256x128xf32, #tpu.memory_space<vmem>>) target_semaphore(%run_scoped3A : memref<!tpu.dma_semaphore, #tpu.memory_space<semaphore_mem>>)
        %dma_wait3A = arith.constant 0 : i32
        %dma_wait3A_264 = tpu.memref_slice %arg2[%add3A_260, %dma_wait3A] : memref<100000x128xf32, #tpu.memory_space<hbm>> -> memref<256x128xf32, #tpu.memory_space<hbm>>
        %dma_wait3A_265 = arith.constant 0 : i32
        %dma_wait3A_266 = tpu.memref_slice %arg2[%add3A_260, %dma_wait3A_265] : memref<100000x128xf32, #tpu.memory_space<hbm>> -> memref<256x128xf32, #tpu.memory_space<hbm>>
        tpu.wait_dma2 semaphore(%run_scoped3A : memref<!tpu.dma_semaphore, #tpu.memory_space<semaphore_mem>>) src(%dma_wait3A_266 : memref<256x128xf32, #tpu.memory_space<hbm>>) dst(%arg25 : memref<256x128xf32, #tpu.memory_space<vmem>>)
        tpu.yield
      }) : () -> ()
      "tpu.region"() ({
        %run_scoped3A = tpu.sem_alloc : memref<!tpu.dma_semaphore, #tpu.memory_space<semaphore_mem>>
        %dma_start3A = arith.constant 0 : i32
        %dma_start3A_261 = tpu.memref_slice %arg11[%add3A_260, %dma_start3A] : memref<100000x128xf32, #tpu.memory_space<hbm>> -> memref<256x128xf32, #tpu.memory_space<hbm>>
        %dma_start3A_262 = arith.constant 0 : i32
        %dma_start3A_263 = tpu.memref_slice %arg11[%add3A_260, %dma_start3A_262] : memref<100000x128xf32, #tpu.memory_space<hbm>> -> memref<256x128xf32, #tpu.memory_space<hbm>>
        tpu.enqueue_dma source(%arg25 : memref<256x128xf32, #tpu.memory_space<vmem>>) target(%dma_start3A_263 : memref<256x128xf32, #tpu.memory_space<hbm>>) target_semaphore(%run_scoped3A : memref<!tpu.dma_semaphore, #tpu.memory_space<semaphore_mem>>)
        %dma_wait3A = arith.constant 0 : i32
        %dma_wait3A_264 = tpu.memref_slice %arg11[%add3A_260, %dma_wait3A] : memref<100000x128xf32, #tpu.memory_space<hbm>> -> memref<256x128xf32, #tpu.memory_space<hbm>>
        %dma_wait3A_265 = arith.constant 0 : i32
        %dma_wait3A_266 = tpu.memref_slice %arg11[%add3A_260, %dma_wait3A_265] : memref<100000x128xf32, #tpu.memory_space<hbm>> -> memref<256x128xf32, #tpu.memory_space<hbm>>
        tpu.wait_dma2 semaphore(%run_scoped3A : memref<!tpu.dma_semaphore, #tpu.memory_space<semaphore_mem>>) src(%arg25 : memref<256x128xf32, #tpu.memory_space<vmem>>) dst(%dma_wait3A_266 : memref<256x128xf32, #tpu.memory_space<hbm>>)
        tpu.yield
      }) : () -> ()
    } else {
    }
    %lt3A = arith.constant 31 : i32
    %lt3A_56 = arith.cmpi slt, %add3A, %lt3A : i32
    %convert_element_type3A_57 = arith.extui %lt3A_56 : i1 to i32
    %cond3A_58 = arith.constant 0 : i32
    %cond3A_59 = arith.cmpi ne, %convert_element_type3A_57, %cond3A_58 : i32
    scf.if %cond3A_59 {
      %add3A_258 = arith.constant 3072 : i32
      %add3A_259 = arith.addi %mul3A_2, %add3A_258 : i32
      "tpu.region"() ({
        %run_scoped3A = tpu.sem_alloc : memref<!tpu.dma_semaphore, #tpu.memory_space<semaphore_mem>>
        %dma_start3A = arith.constant 0 : i32
        %dma_start3A_262 = arith.constant 0 : i32
        %dma_start3A_263 = tpu.memref_slice %arg25[%dma_start3A, %dma_start3A_262] : memref<256x128xf32, #tpu.memory_space<vmem>> -> memref<56x128xf32, #tpu.memory_space<vmem>>
        %dma_start3A_264 = arith.constant 0 : i32
        %dma_start3A_265 = tpu.memref_slice %arg2[%add3A_259, %dma_start3A_264] : memref<100000x128xf32, #tpu.memory_space<hbm>> -> memref<56x128xf32, #tpu.memory_space<hbm>>
        %dma_start3A_266 = arith.constant 0 : i32
        %dma_start3A_267 = arith.constant 0 : i32
        %dma_start3A_268 = tpu.memref_slice %arg25[%dma_start3A_266, %dma_start3A_267] : memref<256x128xf32, #tpu.memory_space<vmem>> -> memref<56x128xf32, #tpu.memory_space<vmem>>
        %dma_start3A_269 = arith.constant 0 : i32
        %dma_start3A_270 = tpu.memref_slice %arg2[%add3A_259, %dma_start3A_269] : memref<100000x128xf32, #tpu.memory_space<hbm>> -> memref<56x128xf32, #tpu.memory_space<hbm>>
        tpu.enqueue_dma source(%dma_start3A_270 : memref<56x128xf32, #tpu.memory_space<hbm>>) target(%dma_start3A_268 : memref<56x128xf32, #tpu.memory_space<vmem>>) target_semaphore(%run_scoped3A : memref<!tpu.dma_semaphore, #tpu.memory_space<semaphore_mem>>)
        %dma_wait3A = arith.constant 0 : i32
        %dma_wait3A_271 = arith.constant 0 : i32
        %dma_wait3A_272 = tpu.memref_slice %arg25[%dma_wait3A, %dma_wait3A_271] : memref<256x128xf32, #tpu.memory_space<vmem>> -> memref<56x128xf32, #tpu.memory_space<vmem>>
        %dma_wait3A_273 = arith.constant 0 : i32
        %dma_wait3A_274 = tpu.memref_slice %arg2[%add3A_259, %dma_wait3A_273] : memref<100000x128xf32, #tpu.memory_space<hbm>> -> memref<56x128xf32, #tpu.memory_space<hbm>>
        %dma_wait3A_275 = arith.constant 0 : i32
        %dma_wait3A_276 = arith.constant 0 : i32
        %dma_wait3A_277 = tpu.memref_slice %arg25[%dma_wait3A_275, %dma_wait3A_276] : memref<256x128xf32, #tpu.memory_space<vmem>> -> memref<56x128xf32, #tpu.memory_space<vmem>>
        %dma_wait3A_278 = arith.constant 0 : i32
        %dma_wait3A_279 = tpu.memref_slice %arg2[%add3A_259, %dma_wait3A_278] : memref<100000x128xf32, #tpu.memory_space<hbm>> -> memref<56x128xf32, #tpu.memory_space<hbm>>
        tpu.wait_dma2 semaphore(%run_scoped3A : memref<!tpu.dma_semaphore, #tpu.memory_space<semaphore_mem>>) src(%dma_wait3A_279 : memref<56x128xf32, #tpu.memory_space<hbm>>) dst(%dma_wait3A_277 : memref<56x128xf32, #tpu.memory_space<vmem>>)
        tpu.yield
      }) : () -> ()
      %add3A_260 = arith.constant 3072 : i32
      %add3A_261 = arith.addi %mul3A_2, %add3A_260 : i32
      "tpu.region"() ({
        %run_scoped3A = tpu.sem_alloc : memref<!tpu.dma_semaphore, #tpu.memory_space<semaphore_mem>>
        %dma_start3A = arith.constant 0 : i32
        %dma_start3A_262 = arith.constant 0 : i32
        %dma_start3A_263 = tpu.memref_slice %arg25[%dma_start3A, %dma_start3A_262] : memref<256x128xf32, #tpu.memory_space<vmem>> -> memref<56x128xf32, #tpu.memory_space<vmem>>
        %dma_start3A_264 = arith.constant 0 : i32
        %dma_start3A_265 = tpu.memref_slice %arg11[%add3A_261, %dma_start3A_264] : memref<100000x128xf32, #tpu.memory_space<hbm>> -> memref<56x128xf32, #tpu.memory_space<hbm>>
        %dma_start3A_266 = arith.constant 0 : i32
        %dma_start3A_267 = tpu.memref_slice %arg11[%add3A_261, %dma_start3A_266] : memref<100000x128xf32, #tpu.memory_space<hbm>> -> memref<56x128xf32, #tpu.memory_space<hbm>>
        %dma_start3A_268 = arith.constant 0 : i32
        %dma_start3A_269 = arith.constant 0 : i32
        %dma_start3A_270 = tpu.memref_slice %arg25[%dma_start3A_268, %dma_start3A_269] : memref<256x128xf32, #tpu.memory_space<vmem>> -> memref<56x128xf32, #tpu.memory_space<vmem>>
        tpu.enqueue_dma source(%dma_start3A_270 : memref<56x128xf32, #tpu.memory_space<vmem>>) target(%dma_start3A_267 : memref<56x128xf32, #tpu.memory_space<hbm>>) target_semaphore(%run_scoped3A : memref<!tpu.dma_semaphore, #tpu.memory_space<semaphore_mem>>)
        %dma_wait3A = arith.constant 0 : i32
        %dma_wait3A_271 = arith.constant 0 : i32
        %dma_wait3A_272 = tpu.memref_slice %arg25[%dma_wait3A, %dma_wait3A_271] : memref<256x128xf32, #tpu.memory_space<vmem>> -> memref<56x128xf32, #tpu.memory_space<vmem>>
        %dma_wait3A_273 = arith.constant 0 : i32
        %dma_wait3A_274 = tpu.memref_slice %arg11[%add3A_261, %dma_wait3A_273] : memref<100000x128xf32, #tpu.memory_space<hbm>> -> memref<56x128xf32, #tpu.memory_space<hbm>>
        %dma_wait3A_275 = arith.constant 0 : i32
        %dma_wait3A_276 = tpu.memref_slice %arg11[%add3A_261, %dma_wait3A_275] : memref<100000x128xf32, #tpu.memory_space<hbm>> -> memref<56x128xf32, #tpu.memory_space<hbm>>
        %dma_wait3A_277 = arith.constant 0 : i32
        %dma_wait3A_278 = arith.constant 0 : i32
        %dma_wait3A_279 = tpu.memref_slice %arg25[%dma_wait3A_277, %dma_wait3A_278] : memref<256x128xf32, #tpu.memory_space<vmem>> -> memref<56x128xf32, #tpu.memory_space<vmem>>
        tpu.wait_dma2 semaphore(%run_scoped3A : memref<!tpu.dma_semaphore, #tpu.memory_space<semaphore_mem>>) src(%dma_wait3A_279 : memref<56x128xf32, #tpu.memory_space<vmem>>) dst(%dma_wait3A_276 : memref<56x128xf32, #tpu.memory_space<hbm>>)
        tpu.yield
      }) : () -> ()
    } else {
    }
    %eq3A = arith.constant 31 : i32
    %eq3A_60 = arith.cmpi eq, %add3A, %eq3A : i32
    %convert_element_type3A_61 = arith.extui %eq3A_60 : i1 to i32
    %cond3A_62 = arith.constant 0 : i32
    %cond3A_63 = arith.cmpi ne, %convert_element_type3A_61, %cond3A_62 : i32
    scf.if %cond3A_63 {
      %add3A_258 = arith.constant 2816 : i32
      %add3A_259 = arith.addi %mul3A_2, %add3A_258 : i32
      "tpu.region"() ({
        %run_scoped3A = tpu.sem_alloc : memref<!tpu.dma_semaphore, #tpu.memory_space<semaphore_mem>>
        %dma_start3A = arith.constant 0 : i32
        %dma_start3A_262 = arith.constant 0 : i32
        %dma_start3A_263 = tpu.memref_slice %arg25[%dma_start3A, %dma_start3A_262] : memref<256x128xf32, #tpu.memory_space<vmem>> -> memref<216x128xf32, #tpu.memory_space<vmem>>
        %dma_start3A_264 = arith.constant 0 : i32
        %dma_start3A_265 = tpu.memref_slice %arg2[%add3A_259, %dma_start3A_264] : memref<100000x128xf32, #tpu.memory_space<hbm>> -> memref<216x128xf32, #tpu.memory_space<hbm>>
        %dma_start3A_266 = arith.constant 0 : i32
        %dma_start3A_267 = arith.constant 0 : i32
        %dma_start3A_268 = tpu.memref_slice %arg25[%dma_start3A_266, %dma_start3A_267] : memref<256x128xf32, #tpu.memory_space<vmem>> -> memref<216x128xf32, #tpu.memory_space<vmem>>
        %dma_start3A_269 = arith.constant 0 : i32
        %dma_start3A_270 = tpu.memref_slice %arg2[%add3A_259, %dma_start3A_269] : memref<100000x128xf32, #tpu.memory_space<hbm>> -> memref<216x128xf32, #tpu.memory_space<hbm>>
        tpu.enqueue_dma source(%dma_start3A_270 : memref<216x128xf32, #tpu.memory_space<hbm>>) target(%dma_start3A_268 : memref<216x128xf32, #tpu.memory_space<vmem>>) target_semaphore(%run_scoped3A : memref<!tpu.dma_semaphore, #tpu.memory_space<semaphore_mem>>)
        %dma_wait3A = arith.constant 0 : i32
        %dma_wait3A_271 = arith.constant 0 : i32
        %dma_wait3A_272 = tpu.memref_slice %arg25[%dma_wait3A, %dma_wait3A_271] : memref<256x128xf32, #tpu.memory_space<vmem>> -> memref<216x128xf32, #tpu.memory_space<vmem>>
        %dma_wait3A_273 = arith.constant 0 : i32
        %dma_wait3A_274 = tpu.memref_slice %arg2[%add3A_259, %dma_wait3A_273] : memref<100000x128xf32, #tpu.memory_space<hbm>> -> memref<216x128xf32, #tpu.memory_space<hbm>>
        %dma_wait3A_275 = arith.constant 0 : i32
        %dma_wait3A_276 = arith.constant 0 : i32
        %dma_wait3A_277 = tpu.memref_slice %arg25[%dma_wait3A_275, %dma_wait3A_276] : memref<256x128xf32, #tpu.memory_space<vmem>> -> memref<216x128xf32, #tpu.memory_space<vmem>>
        %dma_wait3A_278 = arith.constant 0 : i32
        %dma_wait3A_279 = tpu.memref_slice %arg2[%add3A_259, %dma_wait3A_278] : memref<100000x128xf32, #tpu.memory_space<hbm>> -> memref<216x128xf32, #tpu.memory_space<hbm>>
        tpu.wait_dma2 semaphore(%run_scoped3A : memref<!tpu.dma_semaphore, #tpu.memory_space<semaphore_mem>>) src(%dma_wait3A_279 : memref<216x128xf32, #tpu.memory_space<hbm>>) dst(%dma_wait3A_277 : memref<216x128xf32, #tpu.memory_space<vmem>>)
        tpu.yield
      }) : () -> ()
      %add3A_260 = arith.constant 2816 : i32
      %add3A_261 = arith.addi %mul3A_2, %add3A_260 : i32
      "tpu.region"() ({
        %run_scoped3A = tpu.sem_alloc : memref<!tpu.dma_semaphore, #tpu.memory_space<semaphore_mem>>
        %dma_start3A = arith.constant 0 : i32
        %dma_start3A_262 = arith.constant 0 : i32
        %dma_start3A_263 = tpu.memref_slice %arg25[%dma_start3A, %dma_start3A_262] : memref<256x128xf32, #tpu.memory_space<vmem>> -> memref<216x128xf32, #tpu.memory_space<vmem>>
        %dma_start3A_264 = arith.constant 0 : i32
        %dma_start3A_265 = tpu.memref_slice %arg11[%add3A_261, %dma_start3A_264] : memref<100000x128xf32, #tpu.memory_space<hbm>> -> memref<216x128xf32, #tpu.memory_space<hbm>>
        %dma_start3A_266 = arith.constant 0 : i32
        %dma_start3A_267 = tpu.memref_slice %arg11[%add3A_261, %dma_start3A_266] : memref<100000x128xf32, #tpu.memory_space<hbm>> -> memref<216x128xf32, #tpu.memory_space<hbm>>
        %dma_start3A_268 = arith.constant 0 : i32
        %dma_start3A_269 = arith.constant 0 : i32
        %dma_start3A_270 = tpu.memref_slice %arg25[%dma_start3A_268, %dma_start3A_269] : memref<256x128xf32, #tpu.memory_space<vmem>> -> memref<216x128xf32, #tpu.memory_space<vmem>>
        tpu.enqueue_dma source(%dma_start3A_270 : memref<216x128xf32, #tpu.memory_space<vmem>>) target(%dma_start3A_267 : memref<216x128xf32, #tpu.memory_space<hbm>>) target_semaphore(%run_scoped3A : memref<!tpu.dma_semaphore, #tpu.memory_space<semaphore_mem>>)
        %dma_wait3A = arith.constant 0 : i32
        %dma_wait3A_271 = arith.constant 0 : i32
        %dma_wait3A_272 = tpu.memref_slice %arg25[%dma_wait3A, %dma_wait3A_271] : memref<256x128xf32, #tpu.memory_space<vmem>> -> memref<216x128xf32, #tpu.memory_space<vmem>>
        %dma_wait3A_273 = arith.constant 0 : i32
        %dma_wait3A_274 = tpu.memref_slice %arg11[%add3A_261, %dma_wait3A_273] : memref<100000x128xf32, #tpu.memory_space<hbm>> -> memref<216x128xf32, #tpu.memory_space<hbm>>
        %dma_wait3A_275 = arith.constant 0 : i32
        %dma_wait3A_276 = tpu.memref_slice %arg11[%add3A_261, %dma_wait3A_275] : memref<100000x128xf32, #tpu.memory_space<hbm>> -> memref<216x128xf32, #tpu.memory_space<hbm>>
        %dma_wait3A_277 = arith.constant 0 : i32
        %dma_wait3A_278 = arith.constant 0 : i32
        %dma_wait3A_279 = tpu.memref_slice %arg25[%dma_wait3A_277, %dma_wait3A_278] : memref<256x128xf32, #tpu.memory_space<vmem>> -> memref<216x128xf32, #tpu.memory_space<vmem>>
        tpu.wait_dma2 semaphore(%run_scoped3A : memref<!tpu.dma_semaphore, #tpu.memory_space<semaphore_mem>>) src(%dma_wait3A_279 : memref<216x128xf32, #tpu.memory_space<vmem>>) dst(%dma_wait3A_276 : memref<216x128xf32, #tpu.memory_space<hbm>>)
        tpu.yield
      }) : () -> ()
    } else {
    }
    tpu.wait_dma2 semaphore(%arg31 : memref<!tpu.dma_semaphore, #tpu.memory_space<semaphore_mem>>) src(%arg6 : memref<4096xi32, #tpu.memory_space<hbm>>) dst(%arg13 : memref<4096xi32, #tpu.memory_space<vmem>>)
    tpu.wait_dma2 semaphore(%arg31 : memref<!tpu.dma_semaphore, #tpu.memory_space<semaphore_mem>>) src(%arg7 : memref<4096xi32, #tpu.memory_space<hbm>>) dst(%arg14 : memref<4096xi32, #tpu.memory_space<vmem>>)
    tpu.wait_dma2 semaphore(%arg31 : memref<!tpu.dma_semaphore, #tpu.memory_space<semaphore_mem>>) src(%arg8 : memref<4096xi32, #tpu.memory_space<hbm>>) dst(%arg15 : memref<4096xi32, #tpu.memory_space<vmem>>)
    tpu.wait_dma2 semaphore(%arg31 : memref<!tpu.dma_semaphore, #tpu.memory_space<semaphore_mem>>) src(%arg9 : memref<4096xi32, #tpu.memory_space<hbm>>) dst(%arg16 : memref<4096xi32, #tpu.memory_space<vmem>>)
    tpu.wait_dma2 semaphore(%arg31 : memref<!tpu.dma_semaphore, #tpu.memory_space<semaphore_mem>>) src(%arg10 : memref<4096xf32, #tpu.memory_space<hbm>>) dst(%arg17 : memref<4096xf32, #tpu.memory_space<vmem>>)
    %mul3A_64 = arith.constant 16 : i32
    %mul3A_65 = arith.muli %add3A, %mul3A_64 : i32
    %add3A_66 = vector.broadcast %mul3A_65 : i32 to vector<16xi32>
    %add3A_67 = arith.addi %iota3A, %add3A_66 : vector<16xi32>
    %scan3A = arith.constant 0 : i32
    %scan3A_68 = arith.constant 0 : i32
    %scan3A_69 = arith.constant 256 : i32
    %scan3A_70 = arith.addi %scan3A_68, %scan3A_69 : i32
    %scan3A_71 = arith.constant 1 : i32
    %scan3A_72 = scf.for %scan3A_258 = %scan3A_68 to %scan3A_70 step %scan3A_71 iter_args(%scan3A_259 = %scan3A) -> (i32)  : i32 {
      %mul3A_260 = arith.constant 16 : i32
      %mul3A_261 = arith.muli %scan3A_258, %mul3A_260 : i32
      %get3A = arith.index_cast %mul3A_261 : i32 to index
      %get3A_262 = tpu.vector_load %arg13[%get3A] {strides = array<i32>} : memref<4096xi32, #tpu.memory_space<vmem>>, vector<16xi32>,
      %get3A_263 = arith.index_cast %mul3A_261 : i32 to index
      %get3A_264 = tpu.vector_load %arg14[%get3A_263] {strides = array<i32>} : memref<4096xi32, #tpu.memory_space<vmem>>, vector<16xi32>,
      %ge3A = vector.broadcast %mul3A_2 : i32 to vector<16xi32>
      %ge3A_265 = arith.cmpi sge, %get3A_262, %ge3A : vector<16xi32>
      %lt3A_266 = vector.broadcast %min3A_5 : i32 to vector<16xi32>
      %lt3A_267 = arith.cmpi slt, %get3A_262, %lt3A_266 : vector<16xi32>
      %and3A_268 = arith.andi %ge3A_265, %lt3A_267 : vector<16xi1>
      %gt3A_269 = arith.constant 0 : i32
      %gt3A_270 = vector.broadcast %gt3A_269 : i32 to vector<16xi32>
      %gt3A_271 = arith.cmpi sgt, %get3A_264, %gt3A_270 : vector<16xi32>
      %and3A_272 = arith.andi %and3A_268, %gt3A_271 : vector<16xi1>
      %jit3A_273 = arith.constant 1 : i32
      %jit3A_274 = arith.constant 0 : i32
      %broadcast_in_dim3A_275 = vector.broadcast %jit3A_273 : i32 to vector<16xi32>
      %broadcast_in_dim3A_276 = vector.broadcast %jit3A_274 : i32 to vector<16xi32>
      %select_n3A_277 = arith.select %and3A_272, %broadcast_in_dim3A_275, %broadcast_in_dim3A_276 : vector<16xi1>, vector<16xi32>
      %broadcast_in_dim3A_278 = arith.constant true
      %broadcast_in_dim3A_279 = vector.broadcast %broadcast_in_dim3A_278 : i1 to vector<16xi1>
      %masked_cumsum3A = tpu.scan <sum>, %select_n3A_277 masked %broadcast_in_dim3A_279 : vector<16xi32>, vector<16xi1> -> vector<16xi32>
      %add3A_280 = vector.broadcast %scan3A_259 : i32 to vector<16xi32>
      %add3A_281 = arith.addi %add3A_280, %masked_cumsum3A : vector<16xi32>
      %sub3A_282 = arith.constant 1 : i32
      %sub3A_283 = vector.broadcast %sub3A_282 : i32 to vector<16xi32>
      %sub3A_284 = arith.subi %add3A_281, %sub3A_283 : vector<16xi32>
      tpu.vector_store_idx %arg19[%sub3A_284], %get3A_262 masked %and3A_272 : memref<4128xi32, #tpu.memory_space<vmem>>[vector<16xi32>], vector<16xi32>, vector<16xi1>
      %mul3A_285 = arith.constant 16 : i32
      %mul3A_286 = arith.muli %scan3A_258, %mul3A_285 : i32
      %add3A_287 = vector.broadcast %mul3A_286 : i32 to vector<16xi32>
      %add3A_288 = arith.addi %iota3A, %add3A_287 : vector<16xi32>
      tpu.vector_store_idx %arg20[%sub3A_284], %add3A_288 masked %and3A_272 : memref<4128xi32, #tpu.memory_space<vmem>>[vector<16xi32>], vector<16xi32>, vector<16xi1>
      %reduce_max3A = arith.constant true
      %reduce_max3A_289 = vector.broadcast %reduce_max3A : i1 to vector<16xi1>
      %reduce_max3A_290 = arith.constant -2147483648 : i32
      %reduce_max3A_291 = vector.broadcast %reduce_max3A_290 : i32 to vector<16xi32>
      %reduce_max3A_292 = arith.xori %masked_cumsum3A, %reduce_max3A_291 : vector<16xi32>
      %reduce_max3A_293 = tpu.scan <max>, %reduce_max3A_292 masked %reduce_max3A_289 : vector<16xi32>, vector<16xi1> -> vector<16xi32>
      %reduce_max3A_294 = arith.xori %reduce_max3A_293, %reduce_max3A_291 : vector<16xi32>
      %reduce_max3A_295 = vector.extract %reduce_max3A_294[15] : i32 from vector<16xi32>
      %add3A_296 = arith.addi %scan3A_259, %reduce_max3A_295 : i32
      scf.yield %add3A_296 : i32
    }
    %scan3A_73 = arith.constant 256 : i32
    %broadcast_in_dim3A = vector.broadcast %mul3A_2 : i32 to vector<16xi32>
    %add3A_74 = arith.constant 0 : i32
    %add3A_75 = arith.addi %scan3A_72, %add3A_74 : i32
    %swap3A = arith.index_cast %add3A_75 : i32 to index
    %swap3A_76 = tpu.vector_load %arg19[%swap3A] {strides = array<i32>} : memref<4128xi32, #tpu.memory_space<vmem>>, vector<16xi32>,
    tpu.vector_store %arg19[%swap3A], %broadcast_in_dim3A {strides = array<i32>} : memref<4128xi32, #tpu.memory_space<vmem>>, vector<16xi32>,
    %add3A_77 = arith.constant 0 : i32
    %add3A_78 = arith.addi %scan3A_72, %add3A_77 : i32
    %swap3A_79 = arith.index_cast %add3A_78 : i32 to index
    %swap3A_80 = tpu.vector_load %arg20[%swap3A_79] {strides = array<i32>} : memref<4128xi32, #tpu.memory_space<vmem>>, vector<16xi32>,
    tpu.vector_store %arg20[%swap3A_79], %add3A_67 {strides = array<i32>} : memref<4128xi32, #tpu.memory_space<vmem>>, vector<16xi32>,
    %add3A_81 = arith.constant 16 : i32
    %add3A_82 = arith.addi %scan3A_72, %add3A_81 : i32
    %swap3A_83 = arith.index_cast %add3A_82 : i32 to index
    %swap3A_84 = tpu.vector_load %arg19[%swap3A_83] {strides = array<i32>} : memref<4128xi32, #tpu.memory_space<vmem>>, vector<16xi32>,
    tpu.vector_store %arg19[%swap3A_83], %broadcast_in_dim3A {strides = array<i32>} : memref<4128xi32, #tpu.memory_space<vmem>>, vector<16xi32>,
    %add3A_85 = arith.constant 16 : i32
    %add3A_86 = arith.addi %scan3A_72, %add3A_85 : i32
    %swap3A_87 = arith.index_cast %add3A_86 : i32 to index
    %swap3A_88 = tpu.vector_load %arg20[%swap3A_87] {strides = array<i32>} : memref<4128xi32, #tpu.memory_space<vmem>>, vector<16xi32>,
    tpu.vector_store %arg20[%swap3A_87], %add3A_67 {strides = array<i32>} : memref<4128xi32, #tpu.memory_space<vmem>>, vector<16xi32>,
    %jit3A_89 = arith.constant 128 : i32
    %div3A_90 = arith.divsi %scan3A_72, %jit3A_89 : i32
    %sign3A_91 = arith.constant 0 : i32
    %sign3A_92 = arith.cmpi sgt, %scan3A_72, %sign3A_91 : i32
    %sign3A_93 = arith.extui %sign3A_92 : i1 to i32
    %sign3A_94 = arith.constant 0 : i32
    %sign3A_95 = arith.cmpi slt, %scan3A_72, %sign3A_94 : i32
    %sign3A_96 = arith.extui %sign3A_95 : i1 to i32
    %sign3A_97 = arith.subi %sign3A_93, %sign3A_96 : i32
    %sign3A_98 = arith.constant 0 : i32
    %sign3A_99 = arith.cmpi sgt, %jit3A_89, %sign3A_98 : i32
    %sign3A_100 = arith.extui %sign3A_99 : i1 to i32
    %sign3A_101 = arith.constant 0 : i32
    %sign3A_102 = arith.cmpi slt, %jit3A_89, %sign3A_101 : i32
    %sign3A_103 = arith.extui %sign3A_102 : i1 to i32
    %sign3A_104 = arith.subi %sign3A_100, %sign3A_103 : i32
    %ne3A_105 = arith.cmpi ne, %sign3A_97, %sign3A_104 : i32
    %rem3A_106 = arith.remsi %scan3A_72, %jit3A_89 : i32
    %ne3A_107 = arith.constant 0 : i32
    %ne3A_108 = arith.cmpi ne, %rem3A_106, %ne3A_107 : i32
    %and3A_109 = arith.andi %ne3A_105, %ne3A_108 : i1
    %sub3A_110 = arith.constant 1 : i32
    %sub3A_111 = arith.subi %div3A_90, %sub3A_110 : i32
    %select_n3A_112 = arith.select %and3A_109, %sub3A_111, %div3A_90 : i32
    %while3A_113 = arith.constant 0 : i32
    %while3A_114 = scf.while (%while3A_258 = %while3A_113) : (i32) -> i32 {
      %lt3A_259 = arith.cmpi slt, %while3A_258, %select_n3A_112 : i32
      scf.condition(%lt3A_259) %while3A_258 : i32
    } do {
    ^bb0(%while3A_258: i32):
      %mul3A_259 = arith.constant 128 : i32
      %mul3A_260 = arith.muli %while3A_258, %mul3A_259 : i32
      %add3A_261 = arith.constant 0 : i32
      %add3A_262 = arith.addi %mul3A_260, %add3A_261 : i32
      %get3A = arith.index_cast %add3A_262 : i32 to index
      %get3A_263 = tpu.vector_load %arg19[%get3A] {strides = array<i32>} : memref<4128xi32, #tpu.memory_space<vmem>>, vector<16xi32>,
      %swap3A_264 = arith.constant 0 : index
      %swap3A_265 = tpu.vector_load %arg21[%swap3A_264] {strides = array<i32>} : memref<128xi32, #tpu.memory_space<vmem>>, vector<16xi32>,
      tpu.vector_store %arg21[%swap3A_264], %get3A_263 {strides = array<i32>} : memref<128xi32, #tpu.memory_space<vmem>>, vector<16xi32>,
      %add3A_266 = arith.constant 16 : i32
      %add3A_267 = arith.addi %mul3A_260, %add3A_266 : i32
      %get3A_268 = arith.index_cast %add3A_267 : i32 to index
      %get3A_269 = tpu.vector_load %arg19[%get3A_268] {strides = array<i32>} : memref<4128xi32, #tpu.memory_space<vmem>>, vector<16xi32>,
      %swap3A_270 = arith.constant 16 : index
      %swap3A_271 = tpu.vector_load %arg21[%swap3A_270] {strides = array<i32>} : memref<128xi32, #tpu.memory_space<vmem>>, vector<16xi32>,
      tpu.vector_store %arg21[%swap3A_270], %get3A_269 {strides = array<i32>} : memref<128xi32, #tpu.memory_space<vmem>>, vector<16xi32>,
      %add3A_272 = arith.constant 32 : i32
      %add3A_273 = arith.addi %mul3A_260, %add3A_272 : i32
      %get3A_274 = arith.index_cast %add3A_273 : i32 to index
      %get3A_275 = tpu.vector_load %arg19[%get3A_274] {strides = array<i32>} : memref<4128xi32, #tpu.memory_space<vmem>>, vector<16xi32>,
      %swap3A_276 = arith.constant 32 : index
      %swap3A_277 = tpu.vector_load %arg21[%swap3A_276] {strides = array<i32>} : memref<128xi32, #tpu.memory_space<vmem>>, vector<16xi32>,
      tpu.vector_store %arg21[%swap3A_276], %get3A_275 {strides = array<i32>} : memref<128xi32, #tpu.memory_space<vmem>>, vector<16xi32>,
      %add3A_278 = arith.constant 48 : i32
      %add3A_279 = arith.addi %mul3A_260, %add3A_278 : i32
      %get3A_280 = arith.index_cast %add3A_279 : i32 to index
      %get3A_281 = tpu.vector_load %arg19[%get3A_280] {strides = array<i32>} : memref<4128xi32, #tpu.memory_space<vmem>>, vector<16xi32>,
      %swap3A_282 = arith.constant 48 : index
      %swap3A_283 = tpu.vector_load %arg21[%swap3A_282] {strides = array<i32>} : memref<128xi32, #tpu.memory_space<vmem>>, vector<16xi32>,
      tpu.vector_store %arg21[%swap3A_282], %get3A_281 {strides = array<i32>} : memref<128xi32, #tpu.memory_space<vmem>>, vector<16xi32>,
      %add3A_284 = arith.constant 64 : i32
      %add3A_285 = arith.addi %mul3A_260, %add3A_284 : i32
      %get3A_286 = arith.index_cast %add3A_285 : i32 to index
      %get3A_287 = tpu.vector_load %arg19[%get3A_286] {strides = array<i32>} : memref<4128xi32, #tpu.memory_space<vmem>>, vector<16xi32>,
      %swap3A_288 = arith.constant 64 : index
      %swap3A_289 = tpu.vector_load %arg21[%swap3A_288] {strides = array<i32>} : memref<128xi32, #tpu.memory_space<vmem>>, vector<16xi32>,
      tpu.vector_store %arg21[%swap3A_288], %get3A_287 {strides = array<i32>} : memref<128xi32, #tpu.memory_space<vmem>>, vector<16xi32>,
      %add3A_290 = arith.constant 80 : i32
      %add3A_291 = arith.addi %mul3A_260, %add3A_290 : i32
      %get3A_292 = arith.index_cast %add3A_291 : i32 to index
      %get3A_293 = tpu.vector_load %arg19[%get3A_292] {strides = array<i32>} : memref<4128xi32, #tpu.memory_space<vmem>>, vector<16xi32>,
      %swap3A_294 = arith.constant 80 : index
      %swap3A_295 = tpu.vector_load %arg21[%swap3A_294] {strides = array<i32>} : memref<128xi32, #tpu.memory_space<vmem>>, vector<16xi32>,
      tpu.vector_store %arg21[%swap3A_294], %get3A_293 {strides = array<i32>} : memref<128xi32, #tpu.memory_space<vmem>>, vector<16xi32>,
      %add3A_296 = arith.constant 96 : i32
      %add3A_297 = arith.addi %mul3A_260, %add3A_296 : i32
      %get3A_298 = arith.index_cast %add3A_297 : i32 to index
      %get3A_299 = tpu.vector_load %arg19[%get3A_298] {strides = array<i32>} : memref<4128xi32, #tpu.memory_space<vmem>>, vector<16xi32>,
      %swap3A_300 = arith.constant 96 : index
      %swap3A_301 = tpu.vector_load %arg21[%swap3A_300] {strides = array<i32>} : memref<128xi32, #tpu.memory_space<vmem>>, vector<16xi32>,
      tpu.vector_store %arg21[%swap3A_300], %get3A_299 {strides = array<i32>} : memref<128xi32, #tpu.memory_space<vmem>>, vector<16xi32>,
      %add3A_302 = arith.constant 112 : i32
      %add3A_303 = arith.addi %mul3A_260, %add3A_302 : i32
      %get3A_304 = arith.index_cast %add3A_303 : i32 to index
      %get3A_305 = tpu.vector_load %arg19[%get3A_304] {strides = array<i32>} : memref<4128xi32, #tpu.memory_space<vmem>>, vector<16xi32>,
      %swap3A_306 = arith.constant 112 : index
      %swap3A_307 = tpu.vector_load %arg21[%swap3A_306] {strides = array<i32>} : memref<128xi32, #tpu.memory_space<vmem>>, vector<16xi32>,
      tpu.vector_store %arg21[%swap3A_306], %get3A_305 {strides = array<i32>} : memref<128xi32, #tpu.memory_space<vmem>>, vector<16xi32>,
      %dma_start3A = tpu.memref_slice %arg20[%mul3A_260] : memref<4128xi32, #tpu.memory_space<vmem>> -> memref<128xi32, #tpu.memory_space<vmem>>
      %dma_start3A_308 = arith.constant 0 : i32
      %dma_start3A_309 = arith.constant 0 : i32
      %dma_start3A_310 = tpu.memref_slice %arg4[%dma_start3A_308, %dma_start3A_309] : memref<4096x128xf32, #tpu.memory_space<hbm>> -> memref<4096x128xf32, #tpu.memory_space<hbm>>
      tpu.enqueue_indirect_dma source(%dma_start3A_310 : memref<4096x128xf32, #tpu.memory_space<hbm>>) target(%arg22 : memref<128x128xf32, #tpu.memory_space<vmem>>) offsets(%dma_start3A : memref<128xi32, #tpu.memory_space<vmem>>) semaphore(%arg31 : memref<!tpu.dma_semaphore, #tpu.memory_space<semaphore_mem>>)
      %dma_wait3A = tpu.memref_slice %arg20[%mul3A_260] : memref<4128xi32, #tpu.memory_space<vmem>> -> memref<128xi32, #tpu.memory_space<vmem>>
      %dma_wait3A_311 = arith.constant 0 : i32
      %dma_wait3A_312 = arith.constant 0 : i32
      %dma_wait3A_313 = tpu.memref_slice %arg4[%dma_wait3A_311, %dma_wait3A_312] : memref<4096x128xf32, #tpu.memory_space<hbm>> -> memref<4096x128xf32, #tpu.memory_space<hbm>>
      tpu.wait_indirect_dma semaphore(%arg31 : memref<!tpu.dma_semaphore, #tpu.memory_space<semaphore_mem>>) src(%dma_wait3A_313 : memref<4096x128xf32, #tpu.memory_space<hbm>>) dst(%arg22 : memref<128x128xf32, #tpu.memory_space<vmem>>)
      %dma_start3A_314 = arith.constant 0 : i32
      %dma_start3A_315 = arith.constant 0 : i32
      %dma_start3A_316 = tpu.memref_slice %arg11[%dma_start3A_314, %dma_start3A_315] : memref<100000x128xf32, #tpu.memory_space<hbm>> -> memref<100000x128xf32, #tpu.memory_space<hbm>>
      tpu.enqueue_indirect_dma source(%arg22 : memref<128x128xf32, #tpu.memory_space<vmem>>) target(%dma_start3A_316 : memref<100000x128xf32, #tpu.memory_space<hbm>>) offsets(%arg21 : memref<128xi32, #tpu.memory_space<vmem>>) semaphore(%arg31 : memref<!tpu.dma_semaphore, #tpu.memory_space<semaphore_mem>>)
      %dma_wait3A_317 = arith.constant 0 : i32
      %dma_wait3A_318 = arith.constant 0 : i32
      %dma_wait3A_319 = tpu.memref_slice %arg11[%dma_wait3A_317, %dma_wait3A_318] : memref<100000x128xf32, #tpu.memory_space<hbm>> -> memref<100000x128xf32, #tpu.memory_space<hbm>>
      tpu.wait_indirect_dma semaphore(%arg31 : memref<!tpu.dma_semaphore, #tpu.memory_space<semaphore_mem>>) src(%arg22 : memref<128x128xf32, #tpu.memory_space<vmem>>) dst(%dma_wait3A_319 : memref<100000x128xf32, #tpu.memory_space<hbm>>)
      %add3A_320 = arith.constant 1 : i32
      %add3A_321 = arith.addi %while3A_258, %add3A_320 : i32
      scf.yield %add3A_321 : i32
    }
    %mul3A_115 = arith.constant 128 : i32
    %mul3A_116 = arith.muli %select_n3A_112, %mul3A_115 : i32
    %sub3A_117 = arith.subi %scan3A_72, %mul3A_116 : i32
    %add3A_118 = arith.constant 15 : i32
    %add3A_119 = arith.addi %sub3A_117, %add3A_118 : i32
    %jit3A_120 = arith.constant 16 : i32
    %div3A_121 = arith.divsi %add3A_119, %jit3A_120 : i32
    %sign3A_122 = arith.constant 0 : i32
    %sign3A_123 = arith.cmpi sgt, %add3A_119, %sign3A_122 : i32
    %sign3A_124 = arith.extui %sign3A_123 : i1 to i32
    %sign3A_125 = arith.constant 0 : i32
    %sign3A_126 = arith.cmpi slt, %add3A_119, %sign3A_125 : i32
    %sign3A_127 = arith.extui %sign3A_126 : i1 to i32
    %sign3A_128 = arith.subi %sign3A_124, %sign3A_127 : i32
    %sign3A_129 = arith.constant 0 : i32
    %sign3A_130 = arith.cmpi sgt, %jit3A_120, %sign3A_129 : i32
    %sign3A_131 = arith.extui %sign3A_130 : i1 to i32
    %sign3A_132 = arith.constant 0 : i32
    %sign3A_133 = arith.cmpi slt, %jit3A_120, %sign3A_132 : i32
    %sign3A_134 = arith.extui %sign3A_133 : i1 to i32
    %sign3A_135 = arith.subi %sign3A_131, %sign3A_134 : i32
    %ne3A_136 = arith.cmpi ne, %sign3A_128, %sign3A_135 : i32
    %rem3A_137 = arith.remsi %add3A_119, %jit3A_120 : i32
    %ne3A_138 = arith.constant 0 : i32
    %ne3A_139 = arith.cmpi ne, %rem3A_137, %ne3A_138 : i32
    %and3A_140 = arith.andi %ne3A_136, %ne3A_139 : i1
    %sub3A_141 = arith.constant 1 : i32
    %sub3A_142 = arith.subi %div3A_121, %sub3A_141 : i32
    %select_n3A_143 = arith.select %and3A_140, %sub3A_142, %div3A_121 : i32
    %while3A_144 = arith.constant 0 : i32
    %while3A_145 = scf.while (%while3A_258 = %while3A_144) : (i32) -> i32 {
      %lt3A_259 = arith.cmpi slt, %while3A_258, %select_n3A_143 : i32
      scf.condition(%lt3A_259) %while3A_258 : i32
    } do {
    ^bb0(%while3A_258: i32):
      %mul3A_259 = arith.constant 128 : i32
      %mul3A_260 = arith.muli %select_n3A_112, %mul3A_259 : i32
      %mul3A_261 = arith.constant 16 : i32
      %mul3A_262 = arith.muli %while3A_258, %mul3A_261 : i32
      %add3A_263 = arith.addi %mul3A_260, %mul3A_262 : i32
      %get3A = arith.index_cast %add3A_263 : i32 to index
      %get3A_264 = tpu.vector_load %arg19[%get3A] {strides = array<i32>} : memref<4128xi32, #tpu.memory_space<vmem>>, vector<16xi32>,
      %swap3A_265 = arith.constant 0 : index
      %swap3A_266 = tpu.vector_load %arg23[%swap3A_265] {strides = array<i32>} : memref<16xi32, #tpu.memory_space<vmem>>, vector<16xi32>,
      tpu.vector_store %arg23[%swap3A_265], %get3A_264 {strides = array<i32>} : memref<16xi32, #tpu.memory_space<vmem>>, vector<16xi32>,
      %dma_start3A = tpu.memref_slice %arg20[%add3A_263] : memref<4128xi32, #tpu.memory_space<vmem>> -> memref<16xi32, #tpu.memory_space<vmem>>
      %dma_start3A_267 = arith.constant 0 : i32
      %dma_start3A_268 = arith.constant 0 : i32
      %dma_start3A_269 = tpu.memref_slice %arg4[%dma_start3A_267, %dma_start3A_268] : memref<4096x128xf32, #tpu.memory_space<hbm>> -> memref<4096x128xf32, #tpu.memory_space<hbm>>
      tpu.enqueue_indirect_dma source(%dma_start3A_269 : memref<4096x128xf32, #tpu.memory_space<hbm>>) target(%arg24 : memref<16x128xf32, #tpu.memory_space<vmem>>) offsets(%dma_start3A : memref<16xi32, #tpu.memory_space<vmem>>) semaphore(%arg31 : memref<!tpu.dma_semaphore, #tpu.memory_space<semaphore_mem>>)
      %dma_wait3A = tpu.memref_slice %arg20[%add3A_263] : memref<4128xi32, #tpu.memory_space<vmem>> -> memref<16xi32, #tpu.memory_space<vmem>>
      %dma_wait3A_270 = arith.constant 0 : i32
      %dma_wait3A_271 = arith.constant 0 : i32
      %dma_wait3A_272 = tpu.memref_slice %arg4[%dma_wait3A_270, %dma_wait3A_271] : memref<4096x128xf32, #tpu.memory_space<hbm>> -> memref<4096x128xf32, #tpu.memory_space<hbm>>
      tpu.wait_indirect_dma semaphore(%arg31 : memref<!tpu.dma_semaphore, #tpu.memory_space<semaphore_mem>>) src(%dma_wait3A_272 : memref<4096x128xf32, #tpu.memory_space<hbm>>) dst(%arg24 : memref<16x128xf32, #tpu.memory_space<vmem>>)
      %dma_start3A_273 = arith.constant 0 : i32
      %dma_start3A_274 = arith.constant 0 : i32
      %dma_start3A_275 = tpu.memref_slice %arg11[%dma_start3A_273, %dma_start3A_274] : memref<100000x128xf32, #tpu.memory_space<hbm>> -> memref<100000x128xf32, #tpu.memory_space<hbm>>
      tpu.enqueue_indirect_dma source(%arg24 : memref<16x128xf32, #tpu.memory_space<vmem>>) target(%dma_start3A_275 : memref<100000x128xf32, #tpu.memory_space<hbm>>) offsets(%arg23 : memref<16xi32, #tpu.memory_space<vmem>>) semaphore(%arg31 : memref<!tpu.dma_semaphore, #tpu.memory_space<semaphore_mem>>)
      %dma_wait3A_276 = arith.constant 0 : i32
      %dma_wait3A_277 = arith.constant 0 : i32
      %dma_wait3A_278 = tpu.memref_slice %arg11[%dma_wait3A_276, %dma_wait3A_277] : memref<100000x128xf32, #tpu.memory_space<hbm>> -> memref<100000x128xf32, #tpu.memory_space<hbm>>
      tpu.wait_indirect_dma semaphore(%arg31 : memref<!tpu.dma_semaphore, #tpu.memory_space<semaphore_mem>>) src(%arg24 : memref<16x128xf32, #tpu.memory_space<vmem>>) dst(%dma_wait3A_278 : memref<100000x128xf32, #tpu.memory_space<hbm>>)
      %add3A_279 = arith.constant 1 : i32
      %add3A_280 = arith.addi %while3A_258, %add3A_279 : i32
      scf.yield %add3A_280 : i32
    }
    %add3A_146 = arith.constant 4096 : i32
    %add3A_147 = arith.addi %add3A_146, %add3A : i32
    %broadcast_in_dim3A_148 = vector.broadcast %add3A_147 : i32 to vector<16xi32>
    %scan3A_149 = arith.constant 0 : i32
    %scan3A_150 = arith.constant 0 : i32
    %scan3A_151 = arith.constant 256 : i32
    %scan3A_152 = arith.addi %scan3A_150, %scan3A_151 : i32
    %scan3A_153 = arith.constant 1 : i32
    %scan3A_154 = scf.for %scan3A_258 = %scan3A_150 to %scan3A_152 step %scan3A_153 iter_args(%scan3A_259 = %scan3A_149) -> (i32)  : i32 {
      %mul3A_260 = arith.constant 16 : i32
      %mul3A_261 = arith.muli %scan3A_258, %mul3A_260 : i32
      %get3A = arith.index_cast %mul3A_261 : i32 to index
      %get3A_262 = tpu.vector_load %arg15[%get3A] {strides = array<i32>} : memref<4096xi32, #tpu.memory_space<vmem>>, vector<16xi32>,
      %get3A_263 = arith.index_cast %mul3A_261 : i32 to index
      %get3A_264 = tpu.vector_load %arg16[%get3A_263] {strides = array<i32>} : memref<4096xi32, #tpu.memory_space<vmem>>, vector<16xi32>,
      %ge3A = vector.broadcast %mul3A_2 : i32 to vector<16xi32>
      %ge3A_265 = arith.cmpi sge, %get3A_262, %ge3A : vector<16xi32>
      %lt3A_266 = vector.broadcast %min3A_5 : i32 to vector<16xi32>
      %lt3A_267 = arith.cmpi slt, %get3A_262, %lt3A_266 : vector<16xi32>
      %and3A_268 = arith.andi %ge3A_265, %lt3A_267 : vector<16xi1>
      %gt3A_269 = arith.constant 0 : i32
      %gt3A_270 = vector.broadcast %gt3A_269 : i32 to vector<16xi32>
      %gt3A_271 = arith.cmpi sgt, %get3A_264, %gt3A_270 : vector<16xi32>
      %and3A_272 = arith.andi %and3A_268, %gt3A_271 : vector<16xi1>
      %jit3A_273 = arith.constant 1 : i32
      %jit3A_274 = arith.constant 0 : i32
      %broadcast_in_dim3A_275 = vector.broadcast %jit3A_273 : i32 to vector<16xi32>
      %broadcast_in_dim3A_276 = vector.broadcast %jit3A_274 : i32 to vector<16xi32>
      %select_n3A_277 = arith.select %and3A_272, %broadcast_in_dim3A_275, %broadcast_in_dim3A_276 : vector<16xi1>, vector<16xi32>
      %broadcast_in_dim3A_278 = arith.constant true
      %broadcast_in_dim3A_279 = vector.broadcast %broadcast_in_dim3A_278 : i1 to vector<16xi1>
      %masked_cumsum3A = tpu.scan <sum>, %select_n3A_277 masked %broadcast_in_dim3A_279 : vector<16xi32>, vector<16xi1> -> vector<16xi32>
      %add3A_280 = vector.broadcast %scan3A_259 : i32 to vector<16xi32>
      %add3A_281 = arith.addi %add3A_280, %masked_cumsum3A : vector<16xi32>
      %sub3A_282 = arith.constant 1 : i32
      %sub3A_283 = vector.broadcast %sub3A_282 : i32 to vector<16xi32>
      %sub3A_284 = arith.subi %add3A_281, %sub3A_283 : vector<16xi32>
      tpu.vector_store_idx %arg19[%sub3A_284], %get3A_262 masked %and3A_272 : memref<4128xi32, #tpu.memory_space<vmem>>[vector<16xi32>], vector<16xi32>, vector<16xi1>
      %mul3A_285 = arith.constant 16 : i32
      %mul3A_286 = arith.muli %scan3A_258, %mul3A_285 : i32
      %add3A_287 = vector.broadcast %mul3A_286 : i32 to vector<16xi32>
      %add3A_288 = arith.addi %iota3A, %add3A_287 : vector<16xi32>
      tpu.vector_store_idx %arg20[%sub3A_284], %add3A_288 masked %and3A_272 : memref<4128xi32, #tpu.memory_space<vmem>>[vector<16xi32>], vector<16xi32>, vector<16xi1>
      %reduce_max3A = arith.constant true
      %reduce_max3A_289 = vector.broadcast %reduce_max3A : i1 to vector<16xi1>
      %reduce_max3A_290 = arith.constant -2147483648 : i32
      %reduce_max3A_291 = vector.broadcast %reduce_max3A_290 : i32 to vector<16xi32>
      %reduce_max3A_292 = arith.xori %masked_cumsum3A, %reduce_max3A_291 : vector<16xi32>
      %reduce_max3A_293 = tpu.scan <max>, %reduce_max3A_292 masked %reduce_max3A_289 : vector<16xi32>, vector<16xi1> -> vector<16xi32>
      %reduce_max3A_294 = arith.xori %reduce_max3A_293, %reduce_max3A_291 : vector<16xi32>
      %reduce_max3A_295 = vector.extract %reduce_max3A_294[15] : i32 from vector<16xi32>
      %add3A_296 = arith.addi %scan3A_259, %reduce_max3A_295 : i32
      scf.yield %add3A_296 : i32
    }
    %scan3A_155 = arith.constant 256 : i32
    %broadcast_in_dim3A_156 = vector.broadcast %mul3A_2 : i32 to vector<16xi32>
    %add3A_157 = arith.constant 0 : i32
    %add3A_158 = arith.addi %scan3A_154, %add3A_157 : i32
    %swap3A_159 = arith.index_cast %add3A_158 : i32 to index
    %swap3A_160 = tpu.vector_load %arg19[%swap3A_159] {strides = array<i32>} : memref<4128xi32, #tpu.memory_space<vmem>>, vector<16xi32>,
    tpu.vector_store %arg19[%swap3A_159], %broadcast_in_dim3A_156 {strides = array<i32>} : memref<4128xi32, #tpu.memory_space<vmem>>, vector<16xi32>,
    %add3A_161 = arith.constant 0 : i32
    %add3A_162 = arith.addi %scan3A_154, %add3A_161 : i32
    %swap3A_163 = arith.index_cast %add3A_162 : i32 to index
    %swap3A_164 = tpu.vector_load %arg20[%swap3A_163] {strides = array<i32>} : memref<4128xi32, #tpu.memory_space<vmem>>, vector<16xi32>,
    tpu.vector_store %arg20[%swap3A_163], %broadcast_in_dim3A_148 {strides = array<i32>} : memref<4128xi32, #tpu.memory_space<vmem>>, vector<16xi32>,
    %add3A_165 = arith.constant 16 : i32
    %add3A_166 = arith.addi %scan3A_154, %add3A_165 : i32
    %swap3A_167 = arith.index_cast %add3A_166 : i32 to index
    %swap3A_168 = tpu.vector_load %arg19[%swap3A_167] {strides = array<i32>} : memref<4128xi32, #tpu.memory_space<vmem>>, vector<16xi32>,
    tpu.vector_store %arg19[%swap3A_167], %broadcast_in_dim3A_156 {strides = array<i32>} : memref<4128xi32, #tpu.memory_space<vmem>>, vector<16xi32>,
    %add3A_169 = arith.constant 16 : i32
    %add3A_170 = arith.addi %scan3A_154, %add3A_169 : i32
    %swap3A_171 = arith.index_cast %add3A_170 : i32 to index
    %swap3A_172 = tpu.vector_load %arg20[%swap3A_171] {strides = array<i32>} : memref<4128xi32, #tpu.memory_space<vmem>>, vector<16xi32>,
    tpu.vector_store %arg20[%swap3A_171], %broadcast_in_dim3A_148 {strides = array<i32>} : memref<4128xi32, #tpu.memory_space<vmem>>, vector<16xi32>,
    %add3A_173 = arith.constant 1 : i32
    %add3A_174 = arith.addi %scan3A_154, %add3A_173 : i32
    %jit3A_175 = arith.constant 128 : i32
    %div3A_176 = arith.divsi %add3A_174, %jit3A_175 : i32
    %sign3A_177 = arith.constant 0 : i32
    %sign3A_178 = arith.cmpi sgt, %add3A_174, %sign3A_177 : i32
    %sign3A_179 = arith.extui %sign3A_178 : i1 to i32
    %sign3A_180 = arith.constant 0 : i32
    %sign3A_181 = arith.cmpi slt, %add3A_174, %sign3A_180 : i32
    %sign3A_182 = arith.extui %sign3A_181 : i1 to i32
    %sign3A_183 = arith.subi %sign3A_179, %sign3A_182 : i32
    %sign3A_184 = arith.constant 0 : i32
    %sign3A_185 = arith.cmpi sgt, %jit3A_175, %sign3A_184 : i32
    %sign3A_186 = arith.extui %sign3A_185 : i1 to i32
    %sign3A_187 = arith.constant 0 : i32
    %sign3A_188 = arith.cmpi slt, %jit3A_175, %sign3A_187 : i32
    %sign3A_189 = arith.extui %sign3A_188 : i1 to i32
    %sign3A_190 = arith.subi %sign3A_186, %sign3A_189 : i32
    %ne3A_191 = arith.cmpi ne, %sign3A_183, %sign3A_190 : i32
    %rem3A_192 = arith.remsi %add3A_174, %jit3A_175 : i32
    %ne3A_193 = arith.constant 0 : i32
    %ne3A_194 = arith.cmpi ne, %rem3A_192, %ne3A_193 : i32
    %and3A_195 = arith.andi %ne3A_191, %ne3A_194 : i1
    %sub3A_196 = arith.constant 1 : i32
    %sub3A_197 = arith.subi %div3A_176, %sub3A_196 : i32
    %select_n3A_198 = arith.select %and3A_195, %sub3A_197, %div3A_176 : i32
    %while3A_199 = arith.constant 0 : i32
    %while3A_200 = scf.while (%while3A_258 = %while3A_199) : (i32) -> i32 {
      %lt3A_259 = arith.cmpi slt, %while3A_258, %select_n3A_198 : i32
      scf.condition(%lt3A_259) %while3A_258 : i32
    } do {
    ^bb0(%while3A_258: i32):
      %mul3A_259 = arith.constant 128 : i32
      %mul3A_260 = arith.muli %while3A_258, %mul3A_259 : i32
      %add3A_261 = arith.constant 0 : i32
      %add3A_262 = arith.addi %mul3A_260, %add3A_261 : i32
      %get3A = arith.index_cast %add3A_262 : i32 to index
      %get3A_263 = tpu.vector_load %arg19[%get3A] {strides = array<i32>} : memref<4128xi32, #tpu.memory_space<vmem>>, vector<16xi32>,
      %swap3A_264 = arith.constant 0 : index
      %swap3A_265 = tpu.vector_load %arg21[%swap3A_264] {strides = array<i32>} : memref<128xi32, #tpu.memory_space<vmem>>, vector<16xi32>,
      tpu.vector_store %arg21[%swap3A_264], %get3A_263 {strides = array<i32>} : memref<128xi32, #tpu.memory_space<vmem>>, vector<16xi32>,
      %add3A_266 = arith.constant 16 : i32
      %add3A_267 = arith.addi %mul3A_260, %add3A_266 : i32
      %get3A_268 = arith.index_cast %add3A_267 : i32 to index
      %get3A_269 = tpu.vector_load %arg19[%get3A_268] {strides = array<i32>} : memref<4128xi32, #tpu.memory_space<vmem>>, vector<16xi32>,
      %swap3A_270 = arith.constant 16 : index
      %swap3A_271 = tpu.vector_load %arg21[%swap3A_270] {strides = array<i32>} : memref<128xi32, #tpu.memory_space<vmem>>, vector<16xi32>,
      tpu.vector_store %arg21[%swap3A_270], %get3A_269 {strides = array<i32>} : memref<128xi32, #tpu.memory_space<vmem>>, vector<16xi32>,
      %add3A_272 = arith.constant 32 : i32
      %add3A_273 = arith.addi %mul3A_260, %add3A_272 : i32
      %get3A_274 = arith.index_cast %add3A_273 : i32 to index
      %get3A_275 = tpu.vector_load %arg19[%get3A_274] {strides = array<i32>} : memref<4128xi32, #tpu.memory_space<vmem>>, vector<16xi32>,
      %swap3A_276 = arith.constant 32 : index
      %swap3A_277 = tpu.vector_load %arg21[%swap3A_276] {strides = array<i32>} : memref<128xi32, #tpu.memory_space<vmem>>, vector<16xi32>,
      tpu.vector_store %arg21[%swap3A_276], %get3A_275 {strides = array<i32>} : memref<128xi32, #tpu.memory_space<vmem>>, vector<16xi32>,
      %add3A_278 = arith.constant 48 : i32
      %add3A_279 = arith.addi %mul3A_260, %add3A_278 : i32
      %get3A_280 = arith.index_cast %add3A_279 : i32 to index
      %get3A_281 = tpu.vector_load %arg19[%get3A_280] {strides = array<i32>} : memref<4128xi32, #tpu.memory_space<vmem>>, vector<16xi32>,
      %swap3A_282 = arith.constant 48 : index
      %swap3A_283 = tpu.vector_load %arg21[%swap3A_282] {strides = array<i32>} : memref<128xi32, #tpu.memory_space<vmem>>, vector<16xi32>,
      tpu.vector_store %arg21[%swap3A_282], %get3A_281 {strides = array<i32>} : memref<128xi32, #tpu.memory_space<vmem>>, vector<16xi32>,
      %add3A_284 = arith.constant 64 : i32
      %add3A_285 = arith.addi %mul3A_260, %add3A_284 : i32
      %get3A_286 = arith.index_cast %add3A_285 : i32 to index
      %get3A_287 = tpu.vector_load %arg19[%get3A_286] {strides = array<i32>} : memref<4128xi32, #tpu.memory_space<vmem>>, vector<16xi32>,
      %swap3A_288 = arith.constant 64 : index
      %swap3A_289 = tpu.vector_load %arg21[%swap3A_288] {strides = array<i32>} : memref<128xi32, #tpu.memory_space<vmem>>, vector<16xi32>,
      tpu.vector_store %arg21[%swap3A_288], %get3A_287 {strides = array<i32>} : memref<128xi32, #tpu.memory_space<vmem>>, vector<16xi32>,
      %add3A_290 = arith.constant 80 : i32
      %add3A_291 = arith.addi %mul3A_260, %add3A_290 : i32
      %get3A_292 = arith.index_cast %add3A_291 : i32 to index
      %get3A_293 = tpu.vector_load %arg19[%get3A_292] {strides = array<i32>} : memref<4128xi32, #tpu.memory_space<vmem>>, vector<16xi32>,
      %swap3A_294 = arith.constant 80 : index
      %swap3A_295 = tpu.vector_load %arg21[%swap3A_294] {strides = array<i32>} : memref<128xi32, #tpu.memory_space<vmem>>, vector<16xi32>,
      tpu.vector_store %arg21[%swap3A_294], %get3A_293 {strides = array<i32>} : memref<128xi32, #tpu.memory_space<vmem>>, vector<16xi32>,
      %add3A_296 = arith.constant 96 : i32
      %add3A_297 = arith.addi %mul3A_260, %add3A_296 : i32
      %get3A_298 = arith.index_cast %add3A_297 : i32 to index
      %get3A_299 = tpu.vector_load %arg19[%get3A_298] {strides = array<i32>} : memref<4128xi32, #tpu.memory_space<vmem>>, vector<16xi32>,
      %swap3A_300 = arith.constant 96 : index
      %swap3A_301 = tpu.vector_load %arg21[%swap3A_300] {strides = array<i32>} : memref<128xi32, #tpu.memory_space<vmem>>, vector<16xi32>,
      tpu.vector_store %arg21[%swap3A_300], %get3A_299 {strides = array<i32>} : memref<128xi32, #tpu.memory_space<vmem>>, vector<16xi32>,
      %add3A_302 = arith.constant 112 : i32
      %add3A_303 = arith.addi %mul3A_260, %add3A_302 : i32
      %get3A_304 = arith.index_cast %add3A_303 : i32 to index
      %get3A_305 = tpu.vector_load %arg19[%get3A_304] {strides = array<i32>} : memref<4128xi32, #tpu.memory_space<vmem>>, vector<16xi32>,
      %swap3A_306 = arith.constant 112 : index
      %swap3A_307 = tpu.vector_load %arg21[%swap3A_306] {strides = array<i32>} : memref<128xi32, #tpu.memory_space<vmem>>, vector<16xi32>,
      tpu.vector_store %arg21[%swap3A_306], %get3A_305 {strides = array<i32>} : memref<128xi32, #tpu.memory_space<vmem>>, vector<16xi32>,
      %dma_start3A = tpu.memref_slice %arg20[%mul3A_260] : memref<4128xi32, #tpu.memory_space<vmem>> -> memref<128xi32, #tpu.memory_space<vmem>>
      %dma_start3A_308 = arith.constant 0 : i32
      %dma_start3A_309 = arith.constant 0 : i32
      %dma_start3A_310 = tpu.memref_slice %arg5[%dma_start3A_308, %dma_start3A_309] : memref<4128x128xf32, #tpu.memory_space<hbm>> -> memref<4128x128xf32, #tpu.memory_space<hbm>>
      tpu.enqueue_indirect_dma source(%dma_start3A_310 : memref<4128x128xf32, #tpu.memory_space<hbm>>) target(%arg22 : memref<128x128xf32, #tpu.memory_space<vmem>>) offsets(%dma_start3A : memref<128xi32, #tpu.memory_space<vmem>>) semaphore(%arg31 : memref<!tpu.dma_semaphore, #tpu.memory_space<semaphore_mem>>)
      %dma_wait3A = tpu.memref_slice %arg20[%mul3A_260] : memref<4128xi32, #tpu.memory_space<vmem>> -> memref<128xi32, #tpu.memory_space<vmem>>
      %dma_wait3A_311 = arith.constant 0 : i32
      %dma_wait3A_312 = arith.constant 0 : i32
      %dma_wait3A_313 = tpu.memref_slice %arg5[%dma_wait3A_311, %dma_wait3A_312] : memref<4128x128xf32, #tpu.memory_space<hbm>> -> memref<4128x128xf32, #tpu.memory_space<hbm>>
      tpu.wait_indirect_dma semaphore(%arg31 : memref<!tpu.dma_semaphore, #tpu.memory_space<semaphore_mem>>) src(%dma_wait3A_313 : memref<4128x128xf32, #tpu.memory_space<hbm>>) dst(%arg22 : memref<128x128xf32, #tpu.memory_space<vmem>>)
      %dma_start3A_314 = arith.constant 0 : i32
      %dma_start3A_315 = arith.constant 0 : i32
      %dma_start3A_316 = tpu.memref_slice %arg11[%dma_start3A_314, %dma_start3A_315] : memref<100000x128xf32, #tpu.memory_space<hbm>> -> memref<100000x128xf32, #tpu.memory_space<hbm>>
      tpu.enqueue_indirect_dma source(%arg22 : memref<128x128xf32, #tpu.memory_space<vmem>>) target(%dma_start3A_316 : memref<100000x128xf32, #tpu.memory_space<hbm>>) offsets(%arg21 : memref<128xi32, #tpu.memory_space<vmem>>) semaphore(%arg31 : memref<!tpu.dma_semaphore, #tpu.memory_space<semaphore_mem>>)
      %dma_wait3A_317 = arith.constant 0 : i32
      %dma_wait3A_318 = arith.constant 0 : i32
      %dma_wait3A_319 = tpu.memref_slice %arg11[%dma_wait3A_317, %dma_wait3A_318] : memref<100000x128xf32, #tpu.memory_space<hbm>> -> memref<100000x128xf32, #tpu.memory_space<hbm>>
      tpu.wait_indirect_dma semaphore(%arg31 : memref<!tpu.dma_semaphore, #tpu.memory_space<semaphore_mem>>) src(%arg22 : memref<128x128xf32, #tpu.memory_space<vmem>>) dst(%dma_wait3A_319 : memref<100000x128xf32, #tpu.memory_space<hbm>>)
      %add3A_320 = arith.constant 1 : i32
      %add3A_321 = arith.addi %while3A_258, %add3A_320 : i32
      scf.yield %add3A_321 : i32
    }
    %mul3A_201 = arith.constant 128 : i32
    %mul3A_202 = arith.muli %select_n3A_198, %mul3A_201 : i32
    %sub3A_203 = arith.subi %add3A_174, %mul3A_202 : i32
    %add3A_204 = arith.constant 15 : i32
    %add3A_205 = arith.addi %sub3A_203, %add3A_204 : i32
    %jit3A_206 = arith.constant 16 : i32
    %div3A_207 = arith.divsi %add3A_205, %jit3A_206 : i32
    %sign3A_208 = arith.constant 0 : i32
    %sign3A_209 = arith.cmpi sgt, %add3A_205, %sign3A_208 : i32
    %sign3A_210 = arith.extui %sign3A_209 : i1 to i32
    %sign3A_211 = arith.constant 0 : i32
    %sign3A_212 = arith.cmpi slt, %add3A_205, %sign3A_211 : i32
    %sign3A_213 = arith.extui %sign3A_212 : i1 to i32
    %sign3A_214 = arith.subi %sign3A_210, %sign3A_213 : i32
    %sign3A_215 = arith.constant 0 : i32
    %sign3A_216 = arith.cmpi sgt, %jit3A_206, %sign3A_215 : i32
    %sign3A_217 = arith.extui %sign3A_216 : i1 to i32
    %sign3A_218 = arith.constant 0 : i32
    %sign3A_219 = arith.cmpi slt, %jit3A_206, %sign3A_218 : i32
    %sign3A_220 = arith.extui %sign3A_219 : i1 to i32
    %sign3A_221 = arith.subi %sign3A_217, %sign3A_220 : i32
    %ne3A_222 = arith.cmpi ne, %sign3A_214, %sign3A_221 : i32
    %rem3A_223 = arith.remsi %add3A_205, %jit3A_206 : i32
    %ne3A_224 = arith.constant 0 : i32
    %ne3A_225 = arith.cmpi ne, %rem3A_223, %ne3A_224 : i32
    %and3A_226 = arith.andi %ne3A_222, %ne3A_225 : i1
    %sub3A_227 = arith.constant 1 : i32
    %sub3A_228 = arith.subi %div3A_207, %sub3A_227 : i32
    %select_n3A_229 = arith.select %and3A_226, %sub3A_228, %div3A_207 : i32
    %while3A_230 = arith.constant 0 : i32
    %while3A_231 = scf.while (%while3A_258 = %while3A_230) : (i32) -> i32 {
      %lt3A_259 = arith.cmpi slt, %while3A_258, %select_n3A_229 : i32
      scf.condition(%lt3A_259) %while3A_258 : i32
    } do {
    ^bb0(%while3A_258: i32):
      %mul3A_259 = arith.constant 128 : i32
      %mul3A_260 = arith.muli %select_n3A_198, %mul3A_259 : i32
      %mul3A_261 = arith.constant 16 : i32
      %mul3A_262 = arith.muli %while3A_258, %mul3A_261 : i32
      %add3A_263 = arith.addi %mul3A_260, %mul3A_262 : i32
      %get3A = arith.index_cast %add3A_263 : i32 to index
      %get3A_264 = tpu.vector_load %arg19[%get3A] {strides = array<i32>} : memref<4128xi32, #tpu.memory_space<vmem>>, vector<16xi32>,
      %swap3A_265 = arith.constant 0 : index
      %swap3A_266 = tpu.vector_load %arg23[%swap3A_265] {strides = array<i32>} : memref<16xi32, #tpu.memory_space<vmem>>, vector<16xi32>,
      tpu.vector_store %arg23[%swap3A_265], %get3A_264 {strides = array<i32>} : memref<16xi32, #tpu.memory_space<vmem>>, vector<16xi32>,
      %dma_start3A = tpu.memref_slice %arg20[%add3A_263] : memref<4128xi32, #tpu.memory_space<vmem>> -> memref<16xi32, #tpu.memory_space<vmem>>
      %dma_start3A_267 = arith.constant 0 : i32
      %dma_start3A_268 = arith.constant 0 : i32
      %dma_start3A_269 = tpu.memref_slice %arg5[%dma_start3A_267, %dma_start3A_268] : memref<4128x128xf32, #tpu.memory_space<hbm>> -> memref<4128x128xf32, #tpu.memory_space<hbm>>
      tpu.enqueue_indirect_dma source(%dma_start3A_269 : memref<4128x128xf32, #tpu.memory_space<hbm>>) target(%arg24 : memref<16x128xf32, #tpu.memory_space<vmem>>) offsets(%dma_start3A : memref<16xi32, #tpu.memory_space<vmem>>) semaphore(%arg31 : memref<!tpu.dma_semaphore, #tpu.memory_space<semaphore_mem>>)
      %dma_wait3A = tpu.memref_slice %arg20[%add3A_263] : memref<4128xi32, #tpu.memory_space<vmem>> -> memref<16xi32, #tpu.memory_space<vmem>>
      %dma_wait3A_270 = arith.constant 0 : i32
      %dma_wait3A_271 = arith.constant 0 : i32
      %dma_wait3A_272 = tpu.memref_slice %arg5[%dma_wait3A_270, %dma_wait3A_271] : memref<4128x128xf32, #tpu.memory_space<hbm>> -> memref<4128x128xf32, #tpu.memory_space<hbm>>
      tpu.wait_indirect_dma semaphore(%arg31 : memref<!tpu.dma_semaphore, #tpu.memory_space<semaphore_mem>>) src(%dma_wait3A_272 : memref<4128x128xf32, #tpu.memory_space<hbm>>) dst(%arg24 : memref<16x128xf32, #tpu.memory_space<vmem>>)
      %dma_start3A_273 = arith.constant 0 : i32
      %dma_start3A_274 = arith.constant 0 : i32
      %dma_start3A_275 = tpu.memref_slice %arg11[%dma_start3A_273, %dma_start3A_274] : memref<100000x128xf32, #tpu.memory_space<hbm>> -> memref<100000x128xf32, #tpu.memory_space<hbm>>
      tpu.enqueue_indirect_dma source(%arg24 : memref<16x128xf32, #tpu.memory_space<vmem>>) target(%dma_start3A_275 : memref<100000x128xf32, #tpu.memory_space<hbm>>) offsets(%arg23 : memref<16xi32, #tpu.memory_space<vmem>>) semaphore(%arg31 : memref<!tpu.dma_semaphore, #tpu.memory_space<semaphore_mem>>)
      %dma_wait3A_276 = arith.constant 0 : i32
      %dma_wait3A_277 = arith.constant 0 : i32
      %dma_wait3A_278 = tpu.memref_slice %arg11[%dma_wait3A_276, %dma_wait3A_277] : memref<100000x128xf32, #tpu.memory_space<hbm>> -> memref<100000x128xf32, #tpu.memory_space<hbm>>
      tpu.wait_indirect_dma semaphore(%arg31 : memref<!tpu.dma_semaphore, #tpu.memory_space<semaphore_mem>>) src(%arg24 : memref<16x128xf32, #tpu.memory_space<vmem>>) dst(%dma_wait3A_278 : memref<100000x128xf32, #tpu.memory_space<hbm>>)
      %add3A_279 = arith.constant 1 : i32
      %add3A_280 = arith.addi %while3A_258, %add3A_279 : i32
      scf.yield %add3A_280 : i32
    }
    %lt3A_232 = arith.constant 31 : i32
    %lt3A_233 = arith.cmpi slt, %add3A, %lt3A_232 : i32
    %convert_element_type3A_234 = arith.extui %lt3A_233 : i1 to i32
    %cond3A_235 = arith.constant 0 : i32
    %cond3A_236 = arith.cmpi ne, %convert_element_type3A_234, %cond3A_235 : i32
    scf.if %cond3A_236 {
      "tpu.region"() ({
        %run_scoped3A = tpu.sem_alloc : memref<!tpu.dma_semaphore, #tpu.memory_space<semaphore_mem>>
        %dma_start3A = tpu.memref_slice %arg3[%mul3A_2] : memref<100000xf32, #tpu.memory_space<hbm>> -> memref<3128xf32, #tpu.memory_space<hbm>>
        %dma_start3A_258 = tpu.memref_slice %arg3[%mul3A_2] : memref<100000xf32, #tpu.memory_space<hbm>> -> memref<3128xf32, #tpu.memory_space<hbm>>
        tpu.enqueue_dma source(%dma_start3A_258 : memref<3128xf32, #tpu.memory_space<hbm>>) target(%arg18 : memref<3128xf32, #tpu.memory_space<vmem>>) target_semaphore(%run_scoped3A : memref<!tpu.dma_semaphore, #tpu.memory_space<semaphore_mem>>)
        %dma_wait3A = tpu.memref_slice %arg3[%mul3A_2] : memref<100000xf32, #tpu.memory_space<hbm>> -> memref<3128xf32, #tpu.memory_space<hbm>>
        %dma_wait3A_259 = tpu.memref_slice %arg3[%mul3A_2] : memref<100000xf32, #tpu.memory_space<hbm>> -> memref<3128xf32, #tpu.memory_space<hbm>>
        tpu.wait_dma2 semaphore(%run_scoped3A : memref<!tpu.dma_semaphore, #tpu.memory_space<semaphore_mem>>) src(%dma_wait3A_259 : memref<3128xf32, #tpu.memory_space<hbm>>) dst(%arg18 : memref<3128xf32, #tpu.memory_space<vmem>>)
        tpu.yield
      }) : () -> ()
    } else {
    }
    %eq3A_237 = arith.constant 31 : i32
    %eq3A_238 = arith.cmpi eq, %add3A, %eq3A_237 : i32
    %convert_element_type3A_239 = arith.extui %eq3A_238 : i1 to i32
    %cond3A_240 = arith.constant 0 : i32
    %cond3A_241 = arith.cmpi ne, %convert_element_type3A_239, %cond3A_240 : i32
    scf.if %cond3A_241 {
      "tpu.region"() ({
        %run_scoped3A = tpu.sem_alloc : memref<!tpu.dma_semaphore, #tpu.memory_space<semaphore_mem>>
        %dma_start3A = arith.constant 0 : i32
        %dma_start3A_258 = tpu.memref_slice %arg18[%dma_start3A] : memref<3128xf32, #tpu.memory_space<vmem>> -> memref<3032xf32, #tpu.memory_space<vmem>>
        %dma_start3A_259 = arith.constant 96968 : i32
        %dma_start3A_260 = tpu.memref_slice %arg3[%dma_start3A_259] : memref<100000xf32, #tpu.memory_space<hbm>> -> memref<3032xf32, #tpu.memory_space<hbm>>
        %dma_start3A_261 = arith.constant 0 : i32
        %dma_start3A_262 = tpu.memref_slice %arg18[%dma_start3A_261] : memref<3128xf32, #tpu.memory_space<vmem>> -> memref<3032xf32, #tpu.memory_space<vmem>>
        %dma_start3A_263 = arith.constant 96968 : i32
        %dma_start3A_264 = tpu.memref_slice %arg3[%dma_start3A_263] : memref<100000xf32, #tpu.memory_space<hbm>> -> memref<3032xf32, #tpu.memory_space<hbm>>
        tpu.enqueue_dma source(%dma_start3A_264 : memref<3032xf32, #tpu.memory_space<hbm>>) target(%dma_start3A_262 : memref<3032xf32, #tpu.memory_space<vmem>>) target_semaphore(%run_scoped3A : memref<!tpu.dma_semaphore, #tpu.memory_space<semaphore_mem>>)
        %dma_wait3A = arith.constant 0 : i32
        %dma_wait3A_265 = tpu.memref_slice %arg18[%dma_wait3A] : memref<3128xf32, #tpu.memory_space<vmem>> -> memref<3032xf32, #tpu.memory_space<vmem>>
        %dma_wait3A_266 = arith.constant 96968 : i32
        %dma_wait3A_267 = tpu.memref_slice %arg3[%dma_wait3A_266] : memref<100000xf32, #tpu.memory_space<hbm>> -> memref<3032xf32, #tpu.memory_space<hbm>>
        %dma_wait3A_268 = arith.constant 0 : i32
        %dma_wait3A_269 = tpu.memref_slice %arg18[%dma_wait3A_268] : memref<3128xf32, #tpu.memory_space<vmem>> -> memref<3032xf32, #tpu.memory_space<vmem>>
        %dma_wait3A_270 = arith.constant 96968 : i32
        %dma_wait3A_271 = tpu.memref_slice %arg3[%dma_wait3A_270] : memref<100000xf32, #tpu.memory_space<hbm>> -> memref<3032xf32, #tpu.memory_space<hbm>>
        tpu.wait_dma2 semaphore(%run_scoped3A : memref<!tpu.dma_semaphore, #tpu.memory_space<semaphore_mem>>) src(%dma_wait3A_271 : memref<3032xf32, #tpu.memory_space<hbm>>) dst(%dma_wait3A_269 : memref<3032xf32, #tpu.memory_space<vmem>>)
        tpu.yield
      }) : () -> ()
    } else {
    }
    %scan3A_242 = arith.constant 0 : i32
    %scan3A_243 = arith.constant 0 : i32
    %scan3A_244 = arith.constant 256 : i32
    %scan3A_245 = arith.addi %scan3A_243, %scan3A_244 : i32
    %scan3A_246 = arith.constant 1 : i32
    scf.for %scan3A_258 = %scan3A_243 to %scan3A_245 step %scan3A_246  : i32 {
      %mul3A_259 = arith.constant 16 : i32
      %mul3A_260 = arith.muli %scan3A_258, %mul3A_259 : i32
      %get3A = arith.index_cast %mul3A_260 : i32 to index
      %get3A_261 = tpu.vector_load %arg15[%get3A] {strides = array<i32>} : memref<4096xi32, #tpu.memory_space<vmem>>, vector<16xi32>,
      %ge3A = vector.broadcast %mul3A_2 : i32 to vector<16xi32>
      %ge3A_262 = arith.cmpi sge, %get3A_261, %ge3A : vector<16xi32>
      %lt3A_263 = vector.broadcast %min3A_5 : i32 to vector<16xi32>
      %lt3A_264 = arith.cmpi slt, %get3A_261, %lt3A_263 : vector<16xi32>
      %and3A_265 = arith.andi %ge3A_262, %lt3A_264 : vector<16xi1>
      %sub3A_266 = vector.broadcast %mul3A_2 : i32 to vector<16xi32>
      %sub3A_267 = arith.subi %get3A_261, %sub3A_266 : vector<16xi32>
      %jit3A_268 = arith.constant 0 : i32
      %jit3A_269 = arith.constant 3127 : i32
      %max3A = vector.broadcast %jit3A_268 : i32 to vector<16xi32>
      %max3A_270 = arith.maxsi %max3A, %sub3A_267 : vector<16xi32>
      %min3A_271 = vector.broadcast %jit3A_269 : i32 to vector<16xi32>
      %min3A_272 = arith.minsi %min3A_271, %max3A_270 : vector<16xi32>
      %get3A_273 = arith.index_cast %mul3A_260 : i32 to index
      %get3A_274 = tpu.vector_load %arg17[%get3A_273] {strides = array<i32>} : memref<4096xf32, #tpu.memory_space<vmem>>, vector<16xf32>,
      tpu.vector_store_idx %arg18[%min3A_272], %get3A_274 masked %and3A_265 : memref<3128xf32, #tpu.memory_space<vmem>>[vector<16xi32>], vector<16xf32>, vector<16xi1>
    }
    %scan3A_247 = arith.constant 256 : i32
    %lt3A_248 = arith.constant 31 : i32
    %lt3A_249 = arith.cmpi slt, %add3A, %lt3A_248 : i32
    %convert_element_type3A_250 = arith.extui %lt3A_249 : i1 to i32
    %cond3A_251 = arith.constant 0 : i32
    %cond3A_252 = arith.cmpi ne, %convert_element_type3A_250, %cond3A_251 : i32
    scf.if %cond3A_252 {
      "tpu.region"() ({
        %run_scoped3A = tpu.sem_alloc : memref<!tpu.dma_semaphore, #tpu.memory_space<semaphore_mem>>
        %dma_start3A = tpu.memref_slice %arg12[%mul3A_2] : memref<100000xf32, #tpu.memory_space<hbm>> -> memref<3128xf32, #tpu.memory_space<hbm>>
        %dma_start3A_258 = tpu.memref_slice %arg12[%mul3A_2] : memref<100000xf32, #tpu.memory_space<hbm>> -> memref<3128xf32, #tpu.memory_space<hbm>>
        tpu.enqueue_dma source(%arg18 : memref<3128xf32, #tpu.memory_space<vmem>>) target(%dma_start3A_258 : memref<3128xf32, #tpu.memory_space<hbm>>) target_semaphore(%run_scoped3A : memref<!tpu.dma_semaphore, #tpu.memory_space<semaphore_mem>>)
        %dma_wait3A = tpu.memref_slice %arg12[%mul3A_2] : memref<100000xf32, #tpu.memory_space<hbm>> -> memref<3128xf32, #tpu.memory_space<hbm>>
        %dma_wait3A_259 = tpu.memref_slice %arg12[%mul3A_2] : memref<100000xf32, #tpu.memory_space<hbm>> -> memref<3128xf32, #tpu.memory_space<hbm>>
        tpu.wait_dma2 semaphore(%run_scoped3A : memref<!tpu.dma_semaphore, #tpu.memory_space<semaphore_mem>>) src(%arg18 : memref<3128xf32, #tpu.memory_space<vmem>>) dst(%dma_wait3A_259 : memref<3128xf32, #tpu.memory_space<hbm>>)
        tpu.yield
      }) : () -> ()
    } else {
    }
    %eq3A_253 = arith.constant 31 : i32
    %eq3A_254 = arith.cmpi eq, %add3A, %eq3A_253 : i32
    %convert_element_type3A_255 = arith.extui %eq3A_254 : i1 to i32
    %cond3A_256 = arith.constant 0 : i32
    %cond3A_257 = arith.cmpi ne, %convert_element_type3A_255, %cond3A_256 : i32
    scf.if %cond3A_257 {
      "tpu.region"() ({
        %run_scoped3A = tpu.sem_alloc : memref<!tpu.dma_semaphore, #tpu.memory_space<semaphore_mem>>
        %dma_start3A = arith.constant 0 : i32
        %dma_start3A_258 = tpu.memref_slice %arg18[%dma_start3A] : memref<3128xf32, #tpu.memory_space<vmem>> -> memref<3032xf32, #tpu.memory_space<vmem>>
        %dma_start3A_259 = arith.constant 96968 : i32
        %dma_start3A_260 = tpu.memref_slice %arg12[%dma_start3A_259] : memref<100000xf32, #tpu.memory_space<hbm>> -> memref<3032xf32, #tpu.memory_space<hbm>>
        %dma_start3A_261 = arith.constant 96968 : i32
        %dma_start3A_262 = tpu.memref_slice %arg12[%dma_start3A_261] : memref<100000xf32, #tpu.memory_space<hbm>> -> memref<3032xf32, #tpu.memory_space<hbm>>
        %dma_start3A_263 = arith.constant 0 : i32
        %dma_start3A_264 = tpu.memref_slice %arg18[%dma_start3A_263] : memref<3128xf32, #tpu.memory_space<vmem>> -> memref<3032xf32, #tpu.memory_space<vmem>>
        tpu.enqueue_dma source(%dma_start3A_264 : memref<3032xf32, #tpu.memory_space<vmem>>) target(%dma_start3A_262 : memref<3032xf32, #tpu.memory_space<hbm>>) target_semaphore(%run_scoped3A : memref<!tpu.dma_semaphore, #tpu.memory_space<semaphore_mem>>)
        %dma_wait3A = arith.constant 0 : i32
        %dma_wait3A_265 = tpu.memref_slice %arg18[%dma_wait3A] : memref<3128xf32, #tpu.memory_space<vmem>> -> memref<3032xf32, #tpu.memory_space<vmem>>
        %dma_wait3A_266 = arith.constant 96968 : i32
        %dma_wait3A_267 = tpu.memref_slice %arg12[%dma_wait3A_266] : memref<100000xf32, #tpu.memory_space<hbm>> -> memref<3032xf32, #tpu.memory_space<hbm>>
        %dma_wait3A_268 = arith.constant 96968 : i32
        %dma_wait3A_269 = tpu.memref_slice %arg12[%dma_wait3A_268] : memref<100000xf32, #tpu.memory_space<hbm>> -> memref<3032xf32, #tpu.memory_space<hbm>>
        %dma_wait3A_270 = arith.constant 0 : i32
        %dma_wait3A_271 = tpu.memref_slice %arg18[%dma_wait3A_270] : memref<3128xf32, #tpu.memory_space<vmem>> -> memref<3032xf32, #tpu.memory_space<vmem>>
        tpu.wait_dma2 semaphore(%run_scoped3A : memref<!tpu.dma_semaphore, #tpu.memory_space<semaphore_mem>>) src(%dma_wait3A_271 : memref<3032xf32, #tpu.memory_space<vmem>>) dst(%dma_wait3A_269 : memref<3032xf32, #tpu.memory_space<hbm>>)
        tpu.yield
      }) : () -> ()
    } else {
    }
    return
  }
}

#map = affine_map<(d0, d1) -> (0, 0)>
#map1 = affine_map<(d0, d1) -> (0)>
module attributes {stable_mosaic.version = 14 : i64} {
  func.func @_k3(%arg0: i32, %arg1: i32, %arg2: memref<4096x128xf32, #tpu.memory_space<hbm>>, %arg3: memref<4096xi32, #tpu.memory_space<hbm>>, %arg4: memref<4096x128xf32, #tpu.memory_space<hbm>>, %arg5: memref<128xi32, #tpu.memory_space<vmem>>, %arg6: memref<128x128xf32, #tpu.memory_space<vmem>>, %arg7: memref<!tpu.dma_semaphore, #tpu.memory_space<semaphore_mem>>) attributes {dimension_semantics = [#tpu.dimension_semantics<core_parallel>, #tpu.dimension_semantics<subcore_parallel>], iteration_bounds = array<i64: 2, 16>, scalar_prefetch = 0 : i64, scratch_operands = 3 : i64, tpu.core_type = #tpu.core_type<sc_vector_subcore>, window_params = [{transform_indices = #map}, {transform_indices = #map1}, {transform_indices = #map}]} {
    %mul3A = arith.constant 2 : i32
    %mul3A_0 = arith.muli %arg1, %mul3A : i32
    %add3A = arith.addi %mul3A_0, %arg0 : i32
    %mul3A_1 = arith.constant 128 : i32
    %mul3A_2 = arith.muli %add3A, %mul3A_1 : i32
    "tpu.region"() ({
      %run_scoped3A = tpu.sem_alloc : memref<!tpu.dma_semaphore, #tpu.memory_space<semaphore_mem>>
      %dma_start3A_7 = tpu.memref_slice %arg3[%mul3A_2] : memref<4096xi32, #tpu.memory_space<hbm>> -> memref<128xi32, #tpu.memory_space<hbm>>
      %dma_start3A_8 = tpu.memref_slice %arg3[%mul3A_2] : memref<4096xi32, #tpu.memory_space<hbm>> -> memref<128xi32, #tpu.memory_space<hbm>>
      tpu.enqueue_dma source(%dma_start3A_8 : memref<128xi32, #tpu.memory_space<hbm>>) target(%arg5 : memref<128xi32, #tpu.memory_space<vmem>>) target_semaphore(%run_scoped3A : memref<!tpu.dma_semaphore, #tpu.memory_space<semaphore_mem>>)
      %dma_wait3A_9 = tpu.memref_slice %arg3[%mul3A_2] : memref<4096xi32, #tpu.memory_space<hbm>> -> memref<128xi32, #tpu.memory_space<hbm>>
      %dma_wait3A_10 = tpu.memref_slice %arg3[%mul3A_2] : memref<4096xi32, #tpu.memory_space<hbm>> -> memref<128xi32, #tpu.memory_space<hbm>>
      tpu.wait_dma2 semaphore(%run_scoped3A : memref<!tpu.dma_semaphore, #tpu.memory_space<semaphore_mem>>) src(%dma_wait3A_10 : memref<128xi32, #tpu.memory_space<hbm>>) dst(%arg5 : memref<128xi32, #tpu.memory_space<vmem>>)
      tpu.yield
    }) : () -> ()
    %dma_start3A = arith.constant 0 : i32
    %dma_start3A_3 = arith.constant 0 : i32
    %dma_start3A_4 = tpu.memref_slice %arg2[%dma_start3A, %dma_start3A_3] : memref<4096x128xf32, #tpu.memory_space<hbm>> -> memref<4096x128xf32, #tpu.memory_space<hbm>>
    tpu.enqueue_indirect_dma source(%dma_start3A_4 : memref<4096x128xf32, #tpu.memory_space<hbm>>) target(%arg6 : memref<128x128xf32, #tpu.memory_space<vmem>>) offsets(%arg5 : memref<128xi32, #tpu.memory_space<vmem>>) semaphore(%arg7 : memref<!tpu.dma_semaphore, #tpu.memory_space<semaphore_mem>>)
    %dma_wait3A = arith.constant 0 : i32
    %dma_wait3A_5 = arith.constant 0 : i32
    %dma_wait3A_6 = tpu.memref_slice %arg2[%dma_wait3A, %dma_wait3A_5] : memref<4096x128xf32, #tpu.memory_space<hbm>> -> memref<4096x128xf32, #tpu.memory_space<hbm>>
    tpu.wait_indirect_dma semaphore(%arg7 : memref<!tpu.dma_semaphore, #tpu.memory_space<semaphore_mem>>) src(%dma_wait3A_6 : memref<4096x128xf32, #tpu.memory_space<hbm>>) dst(%arg6 : memref<128x128xf32, #tpu.memory_space<vmem>>)
    "tpu.region"() ({
      %run_scoped3A = tpu.sem_alloc : memref<!tpu.dma_semaphore, #tpu.memory_space<semaphore_mem>>
      %dma_start3A_7 = arith.constant 0 : i32
      %dma_start3A_8 = tpu.memref_slice %arg4[%mul3A_2, %dma_start3A_7] : memref<4096x128xf32, #tpu.memory_space<hbm>> -> memref<128x128xf32, #tpu.memory_space<hbm>>
      %dma_start3A_9 = arith.constant 0 : i32
      %dma_start3A_10 = tpu.memref_slice %arg4[%mul3A_2, %dma_start3A_9] : memref<4096x128xf32, #tpu.memory_space<hbm>> -> memref<128x128xf32, #tpu.memory_space<hbm>>
      tpu.enqueue_dma source(%arg6 : memref<128x128xf32, #tpu.memory_space<vmem>>) target(%dma_start3A_10 : memref<128x128xf32, #tpu.memory_space<hbm>>) target_semaphore(%run_scoped3A : memref<!tpu.dma_semaphore, #tpu.memory_space<semaphore_mem>>)
      %dma_wait3A_11 = arith.constant 0 : i32
      %dma_wait3A_12 = tpu.memref_slice %arg4[%mul3A_2, %dma_wait3A_11] : memref<4096x128xf32, #tpu.memory_space<hbm>> -> memref<128x128xf32, #tpu.memory_space<hbm>>
      %dma_wait3A_13 = arith.constant 0 : i32
      %dma_wait3A_14 = tpu.memref_slice %arg4[%mul3A_2, %dma_wait3A_13] : memref<4096x128xf32, #tpu.memory_space<hbm>> -> memref<128x128xf32, #tpu.memory_space<hbm>>
      tpu.wait_dma2 semaphore(%run_scoped3A : memref<!tpu.dma_semaphore, #tpu.memory_space<semaphore_mem>>) src(%arg6 : memref<128x128xf32, #tpu.memory_space<vmem>>) dst(%dma_wait3A_14 : memref<128x128xf32, #tpu.memory_space<hbm>>)
      tpu.yield
    }) : () -> ()
    return
  }
}

module attributes {stable_mosaic.version = 14 : i64} {
  func.func @_k2_body(%arg0: memref<4096x128xf32, #tpu.memory_space<vmem>>, %arg1: memref<4096x128xf32, #tpu.memory_space<vmem>>, %arg2: memref<256x128xf32, #tpu.memory_space<vmem>>, %arg3: memref<1x256xf32, #tpu.memory_space<vmem>>, %arg4: memref<512x128xf32, #tpu.memory_space<vmem>>, %arg5: memref<1x512xf32, #tpu.memory_space<vmem>>, %arg6: memref<4096x128xf32, #tpu.memory_space<vmem>>) attributes {dimension_semantics = [], scalar_prefetch = 0 : i64, scratch_operands = 0 : i64, tpu.core_type = #tpu.core_type<tc>} {
    %get3A = arith.constant 0 : index
    %get3A_0 = arith.constant 0 : index
    %get3A_1 = vector.load %arg0[%get3A, %get3A_0] : memref<4096x128xf32, #tpu.memory_space<vmem>>, vector<4096x128xf32>
    %get3A_2 = arith.constant 0 : index
    %get3A_3 = arith.constant 0 : index
    %get3A_4 = vector.load %arg1[%get3A_2, %get3A_3] : memref<4096x128xf32, #tpu.memory_space<vmem>>, vector<4096x128xf32>
    %get3A_5 = arith.constant 0 : index
    %get3A_6 = arith.constant 0 : index
    %get3A_7 = vector.load %arg2[%get3A_5, %get3A_6] : memref<256x128xf32, #tpu.memory_space<vmem>>, vector<256x128xf32>
    %dot_general3A = arith.constant dense<0.000000e+00> : vector<4096x256xf32>
    %dot_general3A_8 = tpu.matmul %get3A_1, %get3A_7, %dot_general3A {dimension_numbers = #tpu.dot_dimension_numbers<[1], [1], [0], [0], [0, 0, 1, 0], [], []>, transpose_lhs_hint = false} : vector<4096x128xf32>, vector<256x128xf32>, vector<4096x256xf32> -> vector<4096x256xf32>
    %get3A_9 = arith.constant 0 : index
    %get3A_10 = arith.constant 0 : index
    %get3A_11 = vector.load %arg3[%get3A_9, %get3A_10] : memref<1x256xf32, #tpu.memory_space<vmem>>, vector<1x256xf32>
    %add3A = vector.broadcast %get3A_11 : vector<1x256xf32> to vector<4096x256xf32>
    %add3A_12 = arith.addf %dot_general3A_8, %add3A : vector<4096x256xf32>
    %get3A_13 = arith.constant 0 : index
    %get3A_14 = arith.constant 0 : index
    %get3A_15 = vector.load %arg4[%get3A_13, %get3A_14] : memref<512x128xf32, #tpu.memory_space<vmem>>, vector<512x128xf32>
    %dot_general3A_16 = arith.constant dense<0.000000e+00> : vector<4096x512xf32>
    %dot_general3A_17 = tpu.matmul %get3A_4, %get3A_15, %dot_general3A_16 {dimension_numbers = #tpu.dot_dimension_numbers<[1], [1], [0], [0], [0, 0, 1, 0], [], []>, transpose_lhs_hint = false} : vector<4096x128xf32>, vector<512x128xf32>, vector<4096x512xf32> -> vector<4096x512xf32>
    %get3A_18 = arith.constant 0 : index
    %get3A_19 = arith.constant 0 : index
    %get3A_20 = vector.load %arg5[%get3A_18, %get3A_19] : memref<1x512xf32, #tpu.memory_space<vmem>>, vector<1x512xf32>
    %add3A_21 = vector.broadcast %get3A_20 : vector<1x512xf32> to vector<4096x512xf32>
    %add3A_22 = arith.addf %dot_general3A_17, %add3A_21 : vector<4096x512xf32>
    %slice3A = vector.extract_strided_slice %add3A_12 {offsets = [0, 0], sizes = [4096, 128], strides = [1, 1]} : vector<4096x256xf32> to vector<4096x128xf32>
    %slice3A_23 = vector.extract_strided_slice %add3A_22 {offsets = [0, 128], sizes = [4096, 128], strides = [1, 1]} : vector<4096x512xf32> to vector<4096x128xf32>
    %add3A_24 = arith.addf %slice3A, %slice3A_23 : vector<4096x128xf32>
    %slice3A_25 = vector.extract_strided_slice %add3A_12 {offsets = [0, 128], sizes = [4096, 128], strides = [1, 1]} : vector<4096x256xf32> to vector<4096x128xf32>
    %slice3A_26 = vector.extract_strided_slice %add3A_22 {offsets = [0, 384], sizes = [4096, 128], strides = [1, 1]} : vector<4096x512xf32> to vector<4096x128xf32>
    %add3A_27 = arith.addf %slice3A_25, %slice3A_26 : vector<4096x128xf32>
    %tanh3A = math.tanh %add3A_27 : vector<4096x128xf32>
    %logistic3A = arith.negf %add3A_24 : vector<4096x128xf32>
    %logistic3A_28 = math.exp %logistic3A : vector<4096x128xf32>
    %logistic3A_29 = arith.constant 1.000000e+00 : f32
    %logistic3A_30 = vector.broadcast %logistic3A_29 : f32 to vector<4096x128xf32>
    %logistic3A_31 = arith.addf %logistic3A_30, %logistic3A_28 : vector<4096x128xf32>
    %logistic3A_32 = arith.divf %logistic3A_30, %logistic3A_31 : vector<4096x128xf32>
    %sub3A = arith.constant 1.000000e+00 : f32
    %sub3A_33 = vector.broadcast %sub3A : f32 to vector<4096x128xf32>
    %sub3A_34 = arith.subf %sub3A_33, %logistic3A_32 : vector<4096x128xf32>
    %mul3A = arith.mulf %sub3A_34, %tanh3A : vector<4096x128xf32>
    %mul3A_35 = arith.mulf %logistic3A_32, %get3A_4 : vector<4096x128xf32>
    %add3A_36 = arith.addf %mul3A, %mul3A_35 : vector<4096x128xf32>
    %swap3A = arith.constant 0 : index
    %swap3A_37 = arith.constant 0 : index
    %swap3A_38 = vector.load %arg6[%swap3A, %swap3A_37] : memref<4096x128xf32, #tpu.memory_space<vmem>>, vector<4096x128xf32>
    tpu.vector_store %arg6[%swap3A, %swap3A_37], %add3A_36 {strides = array<i32>} : memref<4096x128xf32, #tpu.memory_space<vmem>>, vector<4096x128xf32>,
    return
  }
}

module attributes {stable_mosaic.version = 14 : i64} {
  func.func @_k0_body(%arg0: memref<4096x1xi32, #tpu.memory_space<vmem>>, %arg1: memref<1x4096xi32, #tpu.memory_space<vmem>>, %arg2: memref<4096x1xi32, #tpu.memory_space<vmem>>, %arg3: memref<1x4096xi32, #tpu.memory_space<vmem>>, %arg4: memref<32x1xi32, #tpu.memory_space<vmem>>, %arg5: memref<4096x1xi32, #tpu.memory_space<vmem>>, %arg6: memref<4096x1xi32, #tpu.memory_space<vmem>>, %arg7: memref<4096x1xi32, #tpu.memory_space<vmem>>, %arg8: memref<32x1xi32, #tpu.memory_space<vmem>>, %arg9: memref<32x1xi32, #tpu.memory_space<vmem>>) attributes {dimension_semantics = [], scalar_prefetch = 0 : i64, scratch_operands = 0 : i64, tpu.core_type = #tpu.core_type<tc>} {
    %get3A = arith.constant 0 : index
    %get3A_0 = arith.constant 0 : index
    %get3A_1 = vector.load %arg1[%get3A, %get3A_0] : memref<1x4096xi32, #tpu.memory_space<vmem>>, vector<1x4096xi32>
    %get3A_2 = arith.constant 0 : index
    %get3A_3 = arith.constant 0 : index
    %get3A_4 = vector.load %arg3[%get3A_2, %get3A_3] : memref<1x4096xi32, #tpu.memory_space<vmem>>, vector<1x4096xi32>
    %scan3A = arith.constant 0 : i32
    %scan3A_5 = arith.constant 8 : i32
    %scan3A_6 = arith.addi %scan3A, %scan3A_5 : i32
    %scan3A_7 = arith.constant 1 : i32
    scf.for %scan3A_30 = %scan3A to %scan3A_6 step %scan3A_7  : i32 {
      %mul3A = arith.constant 512 : i32
      %mul3A_31 = arith.muli %scan3A_30, %mul3A : i32
      %get3A_32 = arith.index_cast %mul3A_31 : i32 to index
      %get3A_33 = arith.constant 0 : index
      %get3A_34 = vector.load %arg0[%get3A_32, %get3A_33] : memref<4096x1xi32, #tpu.memory_space<vmem>>, vector<512x1xi32>
      %get3A_35 = arith.index_cast %mul3A_31 : i32 to index
      %get3A_36 = arith.constant 0 : index
      %get3A_37 = vector.load %arg2[%get3A_35, %get3A_36] : memref<4096x1xi32, #tpu.memory_space<vmem>>, vector<512x1xi32>
      %iota3A_38 = tpu.iota {dimensions = array<i32: 1>} : vector<512x4096xi32>
      %eq3A_39 = vector.broadcast %get3A_34 : vector<512x1xi32> to vector<512x4096xi32>
      %eq3A_40 = vector.broadcast %get3A_1 : vector<1x4096xi32> to vector<512x4096xi32>
      %eq3A_41 = arith.cmpi eq, %eq3A_39, %eq3A_40 : vector<512x4096xi32>
      %jit3A_42 = arith.constant -1 : i32
      %broadcast_in_dim3A_43 = vector.broadcast %jit3A_42 : i32 to vector<512x4096xi32>
      %select_n3A_44 = arith.select %eq3A_41, %iota3A_38, %broadcast_in_dim3A_43 : vector<512x4096xi1>, vector<512x4096xi32>
      %reduce_max3A_45 = arith.constant dense<-2147483648> : vector<512xi32>
      %reduce_max3A_46 = vector.multi_reduction <maxsi>, %select_n3A_44, %reduce_max3A_45 [1] : vector<512x4096xi32> to vector<512xi32>
      %broadcast_in_dim3A_47 = vector.shape_cast %reduce_max3A_46 : vector<512xi32> to vector<512x1xi32>
      %eq3A_48 = vector.broadcast %get3A_37 : vector<512x1xi32> to vector<512x4096xi32>
      %eq3A_49 = vector.broadcast %get3A_1 : vector<1x4096xi32> to vector<512x4096xi32>
      %eq3A_50 = arith.cmpi eq, %eq3A_48, %eq3A_49 : vector<512x4096xi32>
      %jit3A_51 = arith.constant -1 : i32
      %broadcast_in_dim3A_52 = vector.broadcast %jit3A_51 : i32 to vector<512x4096xi32>
      %select_n3A_53 = arith.select %eq3A_50, %iota3A_38, %broadcast_in_dim3A_52 : vector<512x4096xi1>, vector<512x4096xi32>
      %reduce_max3A_54 = arith.constant dense<-2147483648> : vector<512xi32>
      %reduce_max3A_55 = vector.multi_reduction <maxsi>, %select_n3A_53, %reduce_max3A_54 [1] : vector<512x4096xi32> to vector<512xi32>
      %broadcast_in_dim3A_56 = vector.shape_cast %reduce_max3A_55 : vector<512xi32> to vector<512x1xi32>
      %eq3A_57 = vector.broadcast %get3A_37 : vector<512x1xi32> to vector<512x4096xi32>
      %eq3A_58 = vector.broadcast %get3A_4 : vector<1x4096xi32> to vector<512x4096xi32>
      %eq3A_59 = arith.cmpi eq, %eq3A_57, %eq3A_58 : vector<512x4096xi32>
      %jit3A_60 = arith.constant -1 : i32
      %broadcast_in_dim3A_61 = vector.broadcast %jit3A_60 : i32 to vector<512x4096xi32>
      %select_n3A_62 = arith.select %eq3A_59, %iota3A_38, %broadcast_in_dim3A_61 : vector<512x4096xi1>, vector<512x4096xi32>
      %reduce_max3A_63 = arith.constant dense<-2147483648> : vector<512xi32>
      %reduce_max3A_64 = vector.multi_reduction <maxsi>, %select_n3A_62, %reduce_max3A_63 [1] : vector<512x4096xi32> to vector<512xi32>
      %broadcast_in_dim3A_65 = vector.shape_cast %reduce_max3A_64 : vector<512xi32> to vector<512x1xi32>
      %iota3A_66 = tpu.iota {dimensions = array<i32: 0>} : vector<512x1xi32>
      %mul3A_67 = arith.constant 512 : i32
      %mul3A_68 = arith.muli %scan3A_30, %mul3A_67 : i32
      %add3A = vector.broadcast %mul3A_68 : i32 to vector<512x1xi32>
      %add3A_69 = arith.addi %iota3A_66, %add3A : vector<512x1xi32>
      %eq3A_70 = arith.cmpi eq, %broadcast_in_dim3A_47, %add3A_69 : vector<512x1xi32>
      %convert_element_type3A = arith.extui %eq3A_70 : vector<512x1xi1> to vector<512x1xi32>
      %swap3A_71 = arith.index_cast %mul3A_31 : i32 to index
      %swap3A_72 = arith.constant 0 : index
      %swap3A_73 = vector.load %arg5[%swap3A_71, %swap3A_72] : memref<4096x1xi32, #tpu.memory_space<vmem>>, vector<512x1xi32>
      tpu.vector_store %arg5[%swap3A_71, %swap3A_72], %convert_element_type3A {strides = array<i32>} : memref<4096x1xi32, #tpu.memory_space<vmem>>, vector<512x1xi32>,
      %swap3A_74 = arith.index_cast %mul3A_31 : i32 to index
      %swap3A_75 = arith.constant 0 : index
      %swap3A_76 = vector.load %arg6[%swap3A_74, %swap3A_75] : memref<4096x1xi32, #tpu.memory_space<vmem>>, vector<512x1xi32>
      tpu.vector_store %arg6[%swap3A_74, %swap3A_75], %broadcast_in_dim3A_56 {strides = array<i32>} : memref<4096x1xi32, #tpu.memory_space<vmem>>, vector<512x1xi32>,
      %eq3A_77 = arith.cmpi eq, %broadcast_in_dim3A_65, %add3A_69 : vector<512x1xi32>
      %convert_element_type3A_78 = arith.extui %eq3A_77 : vector<512x1xi1> to vector<512x1xi32>
      %swap3A_79 = arith.index_cast %mul3A_31 : i32 to index
      %swap3A_80 = arith.constant 0 : index
      %swap3A_81 = vector.load %arg7[%swap3A_79, %swap3A_80] : memref<4096x1xi32, #tpu.memory_space<vmem>>, vector<512x1xi32>
      tpu.vector_store %arg7[%swap3A_79, %swap3A_80], %convert_element_type3A_78 {strides = array<i32>} : memref<4096x1xi32, #tpu.memory_space<vmem>>, vector<512x1xi32>,
    }
    %scan3A_8 = arith.constant 8 : i32
    %iota3A = tpu.iota {dimensions = array<i32: 1>} : vector<32x4096xi32>
    %get3A_9 = arith.constant 0 : index
    %get3A_10 = arith.constant 0 : index
    %get3A_11 = vector.load %arg4[%get3A_9, %get3A_10] : memref<32x1xi32, #tpu.memory_space<vmem>>, vector<32x1xi32>
    %eq3A = vector.broadcast %get3A_11 : vector<32x1xi32> to vector<32x4096xi32>
    %eq3A_12 = vector.broadcast %get3A_1 : vector<1x4096xi32> to vector<32x4096xi32>
    %eq3A_13 = arith.cmpi eq, %eq3A, %eq3A_12 : vector<32x4096xi32>
    %jit3A = arith.constant -1 : i32
    %broadcast_in_dim3A = vector.broadcast %jit3A : i32 to vector<32x4096xi32>
    %select_n3A = arith.select %eq3A_13, %iota3A, %broadcast_in_dim3A : vector<32x4096xi1>, vector<32x4096xi32>
    %reduce_max3A = arith.constant dense<-2147483648> : vector<32xi32>
    %reduce_max3A_14 = vector.multi_reduction <maxsi>, %select_n3A, %reduce_max3A [1] : vector<32x4096xi32> to vector<32xi32>
    %broadcast_in_dim3A_15 = vector.shape_cast %reduce_max3A_14 : vector<32xi32> to vector<32x1xi32>
    %swap3A = arith.constant 0 : index
    %swap3A_16 = arith.constant 0 : index
    %swap3A_17 = vector.load %arg8[%swap3A, %swap3A_16] : memref<32x1xi32, #tpu.memory_space<vmem>>, vector<32x1xi32>
    tpu.vector_store %arg8[%swap3A, %swap3A_16], %broadcast_in_dim3A_15 {strides = array<i32>} : memref<32x1xi32, #tpu.memory_space<vmem>>, vector<32x1xi32>,
    %eq3A_18 = vector.broadcast %get3A_11 : vector<32x1xi32> to vector<32x4096xi32>
    %eq3A_19 = vector.broadcast %get3A_4 : vector<1x4096xi32> to vector<32x4096xi32>
    %eq3A_20 = arith.cmpi eq, %eq3A_18, %eq3A_19 : vector<32x4096xi32>
    %jit3A_21 = arith.constant -1 : i32
    %broadcast_in_dim3A_22 = vector.broadcast %jit3A_21 : i32 to vector<32x4096xi32>
    %select_n3A_23 = arith.select %eq3A_20, %iota3A, %broadcast_in_dim3A_22 : vector<32x4096xi1>, vector<32x4096xi32>
    %reduce_max3A_24 = arith.constant dense<-2147483648> : vector<32xi32>
    %reduce_max3A_25 = vector.multi_reduction <maxsi>, %select_n3A_23, %reduce_max3A_24 [1] : vector<32x4096xi32> to vector<32xi32>
    %broadcast_in_dim3A_26 = vector.shape_cast %reduce_max3A_25 : vector<32xi32> to vector<32x1xi32>
    %swap3A_27 = arith.constant 0 : index
    %swap3A_28 = arith.constant 0 : index
    %swap3A_29 = vector.load %arg9[%swap3A_27, %swap3A_28] : memref<32x1xi32, #tpu.memory_space<vmem>>, vector<32x1xi32>
    tpu.vector_store %arg9[%swap3A_27, %swap3A_28], %broadcast_in_dim3A_26 {strides = array<i32>} : memref<32x1xi32, #tpu.memory_space<vmem>>, vector<32x1xi32>,
    return
  }
}

module attributes {stable_mosaic.version = 14 : i64} {
  func.func @_k4_body(%arg0: memref<4096x128xf32, #tpu.memory_space<vmem>>, %arg1: memref<4096x128xf32, #tpu.memory_space<vmem>>, %arg2: memref<4096x128xf32, #tpu.memory_space<vmem>>, %arg3: memref<4096x128xf32, #tpu.memory_space<vmem>>, %arg4: memref<4096x1xi32, #tpu.memory_space<vmem>>, %arg5: memref<256x128xf32, #tpu.memory_space<vmem>>, %arg6: memref<1x256xf32, #tpu.memory_space<vmem>>, %arg7: memref<256x128xf32, #tpu.memory_space<vmem>>, %arg8: memref<1x256xf32, #tpu.memory_space<vmem>>, %arg9: memref<512x128xf32, #tpu.memory_space<vmem>>, %arg10: memref<1x512xf32, #tpu.memory_space<vmem>>, %arg11: memref<4096x128xf32, #tpu.memory_space<vmem>>, %arg12: memref<32x1xi32, #tpu.memory_space<vmem>>, %arg13: memref<32x1xi32, #tpu.memory_space<vmem>>, %arg14: memref<32x128xf32, #tpu.memory_space<vmem>>, %arg15: memref<4096x128xf32, #tpu.memory_space<vmem>>, %arg16: memref<32x128xf32, #tpu.memory_space<vmem>>) attributes {dimension_semantics = [], scalar_prefetch = 0 : i64, scratch_operands = 0 : i64, tpu.core_type = #tpu.core_type<tc>} {
    %get3A = arith.constant 0 : index
    %get3A_0 = arith.constant 0 : index
    %get3A_1 = vector.load %arg4[%get3A, %get3A_0] : memref<4096x1xi32, #tpu.memory_space<vmem>>, vector<4096x1xi32>
    %gt3A = arith.constant 0 : i32
    %gt3A_2 = vector.broadcast %gt3A : i32 to vector<4096x1xi32>
    %gt3A_3 = arith.cmpi sgt, %get3A_1, %gt3A_2 : vector<4096x1xi32>
    %get3A_4 = arith.constant 0 : index
    %get3A_5 = arith.constant 0 : index
    %get3A_6 = vector.load %arg3[%get3A_4, %get3A_5] : memref<4096x128xf32, #tpu.memory_space<vmem>>, vector<4096x128xf32>
    %get3A_7 = arith.constant 0 : index
    %get3A_8 = arith.constant 0 : index
    %get3A_9 = vector.load %arg2[%get3A_7, %get3A_8] : memref<4096x128xf32, #tpu.memory_space<vmem>>, vector<4096x128xf32>
    %broadcast_in_dim3A = vector.shape_cast %gt3A_3 : vector<4096x1xi1> to vector<4096x1xi1>
    %broadcast_in_dim3A_10 = vector.broadcast %broadcast_in_dim3A : vector<4096x1xi1> to vector<4096x128xi1>
    %select_n3A = arith.select %broadcast_in_dim3A_10, %get3A_6, %get3A_9 : vector<4096x128xi1>, vector<4096x128xf32>
    %get3A_11 = arith.constant 0 : index
    %get3A_12 = arith.constant 0 : index
    %get3A_13 = vector.load %arg0[%get3A_11, %get3A_12] : memref<4096x128xf32, #tpu.memory_space<vmem>>, vector<4096x128xf32>
    %get3A_14 = arith.constant 0 : index
    %get3A_15 = arith.constant 0 : index
    %get3A_16 = vector.load %arg5[%get3A_14, %get3A_15] : memref<256x128xf32, #tpu.memory_space<vmem>>, vector<256x128xf32>
    %dot_general3A = arith.constant dense<0.000000e+00> : vector<4096x256xf32>
    %dot_general3A_17 = tpu.matmul %get3A_13, %get3A_16, %dot_general3A {dimension_numbers = #tpu.dot_dimension_numbers<[1], [1], [0], [0], [0, 0, 1, 0], [], []>, transpose_lhs_hint = false} : vector<4096x128xf32>, vector<256x128xf32>, vector<4096x256xf32> -> vector<4096x256xf32>
    %get3A_18 = arith.constant 0 : index
    %get3A_19 = arith.constant 0 : index
    %get3A_20 = vector.load %arg6[%get3A_18, %get3A_19] : memref<1x256xf32, #tpu.memory_space<vmem>>, vector<1x256xf32>
    %add3A = vector.broadcast %get3A_20 : vector<1x256xf32> to vector<4096x256xf32>
    %add3A_21 = arith.addf %dot_general3A_17, %add3A : vector<4096x256xf32>
    %get3A_22 = arith.constant 0 : index
    %get3A_23 = arith.constant 0 : index
    %get3A_24 = vector.load %arg1[%get3A_22, %get3A_23] : memref<4096x128xf32, #tpu.memory_space<vmem>>, vector<4096x128xf32>
    %get3A_25 = arith.constant 0 : index
    %get3A_26 = arith.constant 0 : index
    %get3A_27 = vector.load %arg7[%get3A_25, %get3A_26] : memref<256x128xf32, #tpu.memory_space<vmem>>, vector<256x128xf32>
    %dot_general3A_28 = arith.constant dense<0.000000e+00> : vector<4096x256xf32>
    %dot_general3A_29 = tpu.matmul %get3A_24, %get3A_27, %dot_general3A_28 {dimension_numbers = #tpu.dot_dimension_numbers<[1], [1], [0], [0], [0, 0, 1, 0], [], []>, transpose_lhs_hint = false} : vector<4096x128xf32>, vector<256x128xf32>, vector<4096x256xf32> -> vector<4096x256xf32>
    %get3A_30 = arith.constant 0 : index
    %get3A_31 = arith.constant 0 : index
    %get3A_32 = vector.load %arg8[%get3A_30, %get3A_31] : memref<1x256xf32, #tpu.memory_space<vmem>>, vector<1x256xf32>
    %add3A_33 = vector.broadcast %get3A_32 : vector<1x256xf32> to vector<4096x256xf32>
    %add3A_34 = arith.addf %dot_general3A_29, %add3A_33 : vector<4096x256xf32>
    %get3A_35 = arith.constant 0 : index
    %get3A_36 = arith.constant 0 : index
    %get3A_37 = vector.load %arg9[%get3A_35, %get3A_36] : memref<512x128xf32, #tpu.memory_space<vmem>>, vector<512x128xf32>
    %dot_general3A_38 = arith.constant dense<0.000000e+00> : vector<4096x512xf32>
    %dot_general3A_39 = tpu.matmul %select_n3A, %get3A_37, %dot_general3A_38 {dimension_numbers = #tpu.dot_dimension_numbers<[1], [1], [0], [0], [0, 0, 1, 0], [], []>, transpose_lhs_hint = false} : vector<4096x128xf32>, vector<512x128xf32>, vector<4096x512xf32> -> vector<4096x512xf32>
    %get3A_40 = arith.constant 0 : index
    %get3A_41 = arith.constant 0 : index
    %get3A_42 = vector.load %arg10[%get3A_40, %get3A_41] : memref<1x512xf32, #tpu.memory_space<vmem>>, vector<1x512xf32>
    %add3A_43 = vector.broadcast %get3A_42 : vector<1x512xf32> to vector<4096x512xf32>
    %add3A_44 = arith.addf %dot_general3A_39, %add3A_43 : vector<4096x512xf32>
    %slice3A = vector.extract_strided_slice %add3A_34 {offsets = [0, 0], sizes = [4096, 128], strides = [1, 1]} : vector<4096x256xf32> to vector<4096x128xf32>
    %slice3A_45 = vector.extract_strided_slice %add3A_44 {offsets = [0, 0], sizes = [4096, 128], strides = [1, 1]} : vector<4096x512xf32> to vector<4096x128xf32>
    %add3A_46 = arith.addf %slice3A, %slice3A_45 : vector<4096x128xf32>
    %slice3A_47 = vector.extract_strided_slice %add3A_21 {offsets = [0, 0], sizes = [4096, 128], strides = [1, 1]} : vector<4096x256xf32> to vector<4096x128xf32>
    %slice3A_48 = vector.extract_strided_slice %add3A_44 {offsets = [0, 128], sizes = [4096, 128], strides = [1, 1]} : vector<4096x512xf32> to vector<4096x128xf32>
    %add3A_49 = arith.addf %slice3A_47, %slice3A_48 : vector<4096x128xf32>
    %slice3A_50 = vector.extract_strided_slice %add3A_34 {offsets = [0, 128], sizes = [4096, 128], strides = [1, 1]} : vector<4096x256xf32> to vector<4096x128xf32>
    %slice3A_51 = vector.extract_strided_slice %add3A_44 {offsets = [0, 256], sizes = [4096, 128], strides = [1, 1]} : vector<4096x512xf32> to vector<4096x128xf32>
    %add3A_52 = arith.addf %slice3A_50, %slice3A_51 : vector<4096x128xf32>
    %tanh3A = math.tanh %add3A_52 : vector<4096x128xf32>
    %slice3A_53 = vector.extract_strided_slice %add3A_21 {offsets = [0, 128], sizes = [4096, 128], strides = [1, 1]} : vector<4096x256xf32> to vector<4096x128xf32>
    %slice3A_54 = vector.extract_strided_slice %add3A_44 {offsets = [0, 384], sizes = [4096, 128], strides = [1, 1]} : vector<4096x512xf32> to vector<4096x128xf32>
    %add3A_55 = arith.addf %slice3A_53, %slice3A_54 : vector<4096x128xf32>
    %tanh3A_56 = math.tanh %add3A_55 : vector<4096x128xf32>
    %logistic3A = arith.negf %add3A_46 : vector<4096x128xf32>
    %logistic3A_57 = math.exp %logistic3A : vector<4096x128xf32>
    %logistic3A_58 = arith.constant 1.000000e+00 : f32
    %logistic3A_59 = vector.broadcast %logistic3A_58 : f32 to vector<4096x128xf32>
    %logistic3A_60 = arith.addf %logistic3A_59, %logistic3A_57 : vector<4096x128xf32>
    %logistic3A_61 = arith.divf %logistic3A_59, %logistic3A_60 : vector<4096x128xf32>
    %logistic3A_62 = arith.negf %add3A_49 : vector<4096x128xf32>
    %logistic3A_63 = math.exp %logistic3A_62 : vector<4096x128xf32>
    %logistic3A_64 = arith.constant 1.000000e+00 : f32
    %logistic3A_65 = vector.broadcast %logistic3A_64 : f32 to vector<4096x128xf32>
    %logistic3A_66 = arith.addf %logistic3A_65, %logistic3A_63 : vector<4096x128xf32>
    %logistic3A_67 = arith.divf %logistic3A_65, %logistic3A_66 : vector<4096x128xf32>
    %mul3A = arith.constant 5.000000e-01 : f32
    %mul3A_68 = vector.broadcast %mul3A : f32 to vector<4096x128xf32>
    %mul3A_69 = arith.mulf %logistic3A_61, %mul3A_68 : vector<4096x128xf32>
    %mul3A_70 = arith.mulf %mul3A_69, %tanh3A : vector<4096x128xf32>
    %mul3A_71 = arith.constant 5.000000e-01 : f32
    %mul3A_72 = vector.broadcast %mul3A_71 : f32 to vector<4096x128xf32>
    %mul3A_73 = arith.mulf %logistic3A_67, %mul3A_72 : vector<4096x128xf32>
    %mul3A_74 = arith.mulf %mul3A_73, %tanh3A_56 : vector<4096x128xf32>
    %add3A_75 = arith.addf %mul3A_70, %mul3A_74 : vector<4096x128xf32>
    %sub3A = arith.constant 2.000000e+00 : f32
    %sub3A_76 = vector.broadcast %sub3A : f32 to vector<4096x128xf32>
    %sub3A_77 = arith.subf %sub3A_76, %logistic3A_61 : vector<4096x128xf32>
    %sub3A_78 = arith.subf %sub3A_77, %logistic3A_67 : vector<4096x128xf32>
    %mul3A_79 = arith.constant 5.000000e-01 : f32
    %mul3A_80 = vector.broadcast %mul3A_79 : f32 to vector<4096x128xf32>
    %mul3A_81 = arith.mulf %sub3A_78, %mul3A_80 : vector<4096x128xf32>
    %mul3A_82 = arith.mulf %mul3A_81, %select_n3A : vector<4096x128xf32>
    %add3A_83 = arith.addf %add3A_75, %mul3A_82 : vector<4096x128xf32>
    %swap3A = arith.constant 0 : index
    %swap3A_84 = arith.constant 0 : index
    %swap3A_85 = vector.load %arg15[%swap3A, %swap3A_84] : memref<4096x128xf32, #tpu.memory_space<vmem>>, vector<4096x128xf32>
    tpu.vector_store %arg15[%swap3A, %swap3A_84], %add3A_83 {strides = array<i32>} : memref<4096x128xf32, #tpu.memory_space<vmem>>, vector<4096x128xf32>,
    %iota3A = tpu.iota {dimensions = array<i32: 1>} : vector<32x4096xi32>
    %get3A_86 = arith.constant 0 : index
    %get3A_87 = arith.constant 0 : index
    %get3A_88 = vector.load %arg12[%get3A_86, %get3A_87] : memref<32x1xi32, #tpu.memory_space<vmem>>, vector<32x1xi32>
    %eq3A = vector.broadcast %get3A_88 : vector<32x1xi32> to vector<32x4096xi32>
    %eq3A_89 = arith.cmpi eq, %eq3A, %iota3A : vector<32x4096xi32>
    %convert_element_type3A = arith.extui %eq3A_89 : vector<32x4096xi1> to vector<32x4096xi32>
    %convert_element_type3A_90 = arith.sitofp %convert_element_type3A : vector<32x4096xi32> to vector<32x4096xf32>
    %get3A_91 = arith.constant 0 : index
    %get3A_92 = arith.constant 0 : index
    %get3A_93 = vector.load %arg13[%get3A_91, %get3A_92] : memref<32x1xi32, #tpu.memory_space<vmem>>, vector<32x1xi32>
    %eq3A_94 = vector.broadcast %get3A_93 : vector<32x1xi32> to vector<32x4096xi32>
    %eq3A_95 = arith.cmpi eq, %eq3A_94, %iota3A : vector<32x4096xi32>
    %convert_element_type3A_96 = arith.extui %eq3A_95 : vector<32x4096xi1> to vector<32x4096xi32>
    %convert_element_type3A_97 = arith.sitofp %convert_element_type3A_96 : vector<32x4096xi32> to vector<32x4096xf32>
    %get3A_98 = arith.constant 0 : index
    %get3A_99 = arith.constant 0 : index
    %get3A_100 = vector.load %arg11[%get3A_98, %get3A_99] : memref<4096x128xf32, #tpu.memory_space<vmem>>, vector<4096x128xf32>
    %dot_general3A_101 = arith.constant dense<0.000000e+00> : vector<32x128xf32>
    %dot_general3A_102 = tpu.matmul %convert_element_type3A_90, %get3A_100, %dot_general3A_101 {dimension_numbers = #tpu.dot_dimension_numbers<[1], [0], [0], [1], [0, 0, 1, 1], [], []>, transpose_lhs_hint = false} : vector<32x4096xf32>, vector<4096x128xf32>, vector<32x128xf32> -> vector<32x128xf32>
    %dot_general3A_103 = arith.constant dense<0.000000e+00> : vector<32x128xf32>
    %dot_general3A_104 = tpu.matmul %convert_element_type3A_97, %add3A_83, %dot_general3A_103 {dimension_numbers = #tpu.dot_dimension_numbers<[1], [0], [0], [1], [0, 0, 1, 1], [], []>, transpose_lhs_hint = false} : vector<32x4096xf32>, vector<4096x128xf32>, vector<32x128xf32> -> vector<32x128xf32>
    %get3A_105 = arith.constant 0 : index
    %get3A_106 = arith.constant 0 : index
    %get3A_107 = vector.load %arg12[%get3A_105, %get3A_106] : memref<32x1xi32, #tpu.memory_space<vmem>>, vector<32x1xi32>
    %ge3A = arith.constant 0 : i32
    %ge3A_108 = vector.broadcast %ge3A : i32 to vector<32x1xi32>
    %ge3A_109 = arith.cmpi sge, %get3A_107, %ge3A_108 : vector<32x1xi32>
    %get3A_110 = arith.constant 0 : index
    %get3A_111 = arith.constant 0 : index
    %get3A_112 = vector.load %arg14[%get3A_110, %get3A_111] : memref<32x128xf32, #tpu.memory_space<vmem>>, vector<32x128xf32>
    %broadcast_in_dim3A_113 = vector.shape_cast %ge3A_109 : vector<32x1xi1> to vector<32x1xi1>
    %broadcast_in_dim3A_114 = vector.broadcast %broadcast_in_dim3A_113 : vector<32x1xi1> to vector<32x128xi1>
    %select_n3A_115 = arith.select %broadcast_in_dim3A_114, %dot_general3A_102, %get3A_112 : vector<32x128xi1>, vector<32x128xf32>
    %get3A_116 = arith.constant 0 : index
    %get3A_117 = arith.constant 0 : index
    %get3A_118 = vector.load %arg13[%get3A_116, %get3A_117] : memref<32x1xi32, #tpu.memory_space<vmem>>, vector<32x1xi32>
    %ge3A_119 = arith.constant 0 : i32
    %ge3A_120 = vector.broadcast %ge3A_119 : i32 to vector<32x1xi32>
    %ge3A_121 = arith.cmpi sge, %get3A_118, %ge3A_120 : vector<32x1xi32>
    %broadcast_in_dim3A_122 = vector.shape_cast %ge3A_121 : vector<32x1xi1> to vector<32x1xi1>
    %broadcast_in_dim3A_123 = vector.broadcast %broadcast_in_dim3A_122 : vector<32x1xi1> to vector<32x128xi1>
    %select_n3A_124 = arith.select %broadcast_in_dim3A_123, %dot_general3A_104, %select_n3A_115 : vector<32x128xi1>, vector<32x128xf32>
    %swap3A_125 = arith.constant 0 : index
    %swap3A_126 = arith.constant 0 : index
    %swap3A_127 = vector.load %arg16[%swap3A_125, %swap3A_126] : memref<32x128xf32, #tpu.memory_space<vmem>>, vector<32x128xf32>
    tpu.vector_store %arg16[%swap3A_125, %swap3A_126], %select_n3A_124 {strides = array<i32>} : memref<32x128xf32, #tpu.memory_space<vmem>>, vector<32x128xf32>,
    return
  }
}

</mosaic_0001>

<sc_bundles>
// kernel: kernel.11.cloned.1.call-start
scs
__scs_entry_jumppad:
0x0: {  	(pc) =	sbr.rel $0x88, $3  }
0x1: {  	(tag) =	ssettag $0x0;
	lr =	simm.s32 $0x1  }
0x2: {  	[smem:$0x3F93] =	sst lr;
	_ =	strace $0xD0000000  }
0x3: {  	_ = 	snop  }
0x4: {  	_ = 	snop  }
0x5: {  	_ = 	snop  }
0x6: {  	_ = 	snop  }
0x7: {  	_ = 	snop  }
__scs_overlays_trampoline_lowered:
0x8: {  	[smem:$0x3FA2] =	sst s0  }
0x9: {  	[smem:$0x3FA3] =	sst s1  }
0xa: {  	[smem:$0x3FA4] =	sst s2  }
0xb: {  	[smem:$0x3FA5] =	sst s3  }
0xc: {  	[smem:$0x3FA6] =	sst s4  }
0xd: {  	[smem:$0x3FA7] =	sst s5  }
0xe: {  	[smem:$0x3FA8] =	sst s6  }
0xf: {  	[smem:$0x3FA9] =	sst s7  }
0x10: {  	[smem:$0x3FAA] =	sst s8  }
0x11: {  	[smem:$0x3FAB] =	sst s9;
	s0 =	simm.s32 @!p0 $0x0  }
0x12: {  	s1 =	sld [smem:$0x3F91];
	s0 =	simm.s32 @p0 $0x1  }
0x13: {  	[smem:$0x3FAC] =	sst s0;
	s0 =	simm.s32 @!p1 $0x0  }
0x14: {  	s2 =	sld [smem:$0x3F90];
	s0 =	simm.s32 @p1 $0x1  }
0x15: {  	[smem:$0x3FAD] =	sst s0;
	s0 =	simm.s32 @!p2 $0x0  }
0x16: {  	s3 =	sld [smem:$0x3FDB];
	s0 =	simm.s32 @p2 $0x1  }
0x17: {  	s4 =	simm.s32 $0x1BF5;
	[smem:$0x3FAF] =	sst s0  }
0x18: {  	s0 =	sld [smem:$0x3F92];
	_ =	swait.ge [sflag:s4], $0x0  }
0x19: {  	s7 =	sld [smem:$0x3F93]  }
0x1a: {  	s8 =	sadd.s32 $0xFFFFE003, lr  }
0x1b: {  	s9 =	sadd.s32 $0xFFFFFEF7, lr;
	s5 =	simm.s32 $0xFFFFFFFF;
	p2 =	slt.u32 s8, $0xFFFFF086  }
0x1c: {  	p1 =	slt.u32 s9, $0xF7A;
	s5 =	simm.s32 @!p2 $0x0  }
0x1d: {  	s5 =	simm.s32 @p1 $0x1;
	p0 =	seq.s32 s7, s2  }
0x1e: {  	s7 =	smul.u32 @!p0 $0xF7A, s2;
	p2 =	seq.s32 @!p0 s5, $0x0  }
0x1f: {  	s9 =	smul.u32 $0xF7A, s1;
	s8 =	simm.s32 @!p0 $0x1BF5;
	p2 =	por !p2, p0  }
0x20: {  	[sflag:s8] =	ssyncset.s32 @!p0 $0xFFFFF086;
	s6 =	sadd.s32 @!p0 s3, s7;
	s7 =	simm.s32 @!p0 $0x108  }
0x21: {  	s3 =	sadd.s32 s3, s9;
	s6 =	sadd.s32 @!p0 $0x88, s6;
	s7 =	simm.s32 @p2 $0x1082  }
0x22: {  	[simem:s7], [sflag:s8] =	dma.local @!p0 [hbm:s6], $0xF7A  }
0x23: {  	s9 =	sor.u32 $0xD0000000, s2;
	s6 =	simm.s32 $0x108;
	_ =	swait.ge @!p0 [sflag:s8], $0x0  }
0x24: {  	s3 =	sadd.s32 $0x88, s3;
	s6 =	simm.s32 @!p1 $0x1082;
	[sflag:s4] =	ssyncset.s32 $0xFFFFF086  }
0x25: {  	[simem:s6], [sflag:s4] =	dma.local [hbm:s3], $0xF7A  }
0x26: {  	[smem:$0x3F93] =	sst s1;
	(tag) =	ssettag s2;
	_ =	strace s9  }
0x27: {  	s1 =	sld [smem:$0x3FA3]  }
0x28: {  	s2 =	sld [smem:$0x3FA4]  }
0x29: {  	s4 =	sld [smem:$0x3FA6]  }
0x2a: {  	p0 =	seq.s32 s5, $0x0;
	s5 =	sld [smem:$0x3FA7]  }
0x2b: {  	s6 =	sld [smem:$0x3FA8]  }
0x2c: {  	s7 =	sld [smem:$0x3FA9]  }
0x2d: {  	s3 =	simm.s32 $0x108;
	s8 =	sld [smem:$0x3FAA]  }
0x2e: {  	s3 =	simm.s32 @!p0 $0x1082;
	s9 =	sld [smem:$0x3FAB]  }
0x2f: {  	lr =	sadd.s32 s0, s3;
	s0 =	sld [smem:$0x3FA2]  }
0x30: {  	s3 =	sld [smem:$0x3FA5]  }
0x31: {  	[smem:$0x3FAE] =	sst s10  }
0x32: {  	s10 =	sld [smem:$0x3FAC];
	_ =	sdelay $0x3  }
0x33: {  	p0 =	seq.s32 s10, $0x1;
	s10 =	sld [smem:$0x3FAE];
	_ =	sdelay $0x3  }
0x34: {  	[smem:$0x3FAE] =	sst s10  }
0x35: {  	s10 =	sld [smem:$0x3FAD];
	_ =	sdelay $0x3  }
0x36: {  	p1 =	seq.s32 s10, $0x1;
	s10 =	sld [smem:$0x3FAE];
	_ =	sdelay $0x3  }
0x37: {  	[smem:$0x3FAE] =	sst s10  }
0x38: {  	s10 =	sld [smem:$0x3FAF]  }
0x39: {  	_ = 	snop;
	(pc) =	sbr.ind lr, $3  }
0x3a: {  	_ = 	snop  }
0x3b: {  	_ = 	snop  }
0x3c: {  	p2 =	seq.s32 s10, $0x1;
	s10 =	sld [smem:$0x3FAE]  }
0x3d: {  	_ =	shalt  }
0x3e: {  	_ =	shalt  }
0x3f: {  	_ =	shalt  }
0x40: {  	_ =	shalt  }
0x41: {  	_ =	shalt  }
0x42: {  	_ =	shalt  }
0x43: {  	_ =	shalt  }
0x44: {  	_ =	shalt  }
0x45: {  	_ =	shalt  }
0x46: {  	_ =	shalt  }
0x47: {  	_ =	shalt  }
0x48: {  	_ =	shalt  }
0x49: {  	_ =	shalt  }
0x4a: {  	_ =	shalt  }
0x4b: {  	_ =	shalt  }
0x4c: {  	_ =	shalt  }
0x4d: {  	_ =	shalt  }
0x4e: {  	_ =	shalt  }
0x4f: {  	_ =	shalt  }
0x50: {  	_ =	shalt  }
0x51: {  	_ =	shalt  }
0x52: {  	_ =	shalt  }
0x53: {  	_ =	shalt  }
0x54: {  	_ =	shalt  }
0x55: {  	_ =	shalt  }
0x56: {  	_ =	shalt  }
0x57: {  	_ =	shalt  }
0x58: {  	_ =	shalt  }
0x59: {  	_ =	shalt  }
0x5a: {  	_ =	shalt  }
0x5b: {  	_ =	shalt  }
0x5c: {  	_ =	shalt  }
0x5d: {  	_ =	shalt  }
0x5e: {  	_ =	shalt  }
0x5f: {  	_ =	shalt  }
0x60: {  	_ =	shalt  }
0x61: {  	_ =	shalt  }
0x62: {  	_ =	shalt  }
0x63: {  	_ =	shalt  }
0x64: {  	_ =	shalt  }
0x65: {  	_ =	shalt  }
0x66: {  	_ =	shalt  }
0x67: {  	_ =	shalt  }
0x68: {  	_ =	shalt  }
0x69: {  	_ =	shalt  }
0x6a: {  	_ =	shalt  }
0x6b: {  	_ =	shalt  }
0x6c: {  	_ =	shalt  }
0x6d: {  	_ =	shalt  }
0x6e: {  	_ =	shalt  }
0x6f: {  	_ =	shalt  }
0x70: {  	_ =	shalt  }
0x71: {  	_ =	shalt  }
0x72: {  	_ =	shalt  }
0x73: {  	_ =	shalt  }
0x74: {  	_ =	shalt  }
0x75: {  	_ =	shalt  }
0x76: {  	_ =	shalt  }
0x77: {  	_ =	shalt  }
0x78: {  	_ =	shalt  }
0x79: {  	_ =	shalt  }
0x7a: {  	_ =	shalt  }
0x7b: {  	_ =	shalt  }
0x7c: {  	_ =	shalt  }
0x7d: {  	_ =	shalt  }
0x7e: {  	_ =	shalt  }
0x7f: {  	_ =	shalt  }
0x80: {  	_ =	shalt  }
0x81: {  	_ =	shalt  }
0x82: {  	_ =	shalt  }
0x83: {  	_ =	shalt  }
0x84: {  	_ =	shalt  }
0x85: {  	_ =	shalt  }
0x86: {  	_ =	shalt  }
0x87: {  	_ =	shalt  }
.Lfunc_end0:
.L_simem_size_0:
called_computation.1_lowered:
.L_overlay_start_0:
0x88: {  	s2 =	sld [smem:$0x3FD9]  }
0x89: {  	s3 =	sld [smem:$0x3FFE];
	_ =	sdelay $0x1  }
0x8a: {  	s1 =	srdreg.scid  }
0x8b: {  	s0 =	sand.u32 $0x1, s1  }
0x8c: {  	s14 =	sshll.u32 s0, $0xA;
	s2 =	sadd.s32 s3, s2  }
0x8d: {  	s2 =	sadd.s32 s2, s14  }
0x8e: {  	[smem:$0x3FBA] =	sst s2  }
0x8f: {  	_ = 	snop  }
0x90: {  	s2 =	sld [smem:$0x3FD0];
	_ =	sdelay $0x2  }
0x91: {  	s15 =	simm.s32 $0xA;
	s4 =	simm.s32 $0x10  }
0x92: {  	[smem:s4], [sflag:s15] =	dma.local [hbm:s2], $0x1  }
0x93: {  	_ =	swait.eq [sflag:s15], $0x1  }
0x94: {  	[sflag:s15] =	ssyncset.done $0x0  }
0x95: {  	s16 =	sld [smem:$0x10];
	[sflag:s15] =	ssyncadd.s32 $0xFFFFFFFF  }
0x96: {  	s17 =	sld [smem:$0x11];
	(tm) =	ssettm $0x1  }
0x97: {  	s18 =	sld [smem:$0x3FFB];
	_ =	sdelay $0x3  }
0x98: {  	_ =	strace s18  }
0x99: {  	s4 =	sld [smem:$0x3FFC];
	_ =	sdelay $0x3  }
0x9a: {  	_ =	strace s4  }
0x9b: {  	s4 =	sld [smem:$0x3FFD];
	_ =	sdelay $0x3  }
0x9c: {  	_ =	strace s4  }
0x9d: {  	_ =	strace $0x8FFFFFFF  }
0x9e: {  	s19 =	sld [smem:$0x3FDB];
	_ =	sdelay $0x1  }
0x9f: {  	s5 =	simm.s32 $_scs_section_size  }
0xa0: {  	s6 =	simm.s32 $_size__tile_overlayer_lowered;
	s7 =	simm.s32 $_tile_overlayer_lowered  }
0xa1: {  	s22 =	simm.s32 $0x1BFF;
	s21 =	sshll.u32 s7, $0x1;
	s4 =	sadd.s32 s5, s19  }
0xa2: {  	s8 =	simm.s32 $0x0;
	s20 =	sshll.u32 s6, $0x1;
	s6 =	sadd.s32 s21, s4  }
0xa3: {  	[timem:s8], [sflag:s22] =	dma.local [hbm:s6], s20  }
0xa4: {  	_ =	swait.ge [sflag:s22], s20  }
0xa5: {  	s5 =	ssub.s32 $0x0, s20;
	[sflag:s22] =	ssyncset.done $0x0  }
0xa6: {  	[sflag:s22] =	ssyncadd.s32 s5;
	_ =	sdelay $0x1  }
0xa7: {  	s23 =	simm.s32 $0x1B8B  }
0xa8: {  	_ =	swait.ge [sflag:s23], $0x1  }
0xa9: {  	[sflag:s23] =	ssyncset.done $0x0  }
0xaa: {  	s25 =	simm.s32 $0x1B8E;
	s24 =	sld [smem:$0x3FFE];
	[sflag:s23] =	ssyncadd.s32 $0xFFFFFFFF  }
0xab: {  	s26 =	simm.s32 $execute0_lowered;
	[smem:$0x3FD2] =	sst s25  }
0xac: {  	s6 =	sshll.u32 s26, $0x1;
	_ =	strace $0x80000049;
	[dreg:$0x1] =	wrdreg $0xFFFFFFFF  }
0xad: {  	s28 =	simm.s32 $_size_execute0_lowered;
	s4 =	sadd.s32 s4, s6;
	[dreg:$0x0] =	wrdreg $0x0  }
0xae: {  	s6 =	sshll.u32 s28, $0x1;
	[dreg:$0x2] =	wrdreg s4  }
0xaf: {  	[dreg:$0x3] =	wrdreg s6  }
0xb0: {  	[dreg:$0x4] =	wrdreg $0xC0  }
0xb1: {  	_ =	task [dreg:s8], $0x5FFFF  }
0xb2: {  	[dreg:$0x1] =	wrdreg $0xFFFFFFFF  }
0xb3: {  	[dreg:$0x0] =	wrdreg $0x60  }
0xb4: {  	[dreg:$0x2] =	wrdreg s24  }
0xb5: {  	[dreg:$0x3] =	wrdreg s17  }
0xb6: {  	[dreg:$0x4] =	wrdreg s16  }
0xb7: {  	[dreg:$0x5] =	wrdreg $0x9  }
0xb8: {  	_ =	task.clear_ibuf [dreg:s8], $0x6FFFF;
	_ =	strace $0x90000049  }
0xb9: {  	s29 =	simm.s32 $0x9;
	_ =	strace $0x8000004B  }
0xba: {  	_ =	swait.ge [sflag:s29], $0x1  }
0xbb: {  	[sflag:s29] =	ssyncadd.s32 $0xFFFFFFFF  }
0xbc: {  	_ =	strace $0x9000004B  }
0xbd: {  	_ =	sfence  }
0xbe: {  	s30 =	sld [smem:$0x0];
	_ =	sdelay $0x2  }
0xbf: {  	s31 =	sshll.u32 s1, $0xD;
	s1 =	sshrl.u32 s1, $0x2  }
0xc0: {  	s3 =	sand.u32 $0x4000, s31;
	s1 =	sadd.s32 s1, s30  }
0xc1: {  	s0 =	sor.u32 s3, s0;
	s1 =	sshll.u32 s1, $0x11  }
0xc2: {  	s0 =	sor.u32 s1, s0  }
0xc3: {  	s0 =	sadd.s32 $0x8F2B, s0  }
0xc4: {  	[sflag:s0] =	ssyncadd.remote.s32 $0x1  }
0xc5: {  	_ =	sfence.sel $0xFFFF  }
0xc6: {  	[dreg:$0x0] =	wrdreg $0xFFFFFFFF;
	(pc) =	sbr.abs _section_cstart, $3  }
0xc7: {  	[dreg:$0x1] =	wrdreg $0xFFFFFFFF  }
0xc8: {  	_ =	task.clear_ibuf [dreg:s8], $0x2FFFF;
	_ =	strace $0x9FFFFFFF  }
0xc9: {  	(tm) =	ssettm $0x7FFFFFFF  }
tec
execute0_lowered:
.L_overlay_start_1:
0x0: {  	(tag) =	ssettag $0x1  }
0x1: {  	s5 =	rddreg [dreg:$0x0]  }
0x2: {  	s1 =	srdreg.scid;
	s3 =	rddreg [dreg:$0x1]  }
0x3: {  	s0 =	stileid.u32;
	s8 =	rddreg [dreg:$0x2];
	s6 =	sand.u32 $0x1, s1  }
0x4: {  	s2 =	simm.s32 $0x0;
	s4 =	sshll.u32 s0, $0x8;
	s7 =	sshll.u32 s6, $0x7  }
0x5: {  	[smem:$0x7FF] =	sst s2;
	s9 =	sor.u32 s7, s4  }
0x6: {  	s1 =	rddreg [dreg:$0x3];
	_ =	strace $0x8000004A;
	s4 =	sshrl.u32 s9, $0x3  }
0x7: {  	s10 =	ssub.s32 $0x2, s6;
	s4 =	sadd.s32 s3, s4;
	s3 =	simm.s32 $0x2  }
0x8: {  	[tilespmem:s2], [sflag:$0x2] =	stream.linear.gather [hbm4b:s4+s2], $0x80, $0x38;
	[tilespmem:$0x4080] =	vst v63  }
0x9: {  	s5 =	sadd.s32 $0x22E00, s5;
	s11 =	sshrl.u32 s10, $0x1;
	_ =	swait.ge [sflag:s3], $0x80  }
0xa: {  	s6 =	simm.s32 $0x80;
	s10 =	ssub.s32 s10, s11;
	[sflag:s3] =	ssyncset.done $0x0  }
0xb: {  	s7 =	simm.s32 $0x1;
	s31 =	smax.u32 s10, $0x1;
	[sflag:s3] =	ssyncadd.s32 $0xFFFFFF80  }
0xc: {  	[tilespmem:s6], [sflag:$0x1] =	stream.indirect.gather [hbm4b:s5+s6], $0x80, s2, s6, $0xb8;
	[tilespmem:$0x4080] =	vst v63  }
0xd: {  	p0 =	sne.s32 s31, $0x1;
	_ =	swait.ge [sflag:s7], $0x4000  }
.Ltmp0:
0xe: {  	s9 =	sshll.u32 s9, $0x4;
	[sflag:s7] =	ssyncset.done $0x0;
	(pc) =	sbr.rel @!p0 .LBB2_2-.Ltmp0, $4  }
0xf: {  	s8 =	sadd.s32 s8, s9;
	[sflag:s7] =	ssyncadd.s32 $0xFFFFC000  }
0x10: {  	[hbm4b:s8+s2] =	stream.linear.scatter [tilespmem:s6], [sflag:$0x2], $0x4000, $0x38;
	[tilespmem:$0x4080] =	vst v63  }
0x11: {  	_ =	swait.ge [sflag:s3], $0x4000  }
0x12: {  	s9 =	sadd.s32 $0xFFFFFFFF, s31;
	[sflag:s3] =	ssyncset.done $0x0  }
.LBB2_1:
0x13: {  	p0 =	sne.s32 s9, $0x1;
	s9 =	sadd.s32 $0xFFFFFFFF, s9;
	[sflag:s3] =	ssyncadd.s32 $0xFFFFC000  }
0x14: {  	[tilespmem:s2], [sflag:$0x2] =	stream.linear.gather [hbm4b:s4+s2], $0x80, $0x38;
	[tilespmem:$0x4080] =	vst v63  }
0x15: {  	_ =	swait.ge [sflag:s3], $0x80  }
0x16: {  	[sflag:s3] =	ssyncset.done $0x0  }
0x17: {  	[sflag:s3] =	ssyncadd.s32 $0xFFFFFF80  }
0x18: {  	[tilespmem:s6], [sflag:$0x1] =	stream.indirect.gather [hbm4b:s5+s6], $0x80, s2, s6, $0xb8;
	[tilespmem:$0x4080] =	vst v63  }
0x19: {  	_ =	swait.ge [sflag:s7], $0x4000  }
.Ltmp1:
0x1a: {  	[sflag:s7] =	ssyncset.done $0x0;
	(pc) =	sbr.rel @p0 .LBB2_1-.Ltmp1, $4  }
0x1b: {  	[sflag:s7] =	ssyncadd.s32 $0xFFFFC000  }
0x1c: {  	[hbm4b:s8+s2] =	stream.linear.scatter [tilespmem:s6], [sflag:$0x2], $0x4000, $0x38;
	[tilespmem:$0x4080] =	vst v63  }
0x1d: {  	_ =	swait.ge [sflag:s3], $0x4000  }
0x1e: {  	[sflag:s3] =	ssyncset.done $0x0  }
.LBB2_2:
0x1f: {  	[sflag:s3] =	ssyncadd.s32 $0xFFFFC000  }
0x20: {  	_ =	sfence.sel $0x180000  }
0x21: {  	[bflag:$0x0] =	sbarrier.arrive $0xFFFF  }
0x22: {  	p0 =	sne.s32 s0, $0x0;
	_ =	strace $0x9000004A  }
0x23: {  	s0 =	sadd.s32 @!p0 $0x100000, s1;
	[bflag:$0x2] =	sbarrier.arrive $0xFFFF  }
0x24: {  	[sflag:s0] =	ssyncadd.tile.s32 @!p0 $0x1;
	_ =	shalt  }
.Lfunc_end2:
_tile_overlayer_lowered:
.L_overlay_start_2:
0x25: {  	(tag) =	ssettag $0x2  }
0x26: {  	s0 =	rddreg [dreg:$0x0];
	s2 =	stileid.u32  }
0x27: {  	s1 =	rddreg [dreg:$0x1];
	p0 =	sne.s32 s2, $0x0  }
0x28: {  	s3 =	rddreg [dreg:$0x2];
	[bflag:$0x3] =	sbarrier.arrive $0xFFFF;
	s2 =	simm.s32 @!p0 $0x1C02  }
0x29: {  	[timem:s3], [sflag:s2] =	dma.local @!p0 [hbm:s0], s1  }
0x2a: {  	s0 =	simm.s32 @!p0 $0x2  }
0x2b: {  	_ =	swait.ge @!p0 [sflag:s0], s1  }
0x2c: {  	s1 =	ssub.s32 @!p0 $0x0, s1;
	[sflag:s0] =	ssyncset.done @!p0 $0x0  }
0x2d: {  	[sflag:s0] =	ssyncadd.s32 @!p0 s1  }
0x2e: {  	[bflag:$0x3] =	sbarrier.arrive $0xFFFF  }
0x2f: {  	_ =	shalt  }

// kernel: kernel.14.cloned.1.call-start
scs
__scs_entry_jumppad:
0x0: {  	(pc) =	sbr.rel $0x88, $3  }
0x1: {  	(tag) =	ssettag $0x0;
	lr =	simm.s32 $0x1  }
0x2: {  	[smem:$0x3F93] =	sst lr;
	_ =	strace $0xD0000000  }
0x3: {  	_ = 	snop  }
0x4: {  	_ = 	snop  }
0x5: {  	_ = 	snop  }
0x6: {  	_ = 	snop  }
0x7: {  	_ = 	snop  }
__scs_overlays_trampoline_lowered:
0x8: {  	[smem:$0x3FA2] =	sst s0  }
0x9: {  	[smem:$0x3FA3] =	sst s1  }
0xa: {  	[smem:$0x3FA4] =	sst s2  }
0xb: {  	[smem:$0x3FA5] =	sst s3  }
0xc: {  	[smem:$0x3FA6] =	sst s4  }
0xd: {  	[smem:$0x3FA7] =	sst s5  }
0xe: {  	[smem:$0x3FA8] =	sst s6  }
0xf: {  	[smem:$0x3FA9] =	sst s7  }
0x10: {  	[smem:$0x3FAA] =	sst s8  }
0x11: {  	[smem:$0x3FAB] =	sst s9;
	s0 =	simm.s32 @!p0 $0x0  }
0x12: {  	s1 =	sld [smem:$0x3F91];
	s0 =	simm.s32 @p0 $0x1  }
0x13: {  	[smem:$0x3FAC] =	sst s0;
	s0 =	simm.s32 @!p1 $0x0  }
0x14: {  	s2 =	sld [smem:$0x3F90];
	s0 =	simm.s32 @p1 $0x1  }
0x15: {  	[smem:$0x3FAD] =	sst s0;
	s0 =	simm.s32 @!p2 $0x0  }
0x16: {  	s3 =	sld [smem:$0x3FDB];
	s0 =	simm.s32 @p2 $0x1  }
0x17: {  	s4 =	simm.s32 $0x1BF5;
	[smem:$0x3FAF] =	sst s0  }
0x18: {  	s0 =	sld [smem:$0x3F92];
	_ =	swait.ge [sflag:s4], $0x0  }
0x19: {  	s7 =	sld [smem:$0x3F93]  }
0x1a: {  	s8 =	sadd.s32 $0xFFFFE003, lr  }
0x1b: {  	s9 =	sadd.s32 $0xFFFFFEF7, lr;
	s5 =	simm.s32 $0xFFFFFFFF;
	p2 =	slt.u32 s8, $0xFFFFF086  }
0x1c: {  	p1 =	slt.u32 s9, $0xF7A;
	s5 =	simm.s32 @!p2 $0x0  }
0x1d: {  	s5 =	simm.s32 @p1 $0x1;
	p0 =	seq.s32 s7, s2  }
0x1e: {  	s7 =	smul.u32 @!p0 $0xF7A, s2;
	p2 =	seq.s32 @!p0 s5, $0x0  }
0x1f: {  	s9 =	smul.u32 $0xF7A, s1;
	s8 =	simm.s32 @!p0 $0x1BF5;
	p2 =	por !p2, p0  }
0x20: {  	[sflag:s8] =	ssyncset.s32 @!p0 $0xFFFFF086;
	s6 =	sadd.s32 @!p0 s3, s7;
	s7 =	simm.s32 @!p0 $0x108  }
0x21: {  	s3 =	sadd.s32 s3, s9;
	s6 =	sadd.s32 @!p0 $0x88, s6;
	s7 =	simm.s32 @p2 $0x1082  }
0x22: {  	[simem:s7], [sflag:s8] =	dma.local @!p0 [hbm:s6], $0xF7A  }
0x23: {  	s9 =	sor.u32 $0xD0000000, s2;
	s6 =	simm.s32 $0x108;
	_ =	swait.ge @!p0 [sflag:s8], $0x0  }
0x24: {  	s3 =	sadd.s32 $0x88, s3;
	s6 =	simm.s32 @!p1 $0x1082;
	[sflag:s4] =	ssyncset.s32 $0xFFFFF086  }
0x25: {  	[simem:s6], [sflag:s4] =	dma.local [hbm:s3], $0xF7A  }
0x26: {  	[smem:$0x3F93] =	sst s1;
	(tag) =	ssettag s2;
	_ =	strace s9  }
0x27: {  	s1 =	sld [smem:$0x3FA3]  }
0x28: {  	s2 =	sld [smem:$0x3FA4]  }
0x29: {  	s4 =	sld [smem:$0x3FA6]  }
0x2a: {  	p0 =	seq.s32 s5, $0x0;
	s5 =	sld [smem:$0x3FA7]  }
0x2b: {  	s6 =	sld [smem:$0x3FA8]  }
0x2c: {  	s7 =	sld [smem:$0x3FA9]  }
0x2d: {  	s3 =	simm.s32 $0x108;
	s8 =	sld [smem:$0x3FAA]  }
0x2e: {  	s3 =	simm.s32 @!p0 $0x1082;
	s9 =	sld [smem:$0x3FAB]  }
0x2f: {  	lr =	sadd.s32 s0, s3;
	s0 =	sld [smem:$0x3FA2]  }
0x30: {  	s3 =	sld [smem:$0x3FA5]  }
0x31: {  	[smem:$0x3FAE] =	sst s10  }
0x32: {  	s10 =	sld [smem:$0x3FAC];
	_ =	sdelay $0x3  }
0x33: {  	p0 =	seq.s32 s10, $0x1;
	s10 =	sld [smem:$0x3FAE];
	_ =	sdelay $0x3  }
0x34: {  	[smem:$0x3FAE] =	sst s10  }
0x35: {  	s10 =	sld [smem:$0x3FAD];
	_ =	sdelay $0x3  }
0x36: {  	p1 =	seq.s32 s10, $0x1;
	s10 =	sld [smem:$0x3FAE];
	_ =	sdelay $0x3  }
0x37: {  	[smem:$0x3FAE] =	sst s10  }
0x38: {  	s10 =	sld [smem:$0x3FAF]  }
0x39: {  	_ = 	snop;
	(pc) =	sbr.ind lr, $3  }
0x3a: {  	_ = 	snop  }
0x3b: {  	_ = 	snop  }
0x3c: {  	p2 =	seq.s32 s10, $0x1;
	s10 =	sld [smem:$0x3FAE]  }
0x3d: {  	_ =	shalt  }
0x3e: {  	_ =	shalt  }
0x3f: {  	_ =	shalt  }
0x40: {  	_ =	shalt  }
0x41: {  	_ =	shalt  }
0x42: {  	_ =	shalt  }
0x43: {  	_ =	shalt  }
0x44: {  	_ =	shalt  }
0x45: {  	_ =	shalt  }
0x46: {  	_ =	shalt  }
0x47: {  	_ =	shalt  }
0x48: {  	_ =	shalt  }
0x49: {  	_ =	shalt  }
0x4a: {  	_ =	shalt  }
0x4b: {  	_ =	shalt  }
0x4c: {  	_ =	shalt  }
0x4d: {  	_ =	shalt  }
0x4e: {  	_ =	shalt  }
0x4f: {  	_ =	shalt  }
0x50: {  	_ =	shalt  }
0x51: {  	_ =	shalt  }
0x52: {  	_ =	shalt  }
0x53: {  	_ =	shalt  }
0x54: {  	_ =	shalt  }
0x55: {  	_ =	shalt  }
0x56: {  	_ =	shalt  }
0x57: {  	_ =	shalt  }
0x58: {  	_ =	shalt  }
0x59: {  	_ =	shalt  }
0x5a: {  	_ =	shalt  }
0x5b: {  	_ =	shalt  }
0x5c: {  	_ =	shalt  }
0x5d: {  	_ =	shalt  }
0x5e: {  	_ =	shalt  }
0x5f: {  	_ =	shalt  }
0x60: {  	_ =	shalt  }
0x61: {  	_ =	shalt  }
0x62: {  	_ =	shalt  }
0x63: {  	_ =	shalt  }
0x64: {  	_ =	shalt  }
0x65: {  	_ =	shalt  }
0x66: {  	_ =	shalt  }
0x67: {  	_ =	shalt  }
0x68: {  	_ =	shalt  }
0x69: {  	_ =	shalt  }
0x6a: {  	_ =	shalt  }
0x6b: {  	_ =	shalt  }
0x6c: {  	_ =	shalt  }
0x6d: {  	_ =	shalt  }
0x6e: {  	_ =	shalt  }
0x6f: {  	_ =	shalt  }
0x70: {  	_ =	shalt  }
0x71: {  	_ =	shalt  }
0x72: {  	_ =	shalt  }
0x73: {  	_ =	shalt  }
0x74: {  	_ =	shalt  }
0x75: {  	_ =	shalt  }
0x76: {  	_ =	shalt  }
0x77: {  	_ =	shalt  }
0x78: {  	_ =	shalt  }
0x79: {  	_ =	shalt  }
0x7a: {  	_ =	shalt  }
0x7b: {  	_ =	shalt  }
0x7c: {  	_ =	shalt  }
0x7d: {  	_ =	shalt  }
0x7e: {  	_ =	shalt  }
0x7f: {  	_ =	shalt  }
0x80: {  	_ =	shalt  }
0x81: {  	_ =	shalt  }
0x82: {  	_ =	shalt  }
0x83: {  	_ =	shalt  }
0x84: {  	_ =	shalt  }
0x85: {  	_ =	shalt  }
0x86: {  	_ =	shalt  }
0x87: {  	_ =	shalt  }
.Lfunc_end0:
.L_simem_size_0:
called_computation.2_lowered:
.L_overlay_start_0:
0x88: {  	s2 =	sld [smem:$0x3FD9]  }
0x89: {  	s3 =	sld [smem:$0x3FFE];
	_ =	sdelay $0x1  }
0x8a: {  	s1 =	srdreg.scid  }
0x8b: {  	s0 =	sand.u32 $0x1, s1  }
0x8c: {  	s14 =	sshll.u32 s0, $0xA;
	s2 =	sadd.s32 s3, s2  }
0x8d: {  	s2 =	sadd.s32 s2, s14  }
0x8e: {  	[smem:$0x3FBA] =	sst s2  }
0x8f: {  	_ = 	snop  }
0x90: {  	s2 =	sld [smem:$0x3FC9]  }
0x91: {  	s15 =	sld [smem:$0x3FC7]  }
0x92: {  	s4 =	sld [smem:$0x3FD0]  }
0x93: {  	s5 =	sld [smem:$0x3FC4]  }
0x94: {  	s6 =	sld [smem:$0x3FC3]  }
0x95: {  	s8 =	simm.s32 $0xA;
	s9 =	simm.s32 $0x10;
	s7 =	sld [smem:$0x3FC2]  }
0x96: {  	[smem:s9], [sflag:s8] =	dma.local [hbm:s4], $0x1  }
0x97: {  	_ =	swait.eq [sflag:s8], $0x1  }
0x98: {  	[sflag:s8] =	ssyncset.done $0x0  }
0x99: {  	s16 =	sld [smem:$0x10];
	[sflag:s8] =	ssyncadd.s32 $0xFFFFFFFF  }
0x9a: {  	s17 =	sld [smem:$0x11];
	(tm) =	ssettm $0x1  }
0x9b: {  	s18 =	sld [smem:$0x3FFB];
	_ =	sdelay $0x3  }
0x9c: {  	_ =	strace s18  }
0x9d: {  	s9 =	sld [smem:$0x3FFC];
	_ =	sdelay $0x3  }
0x9e: {  	_ =	strace s9  }
0x9f: {  	s9 =	sld [smem:$0x3FFD];
	_ =	sdelay $0x3  }
0xa0: {  	_ =	strace s9  }
0xa1: {  	_ =	strace $0x8FFFFFFF  }
0xa2: {  	s19 =	sld [smem:$0x3FDB];
	_ =	sdelay $0x1  }
0xa3: {  	s10 =	simm.s32 $_scs_section_size  }
0xa4: {  	s11 =	simm.s32 $_size__tile_overlayer_lowered;
	s12 =	simm.s32 $_tile_overlayer_lowered  }
0xa5: {  	s22 =	simm.s32 $0x1BFF;
	s21 =	sshll.u32 s12, $0x1;
	s9 =	sadd.s32 s10, s19  }
0xa6: {  	s13 =	simm.s32 $0x0;
	s20 =	sshll.u32 s11, $0x1;
	s11 =	sadd.s32 s21, s9  }
0xa7: {  	[timem:s13], [sflag:s22] =	dma.local [hbm:s11], s20  }
0xa8: {  	_ =	swait.ge [sflag:s22], s20  }
0xa9: {  	s10 =	ssub.s32 $0x0, s20;
	[sflag:s22] =	ssyncset.done $0x0  }
0xaa: {  	[sflag:s22] =	ssyncadd.s32 s10;
	_ =	sdelay $0x1  }
0xab: {  	s23 =	simm.s32 $0x1B8B  }
0xac: {  	_ =	swait.ge [sflag:s23], $0x1  }
0xad: {  	[sflag:s23] =	ssyncset.done $0x0  }
0xae: {  	s25 =	simm.s32 $0x1B8E;
	s24 =	sld [smem:$0x3FFE];
	[sflag:s23] =	ssyncadd.s32 $0xFFFFFFFF  }
0xaf: {  	s26 =	simm.s32 $execute0_lowered;
	[smem:$0x3FD2] =	sst s25  }
0xb0: {  	s11 =	sshll.u32 s26, $0x1;
	_ =	strace $0x8000004C;
	[dreg:$0x1] =	wrdreg $0xFFFFFFFF  }
0xb1: {  	s28 =	simm.s32 $_size_execute0_lowered;
	s9 =	sadd.s32 s9, s11;
	[dreg:$0x0] =	wrdreg $0x0  }
0xb2: {  	s11 =	sshll.u32 s28, $0x1;
	[dreg:$0x2] =	wrdreg s9  }
0xb3: {  	[dreg:$0x3] =	wrdreg s11  }
0xb4: {  	[dreg:$0x4] =	wrdreg $0xC0  }
0xb5: {  	_ =	task [dreg:s13], $0x5FFFF  }
0xb6: {  	[dreg:$0x1] =	wrdreg $0xFFFFFFFF  }
0xb7: {  	[dreg:$0x0] =	wrdreg $0x60  }
0xb8: {  	[dreg:$0x2] =	wrdreg s5  }
0xb9: {  	[dreg:$0x3] =	wrdreg s6  }
0xba: {  	[dreg:$0x4] =	wrdreg s24  }
0xbb: {  	[dreg:$0x5] =	wrdreg s2  }
0xbc: {  	[dreg:$0x6] =	wrdreg s15  }
0xbd: {  	[dreg:$0x7] =	wrdreg s7  }
0xbe: {  	[dreg:$0x8] =	wrdreg s16  }
0xbf: {  	[dreg:$0x9] =	wrdreg s17  }
0xc0: {  	[dreg:$0xa] =	wrdreg $0x9  }
0xc1: {  	_ =	task.clear_ibuf [dreg:s13], $0xBFFFF;
	_ =	strace $0x9000004C  }
0xc2: {  	s29 =	simm.s32 $0x9;
	_ =	strace $0x8000004E  }
0xc3: {  	_ =	swait.ge [sflag:s29], $0x1  }
0xc4: {  	[sflag:s29] =	ssyncadd.s32 $0xFFFFFFFF  }
0xc5: {  	_ =	strace $0x9000004E  }
0xc6: {  	_ =	sfence  }
0xc7: {  	s30 =	sld [smem:$0x0];
	_ =	sdelay $0x2  }
0xc8: {  	s31 =	sshll.u32 s1, $0xD;
	s1 =	sshrl.u32 s1, $0x2  }
0xc9: {  	s3 =	sand.u32 $0x4000, s31;
	s1 =	sadd.s32 s1, s30  }
0xca: {  	s0 =	sor.u32 s3, s0;
	s1 =	sshll.u32 s1, $0x11  }
0xcb: {  	s0 =	sor.u32 s1, s0  }
0xcc: {  	s0 =	sadd.s32 $0x8F2B, s0  }
0xcd: {  	[sflag:s0] =	ssyncadd.remote.s32 $0x1  }
0xce: {  	_ =	sfence.sel $0xFFFF  }
0xcf: {  	[dreg:$0x0] =	wrdreg $0xFFFFFFFF;
	(pc) =	sbr.abs _section_cstart, $3  }
0xd0: {  	[dreg:$0x1] =	wrdreg $0xFFFFFFFF  }
0xd1: {  	_ =	task.clear_ibuf [dreg:s13], $0x2FFFF;
	_ =	strace $0x9FFFFFFF  }
0xd2: {  	(tm) =	ssettm $0x7FFFFFFF  }
0xd3: {  	_ =	shalt  }
tec
execute0_lowered:
.L_overlay_start_1:
0x0: {  	(tag) =	ssettag $0x1  }
0x1: {  	s0 =	srdreg.scid;
	s18 =	stileid.u32  }
0x2: {  	s3 =	sand.u32 $0x1, s0;
	s16 =	sshll.u32 s18, $0x1  }
0x3: {  	s0 =	sor.u32 s3, s16;
	s16 =	smul.u32 $0xC3800, s18  }
0x4: {  	s19 =	rddreg [dreg:$0x0];
	s21 =	smul.u32 $0x61C00, s3  }
0x5: {  	s1 =	rddreg [dreg:$0x1];
	s18 =	smul.u32 $0x18700, s18  }
0x6: {  	s4 =	rddreg [dreg:$0x2];
	s20 =	ssub.s32 $0x2, s3;
	s3 =	smul.u32 $0xC380, s3  }
0x7: {  	s7 =	simm.s32 $0x1;
	s6 =	rddreg [dreg:$0x6];
	s10 =	smul.u32 $0xC38, s0  }
0x8: {  	s13 =	simm.s32 $0x1;
	s29 =	simm.s32 $0x1;
	s15 =	smul.u32 $0x61C00, s0  }
0x9: {  	s12 =	sadd.s32 $0x32E00, s4;
	p3 =	seq.s32 s0, $0x1F;
	s3 =	sadd.s32 s3, s18  }
0xa: {  	s18 =	sshll.u32 s0, $0x4;
	s2 =	smin.u32 s10, $0x17A68;
	s25 =	sshrl.u32 s15, $0x3  }
0xb: {  	s30 =	sshrl.u32 s10, $0x3;
	s28 =	sadd.s32 $0x2000, s3;
	s3 =	simm.s32 $0x5  }
0xc: {  	s14 =	sadd.s32 $0xC38, s2;
	s2 =	rddreg [dreg:$0x7];
	s26 =	sadd.s32 $0xC000, s25  }
0xd: {  	s5 =	ssub.s32 s14, s10;
	p0 =	sne.s32 s14, s10;
	s31 =	sadd.s32 s19, s26  }
0xe: {  	v2 =	vmov s10;
	s10 =	simm.s32 $0x7D80;
	s8 =	sshra.s32 s5, $0x1F;
	s7 =	simm.s32 @!p0 $0x0  }
0xf: {  	v3 =	vmov s14;
	s14 =	simm.s32 $0xBE00;
	s9 =	sand.u32 $0xF8, s5;
	s7 =	sor.u32 s7, s8  }
0x10: {  	p1 =	sne.s32 s9, $0x0;
	s8 =	sshrl.u32 s8, $0x18;
	p4 =	sne.s32 s7, $0x1  }
0x11: {  	s7 =	simm.s32 $0x0;
	s5 =	sadd.s32 s8, s5;
	s8 =	simm.s32 $0x1  }
0x12: {  	p0 =	por !p1, !p4;
	[smem:$0x7FF] =	sst s7;
	s5 =	sshra.s32 s5, $0x8  }
0x13: {  	p0 =	por !p0, !p0;
	_ =	strace $0x8000004D;
	[dreg:$0x9] =	wrdreg s12  }
0x14: {  	[dreg:$0xd] =	wrdreg s31;
	s31 =	sadd.s32 $0x185C80, s6;
	s8 =	simm.s32 @!p0 $0x0  }
0x15: {  	s9 =	sadd.s32 $0x2A00, s4;
	[dreg:$0x19] =	wrdreg s31;
	s5 =	ssub.s32 s5, s8  }
0x16: {  	s8 =	sadd.s32 $0x22E00, s4;
	s4 =	sadd.s32 $0x33000, s4;
	s11 =	sand.u32 $0x8000, s5  }
0x17: {  	s17 =	sand.u32 $0x1, s5;
	p5 =	slt.s32 s5, $0x1;
	[dreg:$0xa] =	wrdreg s4  }
0x18: {  	s11 =	sshrl.u32 s11, $0xF;
	p6 =	seq.s32 s17, $0x1;
	s17 =	sshrl.u32 s20, $0x1  }
0x19: {  	s11 =	sadd.s32 s11, s5;
	p0 =	por !p5, !p6;
	s17 =	ssub.s32 s20, s17  }
0x1a: {  	s20 =	sor.u32 $0x1000, s0;
	s11 =	sshll.u32 s11, $0x10;
	p0 =	por !p0, !p0  }
0x1b: {  	s0 =	smul.u32 $0xC380, s0;
	s11 =	sshra.s32 s11, $0x11;
	s13 =	simm.s32 @!p0 $0x0  }
0x1c: {  	s11 =	ssub.s32 s11, s13;
	s13 =	sadd.s32 s21, s16;
	s16 =	sadd.s32 s2, s30  }
0x1d: {  	s21 =	sadd.s32 $0x2F59, s2;
	s2 =	simm.s32 $0x2;
	s22 =	sshll.u32 s11, $0x10  }
0x1e: {  	s12 =	sshll.u32 s11, $0x1;
	p0 =	slt.s32 s11, $0x1;
	[dreg:$0x11] =	wrdreg s16  }
0x1f: {  	p1 =	seq.s32 s11, $0x1;
	s11 =	sadd.s32 s6, s26;
	[dreg:$0x12] =	wrdreg s21  }
0x20: {  	s16 =	simm.s32 $0x0;
	s23 =	sadd.s32 s15, s22;
	p2 =	sle.s32 s5, s12  }
0x21: {  	[dreg:$0xe] =	wrdreg s11;
	s15 =	sadd.s32 s1, s30;
	s1 =	sadd.s32 $0x2F59, s1  }
0x22: {  	s22 =	smax.u32 s17, $0x1;
	s30 =	sadd.s32 $0x185C80, s19;
	[dreg:$0xf] =	wrdreg s15  }
0x23: {  	s5 =	simm.s32 $0x3;
	s11 =	simm.s32 $0x10;
	[dreg:$0x10] =	wrdreg s1  }
0x24: {  	s4 =	sshrl.u32 s23, $0x3;
	[dreg:$0x13] =	wrdreg s22;
	s23 =	sadd.s32 $0x1000, s25  }
0x25: {  	s25 =	sadd.s32 $0x18000, s13;
	[dreg:$0x18] =	wrdreg s30;
	s22 =	simm.s32 $0x5C80  }
0x26: {  	s13 =	simm.s32 $0xBE80;
	s15 =	simm.s32 $0x5000;
	s24 =	sadd.s32 s19, s4  }
0x27: {  	s4 =	sadd.s32 s6, s4;
	s26 =	sadd.s32 s19, s23;
	[dreg:$0xb] =	wrdreg s24  }
0x28: {  	s1 =	sadd.s32 s6, s23;
	s23 =	simm.s32 $0x6D00;
	[dreg:$0xc] =	wrdreg s4  }
0x29: {  	s24 =	sadd.s32 s19, s0;
	s0 =	sadd.s32 s6, s0;
	[dreg:$0x16] =	wrdreg s26  }
0x2a: {  	[dreg:$0x17] =	wrdreg s1;
	s26 =	sshrl.u32 s25, $0x3;
	s4 =	simm.s32 $0xC680  }
0x2b: {  	v0 =	vlaneseq.u32;
	s1 =	simm.s32 $0x14680;
	s25 =	simm.s32 $0x7E00;
	[dreg:$0x14] =	wrdreg s24  }
0x2c: {  	v5 =	vimm.s32 $0x0;
	v1 =	vor.u32 s18, v0;
	v4 =	vmov s20;
	[dreg:$0x15] =	wrdreg s0;
	s0 =	simm.s32 $0x4;
	s24 =	simm.s32 $0x80  }
.LBB2_1:
0x2d: {  	s17 =	rddreg [dreg:$0x3]  }
0x2e: {  	[tilespmem:s7], [sflag:$0x5] =	stream.linear.gather [hbm4b:s17+s7], $0x1000, $0x38;
	[tilespmem:$0x1C680] =	vst v63  }
0x2f: {  	s31 =	rddreg [dreg:$0x9];
	s18 =	simm.s32 $0x1000  }
0x30: {  	[tilespmem:s18], [sflag:$0x5] =	stream.linear.gather [hbm4b:s31+s7], $0x1000, $0x38;
	[tilespmem:$0x1C680] =	vst v63  }
0x31: {  	s19 =	simm.s32 $0x2000;
	s18 =	rddreg [dreg:$0x4]  }
0x32: {  	[tilespmem:s19], [sflag:$0x5] =	stream.linear.gather [hbm4b:s18+s7], $0x1000, $0x38;
	[tilespmem:$0x1C680] =	vst v63  }
.Ltmp0:
0x33: {  	_ = 	snop;
	(pc) =	sbr.rel @p0 .LBB2_7-.Ltmp0, $4  }
0x34: {  	s20 =	rddreg [dreg:$0xa];
	s21 =	simm.s32 $0x3000  }
0x35: {  	[tilespmem:s21], [sflag:$0x5] =	stream.linear.gather [hbm4b:s20+s7], $0x1000, $0x38;
	[tilespmem:$0x1C680] =	vst v63  }
0x36: {  	s30 =	rddreg [dreg:$0x5];
	s31 =	simm.s32 $0x4000  }
0x37: {  	[tilespmem:s31], [sflag:$0x5] =	stream.linear.gather [hbm4b:s30+s7], $0x1000, $0x38;
	[tilespmem:$0x1C680] =	vst v63  }
0x38: {  	s17 =	rddreg [dreg:$0x14]  }
0x39: {  	[tilespmem:s4], [sflag:$0x1] =	stream.linear.gather [hbm4b:s17+s7], $0x8000, $0x38;
	[tilespmem:$0x1C680] =	vst v63  }
0x3a: {  	s30 =	rddreg [dreg:$0x16]  }
0x3b: {  	[tilespmem:s1], [sflag:$0x2] =	stream.linear.gather [hbm4b:s30+s7], $0x8000, $0x38;
	[tilespmem:$0x1C680] =	vst v63  }
0x3c: {  	_ =	swait.ge [sflag:s29], $0x8000  }
0x3d: {  	[sflag:s29] =	ssyncset.done $0x0  }
0x3e: {  	s31 =	rddreg [dreg:$0x15];
	[sflag:s29] =	ssyncadd.s32 $0xFFFF8000  }
0x3f: {  	[hbm4b:s31+s7] =	stream.linear.scatter [tilespmem:s4], [sflag:$0x3], $0x8000, $0x38;
	[tilespmem:$0x1C680] =	vst v63  }
.Ltmp1:
0x40: {  	s17 =	simm.s32 $0x2;
	(pc) =	sbr.rel @p1 .LBB2_6-.Ltmp1, $4  }
0x41: {  	_ =	swait.ge [sflag:s17], $0x8000  }
0x42: {  	[sflag:s17] =	ssyncset.done $0x0  }
0x43: {  	s18 =	rddreg [dreg:$0x17];
	[sflag:s17] =	ssyncadd.s32 $0xFFFF8000  }
0x44: {  	[hbm4b:s18+s7] =	stream.linear.scatter [tilespmem:s1], [sflag:$0x4], $0x8000, $0x38;
	[tilespmem:$0x1C680] =	vst v63  }
0x45: {  	_ =	swait.ge [sflag:s5], $0x8000  }
0x46: {  	[sflag:s5] =	ssyncset.done $0x0  }
0x47: {  	[sflag:s5] =	ssyncadd.s32 $0xFFFF8000  }
0x48: {  	_ =	swait.ge [sflag:s0], $0x8000  }
0x49: {  	[sflag:s0] =	ssyncset.done $0x0  }
0x4a: {  	[sflag:s0] =	ssyncadd.s32 $0xFFFF8000  }
0x4b: {  	s19 =	rddreg [dreg:$0x0]  }
0x4c: {  	s18 =	sadd.s32 s19, s28  }
0x4d: {  	[tilespmem:s4], [sflag:$0x1] =	stream.linear.gather [hbm4b:s18+s7], $0x8000, $0x38;
	[tilespmem:$0x1C680] =	vst v63  }
0x4e: {  	s30 =	sadd.s32 s19, s26  }
0x4f: {  	[tilespmem:s1], [sflag:$0x2] =	stream.linear.gather [hbm4b:s30+s7], $0x8000, $0x38;
	[tilespmem:$0x1C680] =	vst v63  }
0x50: {  	s17 =	sadd.s32 $0x2, s17;
	_ =	swait.ge [sflag:s29], $0x8000  }
0x51: {  	p4 =	slt.s32 s17, s12;
	[sflag:s29] =	ssyncset.done $0x0  }
.Ltmp2:
0x52: {  	s31 =	sadd.s32 s6, s28;
	[sflag:s29] =	ssyncadd.s32 $0xFFFF8000;
	(pc) =	sbr.rel @!p4 .LBB2_5-.Ltmp2, $4  }
0x53: {  	[hbm4b:s31+s7] =	stream.linear.scatter [tilespmem:s4], [sflag:$0x3], $0x8000, $0x38;
	[tilespmem:$0x1C680] =	vst v63  }
0x54: {  	_ =	swait.ge [sflag:s2], $0x8000  }
0x55: {  	s20 =	sadd.s32 s6, s26;
	[sflag:s2] =	ssyncset.done $0x0  }
0x56: {  	s18 =	sadd.s32 $0x2000, s19;
	s19 =	sadd.s32 $0x2000, s6;
	[sflag:s2] =	ssyncadd.s32 $0xFFFF8000  }
.LBB2_4:
0x57: {  	[hbm4b:s20+s7] =	stream.linear.scatter [tilespmem:s1], [sflag:$0x4], $0x8000, $0x38;
	[tilespmem:$0x1C680] =	vst v63  }
0x58: {  	s17 =	sadd.s32 $0x2, s17;
	_ =	swait.ge [sflag:s5], $0x8000  }
0x59: {  	p4 =	slt.s32 s17, s12;
	[sflag:s5] =	ssyncset.done $0x0  }
0x5a: {  	[sflag:s5] =	ssyncadd.s32 $0xFFFF8000  }
0x5b: {  	_ =	swait.ge [sflag:s0], $0x8000  }
0x5c: {  	[sflag:s0] =	ssyncset.done $0x0  }
0x5d: {  	s20 =	sadd.s32 s18, s28;
	[sflag:s0] =	ssyncadd.s32 $0xFFFF8000  }
0x5e: {  	[tilespmem:s4], [sflag:$0x1] =	stream.linear.gather [hbm4b:s20+s7], $0x8000, $0x38;
	[tilespmem:$0x1C680] =	vst v63  }
0x5f: {  	s20 =	sadd.s32 s18, s26  }
0x60: {  	[tilespmem:s1], [sflag:$0x2] =	stream.linear.gather [hbm4b:s20+s7], $0x8000, $0x38;
	[tilespmem:$0x1C680] =	vst v63  }
0x61: {  	_ =	swait.ge [sflag:s29], $0x8000  }
0x62: {  	[sflag:s29] =	ssyncset.done $0x0  }
.Ltmp3:
0x63: {  	s20 =	sadd.s32 s19, s28;
	[sflag:s29] =	ssyncadd.s32 $0xFFFF8000;
	(pc) =	sbr.rel @p4 .LBB2_4-.Ltmp3, $4  }
0x64: {  	[hbm4b:s20+s7] =	stream.linear.scatter [tilespmem:s4], [sflag:$0x3], $0x8000, $0x38;
	[tilespmem:$0x1C680] =	vst v63  }
0x65: {  	_ =	swait.ge [sflag:s2], $0x8000  }
0x66: {  	s18 =	sadd.s32 $0x2000, s18;
	[sflag:s2] =	ssyncset.done $0x0  }
0x67: {  	s20 =	sadd.s32 s19, s26;
	s19 =	sadd.s32 $0x2000, s19;
	[sflag:s2] =	ssyncadd.s32 $0xFFFF8000  }
.LBB2_5:
0x68: {  	[hbm4b:s20+s7] =	stream.linear.scatter [tilespmem:s1], [sflag:$0x4], $0x8000, $0x38;
	[tilespmem:$0x1C680] =	vst v63  }
.LBB2_6:
0x69: {  	_ =	swait.ge [sflag:s5], $0x8000  }
0x6a: {  	[sflag:s5] =	ssyncset.done $0x0  }
0x6b: {  	[sflag:s5] =	ssyncadd.s32 $0xFFFF8000  }
0x6c: {  	_ =	swait.ge [sflag:s0], $0x8000  }
0x6d: {  	[sflag:s0] =	ssyncset.done $0x0  }
0x6e: {  	[sflag:s0] =	ssyncadd.s32 $0xFFFF8000  }
.LBB2_7:
0x6f: {  	s17 =	simm.s32 @!p2 $0x0;
	s18 =	simm.s32 @!p2 $0xC680;
	s19 =	rddreg [dreg:$0xb]  }
0x70: {  	[tilespmem:s18], [sflag:$0x6] =	stream.linear.gather @!p2 [hbm4b:s19+s17], $0x8000, $0x38;
	[tilespmem:$0x1C680] =	vst v63  }
0x71: {  	s19 =	simm.s32 @!p2 $0x6  }
0x72: {  	_ =	swait.ge @!p2 [sflag:s19], $0x8000  }
0x73: {  	[sflag:s19] =	ssyncset.done @!p2 $0x0  }
0x74: {  	s20 =	rddreg [dreg:$0xc];
	[sflag:s19] =	ssyncadd.s32 @!p2 $0xFFFF8000  }
0x75: {  	[hbm4b:s20+s17] =	stream.linear.scatter @!p2 [tilespmem:s18], [sflag:$0x6], $0x8000, $0x38;
	[tilespmem:$0x1C680] =	vst v63  }
0x76: {  	_ =	swait.ge @!p2 [sflag:s19], $0x8000  }
0x77: {  	s17 =	simm.s32 @p3 $0x0;
	[sflag:s19] =	ssyncset.done @!p2 $0x0  }
0x78: {  	s18 =	simm.s32 @p3 $0xC680;
	[sflag:s19] =	ssyncadd.s32 @!p2 $0xFFFF8000;
	s19 =	rddreg [dreg:$0x18]  }
0x79: {  	[tilespmem:s18], [sflag:$0x6] =	stream.linear.gather @p3 [hbm4b:s19+s17], $0x6C00, $0x38;
	[tilespmem:$0x1C680] =	vst v63  }
0x7a: {  	s19 =	simm.s32 @p3 $0x6  }
0x7b: {  	_ =	swait.ge @p3 [sflag:s19], $0x6C00  }
0x7c: {  	[sflag:s19] =	ssyncset.done @p3 $0x0  }
0x7d: {  	s20 =	rddreg [dreg:$0x19];
	[sflag:s19] =	ssyncadd.s32 @p3 $0xFFFF9400  }
0x7e: {  	[hbm4b:s20+s17] =	stream.linear.scatter @p3 [tilespmem:s18], [sflag:$0x6], $0x6C00, $0x38;
	[tilespmem:$0x1C680] =	vst v63  }
0x7f: {  	_ =	swait.ge @p3 [sflag:s19], $0x6C00  }
0x80: {  	s17 =	simm.s32 @!p3 $0x0;
	[sflag:s19] =	ssyncset.done @p3 $0x0  }
0x81: {  	s18 =	simm.s32 @!p3 $0xC680;
	[sflag:s19] =	ssyncadd.s32 @p3 $0xFFFF9400;
	s19 =	rddreg [dreg:$0xd]  }
0x82: {  	[tilespmem:s18], [sflag:$0x6] =	stream.linear.gather @!p3 [hbm4b:s19+s17], $0x1C00, $0x38;
	[tilespmem:$0x1C680] =	vst v63  }
0x83: {  	s19 =	simm.s32 @!p3 $0x6  }
0x84: {  	_ =	swait.ge @!p3 [sflag:s19], $0x1C00  }
0x85: {  	[sflag:s19] =	ssyncset.done @!p3 $0x0  }
0x86: {  	s20 =	rddreg [dreg:$0xe];
	[sflag:s19] =	ssyncadd.s32 @!p3 $0xFFFFE400  }
0x87: {  	[hbm4b:s20+s17] =	stream.linear.scatter @!p3 [tilespmem:s18], [sflag:$0x6], $0x1C00, $0x38;
	[tilespmem:$0x1C680] =	vst v63  }
0x88: {  	_ =	swait.ge @!p3 [sflag:s19], $0x1C00  }
0x89: {  	[sflag:s19] =	ssyncset.done @!p3 $0x0  }
0x8a: {  	[sflag:s19] =	ssyncadd.s32 @!p3 $0xFFFFE400  }
0x8b: {  	_ =	swait.ge [sflag:s3], $0x1000  }
0x8c: {  	[sflag:s3] =	ssyncset.done $0x0  }
0x8d: {  	[sflag:s3] =	ssyncadd.s32 $0xFFFFF000  }
0x8e: {  	_ =	swait.ge [sflag:s3], $0x1000  }
0x8f: {  	[sflag:s3] =	ssyncset.done $0x0  }
0x90: {  	[sflag:s3] =	ssyncadd.s32 $0xFFFFF000  }
0x91: {  	_ =	swait.ge [sflag:s3], $0x1000  }
0x92: {  	[sflag:s3] =	ssyncset.done $0x0  }
0x93: {  	[sflag:s3] =	ssyncadd.s32 $0xFFFFF000  }
0x94: {  	_ =	swait.ge [sflag:s3], $0x1000  }
0x95: {  	[sflag:s3] =	ssyncset.done $0x0  }
0x96: {  	[sflag:s3] =	ssyncadd.s32 $0xFFFFF000  }
0x97: {  	_ =	swait.ge [sflag:s3], $0x1000  }
0x98: {  	[sflag:s3] =	ssyncset.done $0x0  }
0x99: {  	s17 =	simm.s32 $0x0;
	[sflag:s3] =	ssyncadd.s32 $0xFFFFF000  }
0x9a: {  	s31 =	simm.s32 $0x1000;
	v6 =	vld [tilespmem:s17+$0x0]  }
0x9b: {  	v7 =	vld [tilespmem:s31+$0x0];
	_ =	sdelay $0x3  }
0x9c: {  	vm0 =	vge.s32 v6, v2;
	vm1 =	vlt.s32 v6, v3  }
0x9d: {  	vm15 =	vgt.s32 v7, $0x0;
	vm0 =	vmand vm0, vm1  }
0x9e: {  	vm0 =	vmand vm0, vm15  }
0x9f: {  	v7 =	vsel vm0, $0x1, v5  }
0xa0: {  	(xrf0) =	vadd.scan.msk.s32 $0xffff, v7;
	_ =	sdelay $0x5  }
0xa1: {  	v8, _, _ =	vpop (xrf0)  }
0xa2: {  	v7 =	vmov s17;
	v9 =	vxor.u32 $0x80000000, v8  }
0xa3: {  	v7 =	vadd.s32 $0xFFFFFFFF, v7;
	(xrf0) =	vmax.scan.msk.u32 $0xffff, v9  }
0xa4: {  	v7 =	vbroadcast v7, $0x0;
	_ =	sdelay $0x1  }
0xa5: {  	v7 =	vadd.s32 v8, v7;
	_ =	sdelay $0x2  }
0xa6: {  	v8, _, _ =	vpop (xrf0)  }
0xa7: {  	(v2sf) =	vpush v8, $0xF  }
0xa8: {  	[tilespmem:v7+s22+$0x0] =	vst.idx.msk vm0, v6;
	v6 =	vor.u32 s17, v0  }
0xa9: {  	s18 =	simm.s32 $0x10;
	[tilespmem:v7+s23+$0x0] =	vst.idx.msk vm0, v6  }
0xaa: {  	s21 =	simm.s32 $0x10;
	s20 =	simm.s32 $0x20;
	s19 =	simm.s32 $0x1010;
	v6 =	vld [tilespmem:s18+$0x0]  }
.LBB2_8:
0xab: {  	p4 =	sne.s32 s20, $0xFF0;
	v7 =	vld [tilespmem:s19+$0x0];
	_ =	sdelay $0x3  }
0xac: {  	vm0 =	vge.s32 v6, v2;
	vm1 =	vlt.s32 v6, v3  }
0xad: {  	vm0 =	vmand vm0, vm1;
	vm1 =	vgt.s32 v7, $0x0  }
0xae: {  	vm0 =	vmand vm0, vm1  }
0xaf: {  	v7 =	vsel vm0, $0x1, v5  }
0xb0: {  	(xrf0) =	vadd.scan.msk.s32 $0xffff, v7;
	_ =	sdelay $0x2  }
0xb1: {  	s30 =	spop (v2sf)  }
0xb2: {  	s17 =	sadd.s32 s30, s17  }
0xb3: {  	s17 =	sadd.s32 $0x80000000, s17  }
0xb4: {  	v7 =	vmov s17;
	v8, _, _ =	vpop (xrf0)  }
0xb5: {  	v7 =	vadd.s32 $0xFFFFFFFF, v7;
	v9 =	vxor.u32 $0x80000000, v8  }
0xb6: {  	v7 =	vbroadcast v7, $0x0;
	(xrf0) =	vmax.scan.msk.u32 $0xffff, v9;
	_ =	sdelay $0x1  }
0xb7: {  	v7 =	vadd.s32 v8, v7;
	_ =	sdelay $0x3  }
.Ltmp4:
0xb8: {  	v8, _, _ =	vpop (xrf0);
	(pc) =	sbr.rel @p4 .LBB2_8-.Ltmp4, $4  }
0xb9: {  	[tilespmem:v7+s22+$0x0] =	vst.idx.msk vm0, v6;
	v6 =	vor.u32 s18, v0;
	(v2sf) =	vpush v8, $0xF;
	s18 =	smov.u32 s20  }
0xba: {  	[tilespmem:v7+s23+$0x0] =	vst.idx.msk vm0, v6  }
0xbb: {  	s21 =	sadd.s32 $0x10, s21  }
0xbc: {  	s19 =	sadd.s32 $0x10, s19;
	s20 =	sadd.s32 $0x10, s20;
	v6 =	vld [tilespmem:s21+$0x0]  }
0xbd: {  	v7 =	vld [tilespmem:s19+$0x0];
	_ =	sdelay $0x3  }
0xbe: {  	vm0 =	vge.s32 v6, v2;
	vm1 =	vlt.s32 v6, v3  }
0xbf: {  	vm0 =	vmand vm0, vm1;
	vm15 =	vgt.s32 v7, $0x0  }
0xc0: {  	vm0 =	vmand vm0, vm15  }
0xc1: {  	v7 =	vsel vm0, $0x1, v5  }
0xc2: {  	(xrf0) =	vadd.scan.msk.s32 $0xffff, v7;
	_ =	sdelay $0x5  }
0xc3: {  	v7, _, _ =	vpop (xrf0)  }
0xc4: {  	v8 =	vxor.u32 $0x80000000, v7  }
0xc5: {  	(xrf0) =	vmax.scan.msk.u32 $0xffff, v8;
	_ =	sdelay $0x5  }
0xc6: {  	v8, _, _ =	vpop (xrf0)  }
0xc7: {  	(v2sf) =	vpush v8, $0xF;
	_ =	sdelay $0x8  }
0xc8: {  	s21 =	spop (v2sf)  }
0xc9: {  	s17 =	sadd.s32 s21, s17  }
0xca: {  	s17 =	sadd.s32 $0x80000000, s17  }
0xcb: {  	v63 =	vmov s17  }
0xcc: {  	v8 =	vadd.s32 $0xFFFFFFFF, v63  }
0xcd: {  	v8 =	vbroadcast v8, $0x0  }
0xce: {  	s30 =	spop (v2sf)  }
0xcf: {  	v7 =	vadd.s32 v7, v8;
	s17 =	sadd.s32 s30, s17  }
0xd0: {  	s19 =	sadd.s32 $0x80000000, s17  }
0xd1: {  	s17 =	sand.u32 $0x7F, s19  }
0xd2: {  	s31 =	sshra.s32 s19, $0x1F;
	p5 =	slt.s32 s19, $0x1;
	p4 =	sne.s32 s17, $0x0  }
0xd3: {  	s17 =	sshrl.u32 s31, $0x19;
	p4 =	por !p5, !p4  }
0xd4: {  	[tilespmem:v7+s22+$0x0] =	vst.idx.msk vm0, v6;
	v6 =	vor.u32 s18, v0;
	s18 =	simm.s32 $0x1;
	s17 =	sadd.s32 s17, s19;
	p4 =	por !p4, !p4  }
0xd5: {  	s17 =	sshra.s32 s17, $0x7;
	s18 =	simm.s32 @!p4 $0x0  }
0xd6: {  	s18 =	ssub.s32 s17, s18  }
0xd7: {  	p5 =	slt.s32 s18, $0x1  }
.Ltmp5:
0xd8: {  	[tilespmem:v7+s23+$0x0] =	vst.idx.msk vm0, v6;
	(pc) =	sbr.rel @p5 .LBB2_13-.Ltmp5, $4  }
0xd9: {  	[tilespmem:s19+$0x5C80] =	vst v2  }
0xda: {  	[tilespmem:s19+$0x6D00] =	vst v1  }
0xdb: {  	[tilespmem:s19+$0x5C90] =	vst v2  }
0xdc: {  	[tilespmem:s19+$0x6D10] =	vst v1  }
0xdd: {  	s20 =	simm.s32 $0x5CC0  }
0xde: {  	v6 =	vld [tilespmem:s20+$0xFFFFFFC0];
	_ =	sdelay $0x4  }
0xdf: {  	[tilespmem:$0x7D80] =	vst v6  }
0xe0: {  	v6 =	vld [tilespmem:s20+$0xFFFFFFD0];
	_ =	sdelay $0x4  }
0xe1: {  	[tilespmem:$0x7D90] =	vst v6  }
0xe2: {  	v6 =	vld [tilespmem:s20+$0xFFFFFFE0];
	_ =	sdelay $0x4  }
0xe3: {  	[tilespmem:$0x7DA0] =	vst v6  }
0xe4: {  	v6 =	vld [tilespmem:s20+$0xFFFFFFF0];
	_ =	sdelay $0x4  }
0xe5: {  	[tilespmem:$0x7DB0] =	vst v6  }
0xe6: {  	v6 =	vld [tilespmem:s20+$0x0];
	_ =	sdelay $0x4  }
0xe7: {  	[tilespmem:$0x7DC0] =	vst v6  }
0xe8: {  	v6 =	vld [tilespmem:s20+$0x10];
	_ =	sdelay $0x4  }
0xe9: {  	[tilespmem:$0x7DD0] =	vst v6  }
0xea: {  	v6 =	vld [tilespmem:s20+$0x20];
	_ =	sdelay $0x4  }
0xeb: {  	[tilespmem:$0x7DE0] =	vst v6  }
0xec: {  	v6 =	vld [tilespmem:s20+$0x30];
	_ =	sdelay $0x4  }
0xed: {  	s21 =	simm.s32 $0x6D00;
	[tilespmem:$0x7DF0] =	vst v6  }
0xee: {  	[tilespmem:s25], [sflag:$0x5] =	stream.indirect.gather [hbm4b:s8+s24], $0x80, s21, s24, $0xb8;
	[tilespmem:$0x1C680] =	vst v63  }
0xef: {  	p5 =	sne.s32 s18, $0x1;
	_ =	swait.ge [sflag:s3], $0x4000  }
.Ltmp6:
0xf0: {  	[sflag:s3] =	ssyncset.done $0x0;
	(pc) =	sbr.rel @!p5 .LBB2_12-.Ltmp6, $4  }
0xf1: {  	[sflag:s3] =	ssyncadd.s32 $0xFFFFC000  }
0xf2: {  	[hbm4b:s6+s24] =	stream.indirect.scatter [tilespmem:s25], [sflag:$0x5], $0x80, s10, s24, $0xb8;
	[tilespmem:$0x1C680] =	vst v63  }
0xf3: {  	_ =	swait.ge [sflag:s3], $0x4000  }
0xf4: {  	s30 =	sadd.s32 $0xFFFFFFFF, s18;
	[sflag:s3] =	ssyncset.done $0x0  }
.LBB2_11:
0xf5: {  	[sflag:s3] =	ssyncadd.s32 $0xFFFFC000;
	s21 =	sadd.s32 $0x80, s21;
	s20 =	sadd.s32 $0x80, s20  }
0xf6: {  	p5 =	sne.s32 s30, $0x1;
	s30 =	sadd.s32 $0xFFFFFFFF, s30;
	v6 =	vld [tilespmem:s20+$0xFFFFFFC0];
	_ =	sdelay $0x4  }
0xf7: {  	[tilespmem:$0x7D80] =	vst v6  }
0xf8: {  	v6 =	vld [tilespmem:s20+$0xFFFFFFD0];
	_ =	sdelay $0x4  }
0xf9: {  	[tilespmem:$0x7D90] =	vst v6  }
0xfa: {  	v6 =	vld [tilespmem:s20+$0xFFFFFFE0];
	_ =	sdelay $0x4  }
0xfb: {  	[tilespmem:$0x7DA0] =	vst v6  }
0xfc: {  	v6 =	vld [tilespmem:s20+$0xFFFFFFF0];
	_ =	sdelay $0x4  }
0xfd: {  	[tilespmem:$0x7DB0] =	vst v6  }
0xfe: {  	v6 =	vld [tilespmem:s20+$0x0];
	_ =	sdelay $0x4  }
0xff: {  	[tilespmem:$0x7DC0] =	vst v6  }
0x100: {  	v6 =	vld [tilespmem:s20+$0x10];
	_ =	sdelay $0x4  }
0x101: {  	[tilespmem:$0x7DD0] =	vst v6  }
0x102: {  	v6 =	vld [tilespmem:s20+$0x20];
	_ =	sdelay $0x4  }
0x103: {  	[tilespmem:$0x7DE0] =	vst v6  }
0x104: {  	v6 =	vld [tilespmem:s20+$0x30];
	_ =	sdelay $0x4  }
0x105: {  	[tilespmem:$0x7DF0] =	vst v6  }
0x106: {  	[tilespmem:s25], [sflag:$0x5] =	stream.indirect.gather [hbm4b:s8+s24], $0x80, s21, s24, $0xb8;
	[tilespmem:$0x1C680] =	vst v63  }
0x107: {  	_ =	swait.ge [sflag:s3], $0x4000  }
.Ltmp7:
0x108: {  	[sflag:s3] =	ssyncset.done $0x0;
	(pc) =	sbr.rel @p5 .LBB2_11-.Ltmp7, $4  }
0x109: {  	[sflag:s3] =	ssyncadd.s32 $0xFFFFC000  }
0x10a: {  	[hbm4b:s6+s24] =	stream.indirect.scatter [tilespmem:s25], [sflag:$0x5], $0x80, s10, s24, $0xb8;
	[tilespmem:$0x1C680] =	vst v63  }
0x10b: {  	_ =	swait.ge [sflag:s3], $0x4000  }
0x10c: {  	[sflag:s3] =	ssyncset.done $0x0  }
.LBB2_12:
0x10d: {  	[sflag:s3] =	ssyncadd.s32 $0xFFFFC000  }
.LBB2_13:
0x10e: {  	s20 =	sshll.u32 s18, $0x7  }
0x10f: {  	s19 =	ssub.s32 s19, s20  }
0x110: {  	s19 =	sadd.s32 $0xF, s19  }
0x111: {  	s30 =	sand.u32 $0xF, s19  }
0x112: {  	s31 =	sshra.s32 s19, $0x1F;
	p6 =	slt.s32 s19, $0x1;
	p5 =	sne.s32 s30, $0x0  }
0x113: {  	s20 =	sshrl.u32 s31, $0x1C;
	p5 =	por !p6, !p5  }
0x114: {  	s19 =	sadd.s32 s20, s19;
	s20 =	simm.s32 $0x1;
	p5 =	por !p5, !p5  }
0x115: {  	s19 =	sshra.s32 s19, $0x4;
	s20 =	simm.s32 @!p5 $0x0  }
0x116: {  	s19 =	ssub.s32 s19, s20  }
0x117: {  	p5 =	slt.s32 s19, $0x1  }
.Ltmp8:
0x118: {  	_ = 	snop;
	(pc) =	sbr.rel @p5 .LBB2_20-.Ltmp8, $1  }
0x119: {  	_ =	sdelay $0x3  }
0x11a: {  	s20 =	simm.s32 $0xFFFFFFFF;
	p5 =	sne.s32 s19, $0x1  }
.Ltmp9:
0x11b: {  	s20 =	simm.s32 @!p4 $0x0;
	(pc) =	sbr.rel @!p5 .LBB2_15-.Ltmp9, $4  }
0x11c: {  	s18 =	sshll.u32 s18, $0x9;
	s17 =	sshll.u32 s17, $0x7;
	s20 =	sshll.u32 s20, $0x7  }
0x11d: {  	s19 =	sadd.s32 $0xFFFFFFFF, s19;
	s21 =	sshra.s32 s18, $0x2;
	s18 =	sadd.s32 s20, s17  }
0x11e: {  	s17 =	sadd.s32 $0x6D00, s21;
	s20 =	simm.s32 $0x0;
	s21 =	sadd.s32 $0x0, s18  }
0x11f: {  	p4 =	por $0x0, $0x0;
	s31 =	sand.u32 $0x70, s20;
	s30 =	sand.u32 $0xFFFFFF80, s21  }
0x120: {  	s20 =	sor.u32 s31, s30  }
0x121: {  	v6 =	vld [tilespmem:s20+$0x5C80];
	_ =	sdelay $0x4  }
0x122: {  	[tilespmem:$0xBE00] =	vst v6  }
0x123: {  	[tilespmem:s13], [sflag:$0x5] =	stream.indirect.gather [hbm4b:s8+s11], $0x80, s17, s11, $0xb8;
	[tilespmem:$0x1C680] =	vst v63  }
0x124: {  	p5 =	sne.s32 s19, $0x1;
	_ =	swait.ge [sflag:s3], $0x800  }
.Ltmp10:
0x125: {  	s21 =	simm.s32 $0x10;
	[sflag:s3] =	ssyncset.done $0x0;
	(pc) =	sbr.rel @!p5 .LBB2_17-.Ltmp10, $4  }
0x126: {  	p4 =	por $0x1, $0x1;
	s20 =	sadd.s32 $0xFFFFFFFF, s19;
	[sflag:s3] =	ssyncadd.s32 $0xFFFFF800  }
0x127: {  	[hbm4b:s6+s11] =	stream.indirect.scatter [tilespmem:s13], [sflag:$0x5], $0x80, s14, s11, $0xb8;
	[tilespmem:$0x1C680] =	vst v63  }
0x128: {  	s19 =	sadd.s32 $0x10, s18;
	s31 =	sand.u32 $0x70, s21;
	_ =	swait.ge [sflag:s3], $0x800  }
0x129: {  	s30 =	sand.u32 $0xFFFFFF80, s19;
	s19 =	smov.u32 s17;
	[sflag:s3] =	ssyncset.done $0x0  }
.LBB2_18:
0x12a: {  	s30 =	sor.u32 s31, s30;
	[sflag:s3] =	ssyncadd.s32 $0xFFFFF800;
	s19 =	sadd.s32 $0x10, s19  }
0x12b: {  	p5 =	sne.s32 s20, $0x1;
	s20 =	sadd.s32 $0xFFFFFFFF, s20;
	v6 =	vld [tilespmem:s30+$0x5C80];
	_ =	sdelay $0x4  }
0x12c: {  	[tilespmem:$0xBE00] =	vst v6  }
0x12d: {  	[tilespmem:s13], [sflag:$0x5] =	stream.indirect.gather [hbm4b:s8+s11], $0x80, s19, s11, $0xb8;
	[tilespmem:$0x1C680] =	vst v63  }
0x12e: {  	_ =	swait.ge [sflag:s3], $0x800  }
.Ltmp11:
0x12f: {  	[sflag:s3] =	ssyncset.done $0x0;
	(pc) =	sbr.rel @p5 .LBB2_18-.Ltmp11, $4  }
0x130: {  	s21 =	sadd.s32 $0x10, s21;
	[sflag:s3] =	ssyncadd.s32 $0xFFFFF800  }
0x131: {  	[hbm4b:s6+s11] =	stream.indirect.scatter [tilespmem:s13], [sflag:$0x5], $0x80, s14, s11, $0xb8;
	[tilespmem:$0x1C680] =	vst v63  }
0x132: {  	s30 =	sadd.s32 s21, s18;
	_ =	swait.ge [sflag:s3], $0x800  }
0x133: {  	s31 =	sand.u32 $0x70, s21;
	s30 =	sand.u32 $0xFFFFFF80, s30;
	[sflag:s3] =	ssyncset.done $0x0  }
.LBB2_19:
0x134: {  	s18 =	sor.u32 s31, s30;
	[sflag:s3] =	ssyncadd.s32 @p4 $0xFFFFF800  }
0x135: {  	v6 =	vld [tilespmem:s18+$0x5C80];
	_ =	sdelay $0x3  }
0x136: {  	s18 =	sadd.s32 @p4 $0x10, s19  }
0x137: {  	s17 =	smov.u32 @p4 s18;
	[tilespmem:$0xBE00] =	vst v6  }
0x138: {  	[tilespmem:s13], [sflag:$0x5] =	stream.indirect.gather [hbm4b:s8+s11], $0x80, s17, s11, $0xb8;
	[tilespmem:$0x1C680] =	vst v63  }
0x139: {  	_ =	swait.ge [sflag:s3], $0x800  }
0x13a: {  	[sflag:s3] =	ssyncset.done $0x0  }
0x13b: {  	[sflag:s3] =	ssyncadd.s32 $0xFFFFF800  }
0x13c: {  	[hbm4b:s6+s11] =	stream.indirect.scatter [tilespmem:s13], [sflag:$0x5], $0x80, s14, s11, $0xb8;
	[tilespmem:$0x1C680] =	vst v63  }
0x13d: {  	_ =	swait.ge [sflag:s3], $0x800  }
0x13e: {  	[sflag:s3] =	ssyncset.done $0x0  }
0x13f: {  	[sflag:s3] =	ssyncadd.s32 $0xFFFFF800  }
.LBB2_20:
0x140: {  	s17 =	simm.s32 $0x2000  }
0x141: {  	s18 =	simm.s32 $0x3000;
	v6 =	vld [tilespmem:s17+$0x0]  }
0x142: {  	v7 =	vld [tilespmem:s18+$0x0];
	_ =	sdelay $0x3  }
0x143: {  	vm0 =	vge.s32 v6, v2;
	vm1 =	vlt.s32 v6, v3  }
0x144: {  	vm15 =	vgt.s32 v7, $0x0;
	vm0 =	vmand vm0, vm1  }
0x145: {  	vm0 =	vmand vm0, vm15  }
0x146: {  	v7 =	vsel vm0, $0x1, v5  }
0x147: {  	(xrf0) =	vadd.scan.msk.s32 $0xffff, v7;
	_ =	sdelay $0x5  }
0x148: {  	s18 =	simm.s32 $0x0;
	v8, _, _ =	vpop (xrf0)  }
0x149: {  	v7 =	vmov s18;
	v9 =	vxor.u32 $0x80000000, v8  }
0x14a: {  	v7 =	vadd.s32 $0xFFFFFFFF, v7;
	(xrf0) =	vmax.scan.msk.u32 $0xffff, v9  }
0x14b: {  	v7 =	vbroadcast v7, $0x0;
	_ =	sdelay $0x1  }
0x14c: {  	v7 =	vadd.s32 v8, v7;
	_ =	sdelay $0x2  }
0x14d: {  	v8, _, _ =	vpop (xrf0)  }
0x14e: {  	(v2sf) =	vpush v8, $0xF  }
0x14f: {  	[tilespmem:v7+s22+$0x0] =	vst.idx.msk vm0, v6;
	v6 =	vor.u32 s18, v0  }
0x150: {  	s19 =	simm.s32 $0x2010;
	[tilespmem:v7+s23+$0x0] =	vst.idx.msk vm0, v6  }
0x151: {  	s21 =	simm.s32 $0x20;
	s20 =	simm.s32 $0x3010;
	s17 =	simm.s32 $0x10;
	v6 =	vld [tilespmem:s19+$0x0]  }
.LBB2_21:
0x152: {  	p4 =	sne.s32 s21, $0xFF0;
	v7 =	vld [tilespmem:s20+$0x0];
	_ =	sdelay $0x3  }
0x153: {  	vm0 =	vge.s32 v6, v2;
	vm1 =	vlt.s32 v6, v3  }
0x154: {  	vm0 =	vmand vm0, vm1;
	vm1 =	vgt.s32 v7, $0x0  }
0x155: {  	vm0 =	vmand vm0, vm1  }
0x156: {  	v7 =	vsel vm0, $0x1, v5  }
0x157: {  	(xrf0) =	vadd.scan.msk.s32 $0xffff, v7;
	_ =	sdelay $0x2  }
0x158: {  	s30 =	spop (v2sf)  }
0x159: {  	s18 =	sadd.s32 s30, s18  }
0x15a: {  	s18 =	sadd.s32 $0x80000000, s18  }
0x15b: {  	v7 =	vmov s18;
	v8, _, _ =	vpop (xrf0)  }
0x15c: {  	v7 =	vadd.s32 $0xFFFFFFFF, v7;
	v9 =	vxor.u32 $0x80000000, v8  }
0x15d: {  	v7 =	vbroadcast v7, $0x0;
	(xrf0) =	vmax.scan.msk.u32 $0xffff, v9;
	_ =	sdelay $0x1  }
0x15e: {  	v7 =	vadd.s32 v8, v7;
	_ =	sdelay $0x3  }
.Ltmp12:
0x15f: {  	v8, _, _ =	vpop (xrf0);
	(pc) =	sbr.rel @p4 .LBB2_21-.Ltmp12, $4  }
0x160: {  	[tilespmem:v7+s22+$0x0] =	vst.idx.msk vm0, v6;
	v6 =	vor.u32 s17, v0;
	(v2sf) =	vpush v8, $0xF;
	s17 =	smov.u32 s21  }
0x161: {  	[tilespmem:v7+s23+$0x0] =	vst.idx.msk vm0, v6  }
0x162: {  	s19 =	sadd.s32 $0x10, s19  }
0x163: {  	s20 =	sadd.s32 $0x10, s20;
	s21 =	sadd.s32 $0x10, s21;
	v6 =	vld [tilespmem:s19+$0x0]  }
0x164: {  	v7 =	vld [tilespmem:s20+$0x0];
	_ =	sdelay $0x3  }
0x165: {  	vm0 =	vge.s32 v6, v2;
	vm1 =	vlt.s32 v6, v3  }
0x166: {  	vm0 =	vmand vm0, vm1;
	vm15 =	vgt.s32 v7, $0x0  }
0x167: {  	vm0 =	vmand vm0, vm15  }
0x168: {  	v7 =	vsel vm0, $0x1, v5  }
0x169: {  	(xrf0) =	vadd.scan.msk.s32 $0xffff, v7;
	_ =	sdelay $0x5  }
0x16a: {  	v7, _, _ =	vpop (xrf0)  }
0x16b: {  	v8 =	vxor.u32 $0x80000000, v7  }
0x16c: {  	(xrf0) =	vmax.scan.msk.u32 $0xffff, v8;
	_ =	sdelay $0x5  }
0x16d: {  	v8, _, _ =	vpop (xrf0)  }
0x16e: {  	(v2sf) =	vpush v8, $0xF;
	_ =	sdelay $0xa  }
0x16f: {  	s19 =	spop (v2sf)  }
0x170: {  	s18 =	sadd.s32 s19, s18  }
0x171: {  	s18 =	sadd.s32 $0x80000000, s18  }
0x172: {  	v63 =	vmov s18  }
0x173: {  	v8 =	vadd.s32 $0xFFFFFFFF, v63;
	s30 =	spop (v2sf)  }
0x174: {  	v8 =	vbroadcast v8, $0x0;
	s18 =	sadd.s32 s30, s18  }
0x175: {  	s20 =	sadd.s32 $0x80000000, s18  }
0x176: {  	s19 =	simm.s32 $0x1;
	v7 =	vadd.s32 v7, v8;
	s18 =	sadd.s32 $0x1, s20;
	p4 =	slt.u32 s20, $0x7FFFFFFF  }
0x177: {  	s21 =	sshra.s32 s18, $0x1F;
	s19 =	simm.s32 @!p4 $0x0  }
0x178: {  	s30 =	sand.u32 $0x7F, s18;
	s19 =	sadd.s32 s19, s21  }
0x179: {  	p5 =	sne.s32 s30, $0x0;
	p6 =	sne.s32 s19, $0x1  }
0x17a: {  	s31 =	sshrl.u32 s21, $0x19;
	p4 =	por !p5, !p6  }
0x17b: {  	[tilespmem:v7+s22+$0x0] =	vst.idx.msk vm0, v6;
	v6 =	vor.u32 s17, v0;
	s17 =	sadd.s32 s31, s18;
	s19 =	simm.s32 $0x1;
	p4 =	por !p4, !p4  }
0x17c: {  	s17 =	sshra.s32 s17, $0x7;
	s19 =	simm.s32 @!p4 $0x0  }
0x17d: {  	s19 =	ssub.s32 s17, s19  }
0x17e: {  	p5 =	slt.s32 s19, $0x1  }
.Ltmp13:
0x17f: {  	[tilespmem:v7+s23+$0x0] =	vst.idx.msk vm0, v6;
	(pc) =	sbr.rel @p5 .LBB2_26-.Ltmp13, $4  }
0x180: {  	[tilespmem:s20+$0x5C80] =	vst v2  }
0x181: {  	[tilespmem:s20+$0x6D00] =	vst v4  }
0x182: {  	[tilespmem:s20+$0x5C90] =	vst v2  }
0x183: {  	[tilespmem:s20+$0x6D10] =	vst v4  }
0x184: {  	s20 =	simm.s32 $0x5CC0  }
0x185: {  	v6 =	vld [tilespmem:s20+$0xFFFFFFC0];
	_ =	sdelay $0x4  }
0x186: {  	[tilespmem:$0x7D80] =	vst v6  }
0x187: {  	v6 =	vld [tilespmem:s20+$0xFFFFFFD0];
	_ =	sdelay $0x4  }
0x188: {  	[tilespmem:$0x7D90] =	vst v6  }
0x189: {  	v6 =	vld [tilespmem:s20+$0xFFFFFFE0];
	_ =	sdelay $0x4  }
0x18a: {  	[tilespmem:$0x7DA0] =	vst v6  }
0x18b: {  	v6 =	vld [tilespmem:s20+$0xFFFFFFF0];
	_ =	sdelay $0x4  }
0x18c: {  	[tilespmem:$0x7DB0] =	vst v6  }
0x18d: {  	v6 =	vld [tilespmem:s20+$0x0];
	_ =	sdelay $0x4  }
0x18e: {  	[tilespmem:$0x7DC0] =	vst v6  }
0x18f: {  	v6 =	vld [tilespmem:s20+$0x10];
	_ =	sdelay $0x4  }
0x190: {  	[tilespmem:$0x7DD0] =	vst v6  }
0x191: {  	v6 =	vld [tilespmem:s20+$0x20];
	_ =	sdelay $0x4  }
0x192: {  	[tilespmem:$0x7DE0] =	vst v6  }
0x193: {  	v6 =	vld [tilespmem:s20+$0x30];
	_ =	sdelay $0x4  }
0x194: {  	s21 =	simm.s32 $0x6D00;
	[tilespmem:$0x7DF0] =	vst v6  }
0x195: {  	[tilespmem:s25], [sflag:$0x5] =	stream.indirect.gather [hbm4b:s9+s24], $0x80, s21, s24, $0xb8;
	[tilespmem:$0x1C680] =	vst v63  }
0x196: {  	p5 =	sne.s32 s19, $0x1;
	_ =	swait.ge [sflag:s3], $0x4000  }
.Ltmp14:
0x197: {  	[sflag:s3] =	ssyncset.done $0x0;
	(pc) =	sbr.rel @!p5 .LBB2_25-.Ltmp14, $4  }
0x198: {  	[sflag:s3] =	ssyncadd.s32 $0xFFFFC000  }
0x199: {  	[hbm4b:s6+s24] =	stream.indirect.scatter [tilespmem:s25], [sflag:$0x5], $0x80, s10, s24, $0xb8;
	[tilespmem:$0x1C680] =	vst v63  }
0x19a: {  	_ =	swait.ge [sflag:s3], $0x4000  }
0x19b: {  	s30 =	sadd.s32 $0xFFFFFFFF, s19;
	[sflag:s3] =	ssyncset.done $0x0  }
.LBB2_24:
0x19c: {  	[sflag:s3] =	ssyncadd.s32 $0xFFFFC000;
	s21 =	sadd.s32 $0x80, s21;
	s20 =	sadd.s32 $0x80, s20  }
0x19d: {  	p5 =	sne.s32 s30, $0x1;
	s30 =	sadd.s32 $0xFFFFFFFF, s30;
	v6 =	vld [tilespmem:s20+$0xFFFFFFC0];
	_ =	sdelay $0x4  }
0x19e: {  	[tilespmem:$0x7D80] =	vst v6  }
0x19f: {  	v6 =	vld [tilespmem:s20+$0xFFFFFFD0];
	_ =	sdelay $0x4  }
0x1a0: {  	[tilespmem:$0x7D90] =	vst v6  }
0x1a1: {  	v6 =	vld [tilespmem:s20+$0xFFFFFFE0];
	_ =	sdelay $0x4  }
0x1a2: {  	[tilespmem:$0x7DA0] =	vst v6  }
0x1a3: {  	v6 =	vld [tilespmem:s20+$0xFFFFFFF0];
	_ =	sdelay $0x4  }
0x1a4: {  	[tilespmem:$0x7DB0] =	vst v6  }
0x1a5: {  	v6 =	vld [tilespmem:s20+$0x0];
	_ =	sdelay $0x4  }
0x1a6: {  	[tilespmem:$0x7DC0] =	vst v6  }
0x1a7: {  	v6 =	vld [tilespmem:s20+$0x10];
	_ =	sdelay $0x4  }
0x1a8: {  	[tilespmem:$0x7DD0] =	vst v6  }
0x1a9: {  	v6 =	vld [tilespmem:s20+$0x20];
	_ =	sdelay $0x4  }
0x1aa: {  	[tilespmem:$0x7DE0] =	vst v6  }
0x1ab: {  	v6 =	vld [tilespmem:s20+$0x30];
	_ =	sdelay $0x4  }
0x1ac: {  	[tilespmem:$0x7DF0] =	vst v6  }
0x1ad: {  	[tilespmem:s25], [sflag:$0x5] =	stream.indirect.gather [hbm4b:s9+s24], $0x80, s21, s24, $0xb8;
	[tilespmem:$0x1C680] =	vst v63  }
0x1ae: {  	_ =	swait.ge [sflag:s3], $0x4000  }
.Ltmp15:
0x1af: {  	[sflag:s3] =	ssyncset.done $0x0;
	(pc) =	sbr.rel @p5 .LBB2_24-.Ltmp15, $4  }
0x1b0: {  	[sflag:s3] =	ssyncadd.s32 $0xFFFFC000  }
0x1b1: {  	[hbm4b:s6+s24] =	stream.indirect.scatter [tilespmem:s25], [sflag:$0x5], $0x80, s10, s24, $0xb8;
	[tilespmem:$0x1C680] =	vst v63  }
0x1b2: {  	_ =	swait.ge [sflag:s3], $0x4000  }
0x1b3: {  	[sflag:s3] =	ssyncset.done $0x0  }
.LBB2_25:
0x1b4: {  	[sflag:s3] =	ssyncadd.s32 $0xFFFFC000  }
.LBB2_26:
0x1b5: {  	s20 =	sshll.u32 s19, $0x7  }
0x1b6: {  	s18 =	ssub.s32 s18, s20  }
0x1b7: {  	s18 =	sadd.s32 $0xF, s18  }
0x1b8: {  	s30 =	sand.u32 $0xF, s18  }
0x1b9: {  	s31 =	sshra.s32 s18, $0x1F;
	p6 =	slt.s32 s18, $0x1;
	p5 =	sne.s32 s30, $0x0  }
0x1ba: {  	s20 =	sshrl.u32 s31, $0x1C;
	p5 =	por !p6, !p5  }
0x1bb: {  	s18 =	sadd.s32 s20, s18;
	s20 =	simm.s32 $0x1;
	p5 =	por !p5, !p5  }
0x1bc: {  	s18 =	sshra.s32 s18, $0x4;
	s20 =	simm.s32 @!p5 $0x0  }
0x1bd: {  	s20 =	ssub.s32 s18, s20  }
0x1be: {  	p5 =	slt.s32 s20, $0x1  }
.Ltmp16:
0x1bf: {  	_ = 	snop;
	(pc) =	sbr.rel @p5 .LBB2_33-.Ltmp16, $1  }
0x1c0: {  	_ =	sdelay $0x3  }
0x1c1: {  	s18 =	simm.s32 $0xFFFFFFFF;
	p5 =	sne.s32 s20, $0x1  }
.Ltmp17:
0x1c2: {  	s18 =	simm.s32 @!p4 $0x0;
	(pc) =	sbr.rel @!p5 .LBB2_28-.Ltmp17, $4  }
0x1c3: {  	s19 =	sshll.u32 s19, $0x9;
	s17 =	sshll.u32 s17, $0x7;
	s18 =	sshll.u32 s18, $0x7  }
0x1c4: {  	s21 =	simm.s32 $0x0;
	s19 =	sshra.s32 s19, $0x2;
	s18 =	sadd.s32 s18, s17  }
0x1c5: {  	s17 =	sadd.s32 $0x6D00, s19;
	s19 =	sadd.s32 $0xFFFFFFFF, s20;
	s20 =	sadd.s32 $0x0, s18  }
0x1c6: {  	s31 =	sand.u32 $0x70, s21;
	p4 =	por $0x0, $0x0;
	s30 =	sand.u32 $0xFFFFFF80, s20  }
0x1c7: {  	s20 =	sor.u32 s31, s30  }
0x1c8: {  	v6 =	vld [tilespmem:s20+$0x5C80];
	_ =	sdelay $0x4  }
0x1c9: {  	[tilespmem:$0xBE00] =	vst v6  }
0x1ca: {  	[tilespmem:s13], [sflag:$0x5] =	stream.indirect.gather [hbm4b:s9+s11], $0x80, s17, s11, $0xb8;
	[tilespmem:$0x1C680] =	vst v63  }
0x1cb: {  	p5 =	sne.s32 s19, $0x1;
	_ =	swait.ge [sflag:s3], $0x800  }
.Ltmp18:
0x1cc: {  	s21 =	simm.s32 $0x10;
	[sflag:s3] =	ssyncset.done $0x0;
	(pc) =	sbr.rel @!p5 .LBB2_30-.Ltmp18, $4  }
0x1cd: {  	p4 =	por $0x1, $0x1;
	s20 =	sadd.s32 $0xFFFFFFFF, s19;
	[sflag:s3] =	ssyncadd.s32 $0xFFFFF800  }
0x1ce: {  	[hbm4b:s6+s11] =	stream.indirect.scatter [tilespmem:s13], [sflag:$0x5], $0x80, s14, s11, $0xb8;
	[tilespmem:$0x1C680] =	vst v63  }
0x1cf: {  	s19 =	sadd.s32 $0x10, s18;
	s31 =	sand.u32 $0x70, s21;
	_ =	swait.ge [sflag:s3], $0x800  }
0x1d0: {  	s30 =	sand.u32 $0xFFFFFF80, s19;
	s19 =	smov.u32 s17;
	[sflag:s3] =	ssyncset.done $0x0  }
.LBB2_31:
0x1d1: {  	s30 =	sor.u32 s31, s30;
	[sflag:s3] =	ssyncadd.s32 $0xFFFFF800;
	s19 =	sadd.s32 $0x10, s19  }
0x1d2: {  	p5 =	sne.s32 s20, $0x1;
	s20 =	sadd.s32 $0xFFFFFFFF, s20;
	v6 =	vld [tilespmem:s30+$0x5C80];
	_ =	sdelay $0x4  }
0x1d3: {  	[tilespmem:$0xBE00] =	vst v6  }
0x1d4: {  	[tilespmem:s13], [sflag:$0x5] =	stream.indirect.gather [hbm4b:s9+s11], $0x80, s19, s11, $0xb8;
	[tilespmem:$0x1C680] =	vst v63  }
0x1d5: {  	_ =	swait.ge [sflag:s3], $0x800  }
.Ltmp19:
0x1d6: {  	[sflag:s3] =	ssyncset.done $0x0;
	(pc) =	sbr.rel @p5 .LBB2_31-.Ltmp19, $4  }
0x1d7: {  	s21 =	sadd.s32 $0x10, s21;
	[sflag:s3] =	ssyncadd.s32 $0xFFFFF800  }
0x1d8: {  	[hbm4b:s6+s11] =	stream.indirect.scatter [tilespmem:s13], [sflag:$0x5], $0x80, s14, s11, $0xb8;
	[tilespmem:$0x1C680] =	vst v63  }
0x1d9: {  	s30 =	sadd.s32 s21, s18;
	_ =	swait.ge [sflag:s3], $0x800  }
0x1da: {  	s31 =	sand.u32 $0x70, s21;
	s30 =	sand.u32 $0xFFFFFF80, s30;
	[sflag:s3] =	ssyncset.done $0x0  }
.LBB2_32:
0x1db: {  	s18 =	sor.u32 s31, s30;
	[sflag:s3] =	ssyncadd.s32 @p4 $0xFFFFF800  }
0x1dc: {  	v6 =	vld [tilespmem:s18+$0x5C80];
	_ =	sdelay $0x3  }
0x1dd: {  	s18 =	sadd.s32 @p4 $0x10, s19  }
0x1de: {  	s17 =	smov.u32 @p4 s18;
	[tilespmem:$0xBE00] =	vst v6  }
0x1df: {  	[tilespmem:s13], [sflag:$0x5] =	stream.indirect.gather [hbm4b:s9+s11], $0x80, s17, s11, $0xb8;
	[tilespmem:$0x1C680] =	vst v63  }
0x1e0: {  	_ =	swait.ge [sflag:s3], $0x800  }
0x1e1: {  	[sflag:s3] =	ssyncset.done $0x0  }
0x1e2: {  	[sflag:s3] =	ssyncadd.s32 $0xFFFFF800  }
0x1e3: {  	[hbm4b:s6+s11] =	stream.indirect.scatter [tilespmem:s13], [sflag:$0x5], $0x80, s14, s11, $0xb8;
	[tilespmem:$0x1C680] =	vst v63  }
0x1e4: {  	_ =	swait.ge [sflag:s3], $0x800  }
0x1e5: {  	[sflag:s3] =	ssyncset.done $0x0  }
0x1e6: {  	[sflag:s3] =	ssyncadd.s32 $0xFFFFF800  }
.LBB2_33:
0x1e7: {  	s17 =	simm.s32 @p3 $0x0;
	s18 =	simm.s32 @p3 $0x5000;
	s19 =	rddreg [dreg:$0x10]  }
0x1e8: {  	[tilespmem:s18], [sflag:$0x6] =	stream.linear.gather @p3 [hbm4b:s19+s17], $0xBD8, $0x38;
	[tilespmem:$0x1C680] =	vst v63  }
0x1e9: {  	s17 =	simm.s32 @p3 $0x6  }
0x1ea: {  	_ =	swait.ge @p3 [sflag:s17], $0xBD8  }
0x1eb: {  	s18 =	simm.s32 @!p3 $0x5000;
	[sflag:s17] =	ssyncset.done @p3 $0x0  }
0x1ec: {  	s19 =	rddreg [dreg:$0xf];
	[sflag:s17] =	ssyncadd.s32 @p3 $0xFFFFF428;
	s17 =	simm.s32 @!p3 $0x0  }
0x1ed: {  	[tilespmem:s18], [sflag:$0x6] =	stream.linear.gather @!p3 [hbm4b:s19+s17], $0xC38, $0x38;
	[tilespmem:$0x1C680] =	vst v63  }
0x1ee: {  	s17 =	simm.s32 @!p3 $0x6  }
0x1ef: {  	_ =	swait.ge @!p3 [sflag:s17], $0xC38  }
0x1f0: {  	[sflag:s17] =	ssyncset.done @!p3 $0x0  }
0x1f1: {  	s18 =	simm.s32 $0x40;
	[sflag:s17] =	ssyncadd.s32 @!p3 $0xFFFFF3C8;
	s17 =	simm.s32 $0x0  }
.LBB2_34:
0x1f2: {  	p4 =	sne.s32 s18, $0x3FC0;
	v6 =	vld [tilespmem:s17+$0x2000];
	_ =	sdelay $0x4  }
0x1f3: {  	v7 =	vsub.s32 v6, v2  }
0x1f4: {  	vm0 =	vge.s32 v6, v2;
	vm1 =	vlt.s32 v6, v3;
	vm2 =	vgt.s32 v7, $0x0  }
0x1f5: {  	vm0 =	vmand vm0, vm1;
	v6 =	vnsel vm2, $0x0, v7  }
0x1f6: {  	v6 =	vmin.u32 v6, $0xC37;
	v7 =	vld [tilespmem:s17+$0x4000]  }
.Ltmp20:
0x1f7: {  	(pc) =	sbr.rel @p4 .LBB2_34-.Ltmp20, $2  }
0x1f8: {  	_ =	sdelay $0x2  }
0x1f9: {  	s17 =	sshra.s32 s18, $0x2;
	s18 =	sadd.s32 $0x40, s18;
	[tilespmem:v6+s15+$0x0] =	vst.idx.msk vm0, v7  }
0x1fa: {  	v6 =	vld [tilespmem:s17+$0x2000];
	_ =	sdelay $0x4  }
0x1fb: {  	v7 =	vsub.s32 v6, v2  }
0x1fc: {  	vm0 =	vge.s32 v6, v2;
	vm1 =	vlt.s32 v6, v3;
	vm2 =	vgt.s32 v7, $0x0  }
0x1fd: {  	vm0 =	vmand vm0, vm1;
	v6 =	vnsel vm2, $0x0, v7  }
0x1fe: {  	v7 =	vld [tilespmem:s17+$0x4000];
	v6 =	vmin.u32 v6, $0xC37;
	_ =	sdelay $0x4  }
0x1ff: {  	s18 =	simm.s32 @p3 $0x5000;
	s19 =	rddreg [dreg:$0x12];
	s17 =	simm.s32 @p3 $0x0;
	[tilespmem:v6+s15+$0x0] =	vst.idx.msk vm0, v7  }
0x200: {  	[hbm4b:s19+s17] =	stream.linear.scatter @p3 [tilespmem:s18], [sflag:$0x6], $0xBD8, $0x38;
	[tilespmem:$0x1C680] =	vst v63  }
0x201: {  	s17 =	simm.s32 @p3 $0x6  }
0x202: {  	_ =	swait.ge @p3 [sflag:s17], $0xBD8  }
0x203: {  	s18 =	simm.s32 @!p3 $0x5000;
	[sflag:s17] =	ssyncset.done @p3 $0x0  }
0x204: {  	s19 =	rddreg [dreg:$0x11];
	[sflag:s17] =	ssyncadd.s32 @p3 $0xFFFFF428;
	s17 =	simm.s32 @!p3 $0x0  }
0x205: {  	[hbm4b:s19+s17] =	stream.linear.scatter @!p3 [tilespmem:s18], [sflag:$0x6], $0xC38, $0x38;
	[tilespmem:$0x1C680] =	vst v63  }
0x206: {  	s17 =	simm.s32 @!p3 $0x6  }
0x207: {  	_ =	swait.ge @!p3 [sflag:s17], $0xC38  }
0x208: {  	s16 =	sadd.s32 $0x1, s16;
	s31 =	rddreg [dreg:$0x13]  }
0x209: {  	p4 =	sne.s32 s16, s31  }
.Ltmp21:
0x20a: {  	_ = 	snop;
	(pc) =	sbr.rel @p4 .LBB2_1-.Ltmp21, $4  }
.Ltmp22:
0x20b: {  	_ = 	snop;
	(pc) =	sbr.rel @!p4 .LBB2_36-.Ltmp22, $4  }
0x20c: {  	_ = 	snop  }
0x20d: {  	[sflag:s17] =	ssyncset.done @!p3 $0x0  }
0x20e: {  	[sflag:s17] =	ssyncadd.s32 @!p3 $0xFFFFF3C8  }
0x20f: {  	_ = 	snop  }
.LBB2_15:
.Ltmp23:
0x210: {  	(pc) =	sbr.rel .LBB2_19-.Ltmp23, $2  }
0x211: {  	_ =	sdelay $0x2  }
0x212: {  	s19 =	smov.u32 s17  }
.LBB2_28:
.Ltmp24:
0x213: {  	(pc) =	sbr.rel .LBB2_32-.Ltmp24, $2  }
0x214: {  	_ =	sdelay $0x2  }
0x215: {  	s19 =	smov.u32 s17  }
.LBB2_17:
.Ltmp25:
0x216: {  	(pc) =	sbr.rel .LBB2_19-.Ltmp25, $2  }
0x217: {  	_ =	sdelay $0x2  }
0x218: {  	s19 =	smov.u32 s17  }
.LBB2_30:
.Ltmp26:
0x219: {  	(pc) =	sbr.rel .LBB2_32-.Ltmp26, $2  }
0x21a: {  	_ =	sdelay $0x2  }
0x21b: {  	s19 =	smov.u32 s17  }
.LBB2_36:
0x21c: {  	_ =	sfence.sel $0x180000  }
0x21d: {  	[bflag:$0x0] =	sbarrier.arrive $0xFFFF  }
0x21e: {  	_ =	strace $0x9000004D  }
0x21f: {  	s0 =	stileid.u32;
	[bflag:$0x2] =	sbarrier.arrive $0xFFFF  }
0x220: {  	p0 =	sne.s32 s0, $0x0;
	s0 =	rddreg [dreg:$0x8]  }
0x221: {  	s0 =	sadd.s32 @!p0 $0x100000, s0  }
0x222: {  	[sflag:s0] =	ssyncadd.tile.s32 @!p0 $0x1;
	_ =	shalt  }
.Lfunc_end2:
_tile_overlayer_lowered:
.L_overlay_start_2:
0x223: {  	(tag) =	ssettag $0x2  }
0x224: {  	s0 =	rddreg [dreg:$0x0];
	s2 =	stileid.u32  }
0x225: {  	s1 =	rddreg [dreg:$0x1];
	p0 =	sne.s32 s2, $0x0  }
0x226: {  	s3 =	rddreg [dreg:$0x2];
	[bflag:$0x3] =	sbarrier.arrive $0xFFFF;
	s2 =	simm.s32 @!p0 $0x1C06  }
0x227: {  	[timem:s3], [sflag:s2] =	dma.local @!p0 [hbm:s0], s1  }
0x228: {  	s0 =	simm.s32 @!p0 $0x6  }
0x229: {  	_ =	swait.ge @!p0 [sflag:s0], s1  }
0x22a: {  	s1 =	ssub.s32 @!p0 $0x0, s1;
	[sflag:s0] =	ssyncset.done @!p0 $0x0  }
0x22b: {  	[sflag:s0] =	ssyncadd.s32 @!p0 s1  }
0x22c: {  	[bflag:$0x3] =	sbarrier.arrive $0xFFFF  }
0x22d: {  	_ =	shalt  }

// kernel: kernel.8.cloned.1.call-start
scs
__scs_entry_jumppad:
0x0: {  	(pc) =	sbr.rel $0x88, $3  }
0x1: {  	(tag) =	ssettag $0x0;
	lr =	simm.s32 $0x1  }
0x2: {  	[smem:$0x3F93] =	sst lr;
	_ =	strace $0xD0000000  }
0x3: {  	_ = 	snop  }
0x4: {  	_ = 	snop  }
0x5: {  	_ = 	snop  }
0x6: {  	_ = 	snop  }
0x7: {  	_ = 	snop  }
__scs_overlays_trampoline_lowered:
0x8: {  	[smem:$0x3FA2] =	sst s0  }
0x9: {  	[smem:$0x3FA3] =	sst s1  }
0xa: {  	[smem:$0x3FA4] =	sst s2  }
0xb: {  	[smem:$0x3FA5] =	sst s3  }
0xc: {  	[smem:$0x3FA6] =	sst s4  }
0xd: {  	[smem:$0x3FA7] =	sst s5  }
0xe: {  	[smem:$0x3FA8] =	sst s6  }
0xf: {  	[smem:$0x3FA9] =	sst s7  }
0x10: {  	[smem:$0x3FAA] =	sst s8  }
0x11: {  	[smem:$0x3FAB] =	sst s9;
	s0 =	simm.s32 @!p0 $0x0  }
0x12: {  	s1 =	sld [smem:$0x3F91];
	s0 =	simm.s32 @p0 $0x1  }
0x13: {  	[smem:$0x3FAC] =	sst s0;
	s0 =	simm.s32 @!p1 $0x0  }
0x14: {  	s2 =	sld [smem:$0x3F90];
	s0 =	simm.s32 @p1 $0x1  }
0x15: {  	[smem:$0x3FAD] =	sst s0;
	s0 =	simm.s32 @!p2 $0x0  }
0x16: {  	s3 =	sld [smem:$0x3FDB];
	s0 =	simm.s32 @p2 $0x1  }
0x17: {  	s4 =	simm.s32 $0x1BF5;
	[smem:$0x3FAF] =	sst s0  }
0x18: {  	s0 =	sld [smem:$0x3F92];
	_ =	swait.ge [sflag:s4], $0x0  }
0x19: {  	s7 =	sld [smem:$0x3F93]  }
0x1a: {  	s8 =	sadd.s32 $0xFFFFE003, lr  }
0x1b: {  	s9 =	sadd.s32 $0xFFFFFEF7, lr;
	s5 =	simm.s32 $0xFFFFFFFF;
	p2 =	slt.u32 s8, $0xFFFFF086  }
0x1c: {  	p1 =	slt.u32 s9, $0xF7A;
	s5 =	simm.s32 @!p2 $0x0  }
0x1d: {  	s5 =	simm.s32 @p1 $0x1;
	p0 =	seq.s32 s7, s2  }
0x1e: {  	s7 =	smul.u32 @!p0 $0xF7A, s2;
	p2 =	seq.s32 @!p0 s5, $0x0  }
0x1f: {  	s9 =	smul.u32 $0xF7A, s1;
	s8 =	simm.s32 @!p0 $0x1BF5;
	p2 =	por !p2, p0  }
0x20: {  	[sflag:s8] =	ssyncset.s32 @!p0 $0xFFFFF086;
	s6 =	sadd.s32 @!p0 s3, s7;
	s7 =	simm.s32 @!p0 $0x108  }
0x21: {  	s3 =	sadd.s32 s3, s9;
	s6 =	sadd.s32 @!p0 $0x88, s6;
	s7 =	simm.s32 @p2 $0x1082  }
0x22: {  	[simem:s7], [sflag:s8] =	dma.local @!p0 [hbm:s6], $0xF7A  }
0x23: {  	s9 =	sor.u32 $0xD0000000, s2;
	s6 =	simm.s32 $0x108;
	_ =	swait.ge @!p0 [sflag:s8], $0x0  }
0x24: {  	s3 =	sadd.s32 $0x88, s3;
	s6 =	simm.s32 @!p1 $0x1082;
	[sflag:s4] =	ssyncset.s32 $0xFFFFF086  }
0x25: {  	[simem:s6], [sflag:s4] =	dma.local [hbm:s3], $0xF7A  }
0x26: {  	[smem:$0x3F93] =	sst s1;
	(tag) =	ssettag s2;
	_ =	strace s9  }
0x27: {  	s1 =	sld [smem:$0x3FA3]  }
0x28: {  	s2 =	sld [smem:$0x3FA4]  }
0x29: {  	s4 =	sld [smem:$0x3FA6]  }
0x2a: {  	p0 =	seq.s32 s5, $0x0;
	s5 =	sld [smem:$0x3FA7]  }
0x2b: {  	s6 =	sld [smem:$0x3FA8]  }
0x2c: {  	s7 =	sld [smem:$0x3FA9]  }
0x2d: {  	s3 =	simm.s32 $0x108;
	s8 =	sld [smem:$0x3FAA]  }
0x2e: {  	s3 =	simm.s32 @!p0 $0x1082;
	s9 =	sld [smem:$0x3FAB]  }
0x2f: {  	lr =	sadd.s32 s0, s3;
	s0 =	sld [smem:$0x3FA2]  }
0x30: {  	s3 =	sld [smem:$0x3FA5]  }
0x31: {  	[smem:$0x3FAE] =	sst s10  }
0x32: {  	s10 =	sld [smem:$0x3FAC];
	_ =	sdelay $0x3  }
0x33: {  	p0 =	seq.s32 s10, $0x1;
	s10 =	sld [smem:$0x3FAE];
	_ =	sdelay $0x3  }
0x34: {  	[smem:$0x3FAE] =	sst s10  }
0x35: {  	s10 =	sld [smem:$0x3FAD];
	_ =	sdelay $0x3  }
0x36: {  	p1 =	seq.s32 s10, $0x1;
	s10 =	sld [smem:$0x3FAE];
	_ =	sdelay $0x3  }
0x37: {  	[smem:$0x3FAE] =	sst s10  }
0x38: {  	s10 =	sld [smem:$0x3FAF]  }
0x39: {  	_ = 	snop;
	(pc) =	sbr.ind lr, $3  }
0x3a: {  	_ = 	snop  }
0x3b: {  	_ = 	snop  }
0x3c: {  	p2 =	seq.s32 s10, $0x1;
	s10 =	sld [smem:$0x3FAE]  }
0x3d: {  	_ =	shalt  }
0x3e: {  	_ =	shalt  }
0x3f: {  	_ =	shalt  }
0x40: {  	_ =	shalt  }
0x41: {  	_ =	shalt  }
0x42: {  	_ =	shalt  }
0x43: {  	_ =	shalt  }
0x44: {  	_ =	shalt  }
0x45: {  	_ =	shalt  }
0x46: {  	_ =	shalt  }
0x47: {  	_ =	shalt  }
0x48: {  	_ =	shalt  }
0x49: {  	_ =	shalt  }
0x4a: {  	_ =	shalt  }
0x4b: {  	_ =	shalt  }
0x4c: {  	_ =	shalt  }
0x4d: {  	_ =	shalt  }
0x4e: {  	_ =	shalt  }
0x4f: {  	_ =	shalt  }
0x50: {  	_ =	shalt  }
0x51: {  	_ =	shalt  }
0x52: {  	_ =	shalt  }
0x53: {  	_ =	shalt  }
0x54: {  	_ =	shalt  }
0x55: {  	_ =	shalt  }
0x56: {  	_ =	shalt  }
0x57: {  	_ =	shalt  }
0x58: {  	_ =	shalt  }
0x59: {  	_ =	shalt  }
0x5a: {  	_ =	shalt  }
0x5b: {  	_ =	shalt  }
0x5c: {  	_ =	shalt  }
0x5d: {  	_ =	shalt  }
0x5e: {  	_ =	shalt  }
0x5f: {  	_ =	shalt  }
0x60: {  	_ =	shalt  }
0x61: {  	_ =	shalt  }
0x62: {  	_ =	shalt  }
0x63: {  	_ =	shalt  }
0x64: {  	_ =	shalt  }
0x65: {  	_ =	shalt  }
0x66: {  	_ =	shalt  }
0x67: {  	_ =	shalt  }
0x68: {  	_ =	shalt  }
0x69: {  	_ =	shalt  }
0x6a: {  	_ =	shalt  }
0x6b: {  	_ =	shalt  }
0x6c: {  	_ =	shalt  }
0x6d: {  	_ =	shalt  }
0x6e: {  	_ =	shalt  }
0x6f: {  	_ =	shalt  }
0x70: {  	_ =	shalt  }
0x71: {  	_ =	shalt  }
0x72: {  	_ =	shalt  }
0x73: {  	_ =	shalt  }
0x74: {  	_ =	shalt  }
0x75: {  	_ =	shalt  }
0x76: {  	_ =	shalt  }
0x77: {  	_ =	shalt  }
0x78: {  	_ =	shalt  }
0x79: {  	_ =	shalt  }
0x7a: {  	_ =	shalt  }
0x7b: {  	_ =	shalt  }
0x7c: {  	_ =	shalt  }
0x7d: {  	_ =	shalt  }
0x7e: {  	_ =	shalt  }
0x7f: {  	_ =	shalt  }
0x80: {  	_ =	shalt  }
0x81: {  	_ =	shalt  }
0x82: {  	_ =	shalt  }
0x83: {  	_ =	shalt  }
0x84: {  	_ =	shalt  }
0x85: {  	_ =	shalt  }
0x86: {  	_ =	shalt  }
0x87: {  	_ =	shalt  }
.Lfunc_end0:
.L_simem_size_0:
called_computation_lowered:
.L_overlay_start_0:
0x88: {  	s2 =	sld [smem:$0x3FD9]  }
0x89: {  	s3 =	sld [smem:$0x3FFE];
	_ =	sdelay $0x1  }
0x8a: {  	s1 =	srdreg.scid  }
0x8b: {  	s0 =	sand.u32 $0x1, s1  }
0x8c: {  	s14 =	sshll.u32 s0, $0xA;
	s2 =	sadd.s32 s3, s2  }
0x8d: {  	s2 =	sadd.s32 s2, s14  }
0x8e: {  	[smem:$0x3FBA] =	sst s2  }
0x8f: {  	_ = 	snop  }
0x90: {  	s2 =	sld [smem:$0x3FC9]  }
0x91: {  	s15 =	sld [smem:$0x3FD0]  }
0x92: {  	s4 =	sld [smem:$0x3FC7]  }
0x93: {  	s5 =	sld [smem:$0x3FC5]  }
0x94: {  	s7 =	simm.s32 $0xA;
	s8 =	simm.s32 $0x10;
	s6 =	sld [smem:$0x3FC4]  }
0x95: {  	[smem:s8], [sflag:s7] =	dma.local [hbm:s15], $0x1  }
0x96: {  	_ =	swait.eq [sflag:s7], $0x1  }
0x97: {  	[sflag:s7] =	ssyncset.done $0x0  }
0x98: {  	[sflag:s7] =	ssyncadd.s32 $0xFFFFFFFF  }
0x99: {  	s16 =	sld [smem:$0x10];
	(tm) =	ssettm $0x1  }
0x9a: {  	s17 =	sld [smem:$0x3FFB];
	_ =	sdelay $0x3  }
0x9b: {  	_ =	strace s17  }
0x9c: {  	s7 =	sld [smem:$0x3FFC];
	_ =	sdelay $0x3  }
0x9d: {  	_ =	strace s7  }
0x9e: {  	s7 =	sld [smem:$0x3FFD];
	_ =	sdelay $0x3  }
0x9f: {  	_ =	strace s7  }
0xa0: {  	_ =	strace $0x8FFFFFFF  }
0xa1: {  	s18 =	sld [smem:$0x3FDB];
	_ =	sdelay $0x1  }
0xa2: {  	s19 =	simm.s32 $_scs_section_size  }
0xa3: {  	s9 =	simm.s32 $_size__tile_overlayer_lowered;
	s10 =	simm.s32 $_tile_overlayer_lowered  }
0xa4: {  	s22 =	simm.s32 $0x1BFF;
	s21 =	sshll.u32 s10, $0x1;
	s7 =	sadd.s32 s19, s18  }
0xa5: {  	s11 =	simm.s32 $0x0;
	s20 =	sshll.u32 s9, $0x1;
	s9 =	sadd.s32 s21, s7  }
0xa6: {  	[timem:s11], [sflag:s22] =	dma.local [hbm:s9], s20  }
0xa7: {  	_ =	swait.ge [sflag:s22], s20  }
0xa8: {  	s8 =	ssub.s32 $0x0, s20;
	[sflag:s22] =	ssyncset.done $0x0  }
0xa9: {  	[sflag:s22] =	ssyncadd.s32 s8;
	_ =	sdelay $0x1  }
0xaa: {  	s23 =	simm.s32 $0x1B8B  }
0xab: {  	_ =	swait.ge [sflag:s23], $0x1  }
0xac: {  	[sflag:s23] =	ssyncset.done $0x0  }
0xad: {  	s25 =	simm.s32 $0x1B8E;
	s24 =	sld [smem:$0x3FFE];
	[sflag:s23] =	ssyncadd.s32 $0xFFFFFFFF  }
0xae: {  	s26 =	simm.s32 $execute0_lowered;
	[smem:$0x3FD2] =	sst s25  }
0xaf: {  	s9 =	sshll.u32 s26, $0x1;
	_ =	strace $0x80000046;
	[dreg:$0x1] =	wrdreg $0xFFFFFFFF  }
0xb0: {  	s28 =	simm.s32 $_size_execute0_lowered;
	s7 =	sadd.s32 s7, s9;
	[dreg:$0x0] =	wrdreg $0x0  }
0xb1: {  	s9 =	sshll.u32 s28, $0x1;
	[dreg:$0x2] =	wrdreg s7  }
0xb2: {  	[dreg:$0x3] =	wrdreg s9  }
0xb3: {  	[dreg:$0x4] =	wrdreg $0xC0  }
0xb4: {  	_ =	task [dreg:s11], $0x5FFFF  }
0xb5: {  	[dreg:$0x1] =	wrdreg $0xFFFFFFFF  }
0xb6: {  	[dreg:$0x0] =	wrdreg $0x60  }
0xb7: {  	[dreg:$0x2] =	wrdreg s6  }
0xb8: {  	[dreg:$0x3] =	wrdreg s5  }
0xb9: {  	[dreg:$0x4] =	wrdreg s2  }
0xba: {  	[dreg:$0x5] =	wrdreg s4  }
0xbb: {  	[dreg:$0x6] =	wrdreg s24  }
0xbc: {  	[dreg:$0x7] =	wrdreg s16  }
0xbd: {  	[dreg:$0x8] =	wrdreg $0x9  }
0xbe: {  	_ =	task.clear_ibuf [dreg:s11], $0x9FFFF;
	_ =	strace $0x90000046  }
0xbf: {  	s29 =	simm.s32 $0x9;
	_ =	strace $0x80000048  }
0xc0: {  	_ =	swait.ge [sflag:s29], $0x1  }
0xc1: {  	[sflag:s29] =	ssyncadd.s32 $0xFFFFFFFF  }
0xc2: {  	_ =	strace $0x90000048  }
0xc3: {  	_ =	sfence  }
0xc4: {  	s30 =	sld [smem:$0x0];
	_ =	sdelay $0x2  }
0xc5: {  	s31 =	sshll.u32 s1, $0xD;
	s1 =	sshrl.u32 s1, $0x2  }
0xc6: {  	s3 =	sand.u32 $0x4000, s31;
	s1 =	sadd.s32 s1, s30  }
0xc7: {  	s0 =	sor.u32 s3, s0;
	s1 =	sshll.u32 s1, $0x11  }
0xc8: {  	s0 =	sor.u32 s1, s0  }
0xc9: {  	s0 =	sadd.s32 $0x8F2B, s0  }
0xca: {  	[sflag:s0] =	ssyncadd.remote.s32 $0x1  }
0xcb: {  	_ =	sfence.sel $0xFFFF  }
0xcc: {  	[dreg:$0x0] =	wrdreg $0xFFFFFFFF;
	(pc) =	sbr.abs _section_cstart, $3  }
0xcd: {  	[dreg:$0x1] =	wrdreg $0xFFFFFFFF  }
0xce: {  	_ =	task.clear_ibuf [dreg:s11], $0x2FFFF;
	_ =	strace $0x9FFFFFFF  }
0xcf: {  	(tm) =	ssettm $0x7FFFFFFF  }
tec
execute0_lowered:
.L_overlay_start_1:
0x0: {  	(tag) =	ssettag $0x1  }
0x1: {  	s0 =	rddreg [dreg:$0x0]  }
0x2: {  	s2 =	rddreg [dreg:$0x1]  }
0x3: {  	s5 =	rddreg [dreg:$0x2]  }
0x4: {  	s6 =	rddreg [dreg:$0x3]  }
0x5: {  	s3 =	srdreg.scid;
	s1 =	stileid.u32  }
0x6: {  	s23 =	rddreg [dreg:$0x4];
	s24 =	sand.u32 $0x1, s3;
	s7 =	sshll.u32 s1, $0x1  }
0x7: {  	s13 =	rddreg [dreg:$0x5];
	s4 =	simm.s32 $0x0;
	s18 =	sor.u32 s24, s7  }
0x8: {  	[smem:$0x7FF] =	sst s4;
	s7 =	sshll.u32 s18, $0x4  }
0x9: {  	s3 =	rddreg [dreg:$0x6];
	_ =	strace $0x80000047;
	s5 =	sadd.s32 s5, s7  }
0xa: {  	[tilespmem:s4], [sflag:$0x1] =	stream.linear.gather [hbm4b:s5+s4], $0x80, $0x38;
	[tilespmem:$0xD180] =	vst v63  }
0xb: {  	s8 =	simm.s32 $0x1;
	s6 =	sadd.s32 s6, s7;
	s7 =	simm.s32 $0x80  }
0xc: {  	[tilespmem:s7], [sflag:$0x2] =	stream.linear.gather [hbm4b:s6+s4], $0x80, $0x38;
	[tilespmem:$0xD180] =	vst v63  }
0xd: {  	_ =	swait.ge [sflag:s8], $0x80  }
0xe: {  	[sflag:s8] =	ssyncset.done $0x0  }
0xf: {  	s9 =	simm.s32 $0x100;
	s10 =	simm.s32 $0x2;
	[sflag:s8] =	ssyncadd.s32 $0xFFFFFF80  }
0x10: {  	[tilespmem:s9], [sflag:$0x1] =	stream.indirect.gather [hbm4b:s0+s7], $0x80, s4, s7, $0xb8;
	[tilespmem:$0xD180] =	vst v63  }
0x11: {  	_ =	swait.ge [sflag:s10], $0x80  }
0x12: {  	[sflag:s10] =	ssyncset.done $0x0  }
0x13: {  	s11 =	simm.s32 $0x4100;
	[sflag:s10] =	ssyncadd.s32 $0xFFFFFF80  }
0x14: {  	[tilespmem:s11], [sflag:$0x2] =	stream.indirect.gather [hbm4b:s0+s7], $0x80, s7, s7, $0xb8;
	[tilespmem:$0xD180] =	vst v63  }
0x15: {  	s12 =	simm.s32 $0x8100  }
0x16: {  	[tilespmem:s12], [sflag:$0x3] =	stream.indirect.gather [hbm4b:s2+s7], $0x80, s7, s7, $0xb8;
	[tilespmem:$0xD180] =	vst v63  }
0x17: {  	_ =	swait.ge [sflag:s8], $0x4000  }
0x18: {  	s14 =	sshll.u32 s18, $0xB;
	[sflag:s8] =	ssyncset.done $0x0  }
0x19: {  	s13 =	sadd.s32 s13, s14;
	[sflag:s8] =	ssyncadd.s32 $0xFFFFC000  }
0x1a: {  	[hbm4b:s13+s4] =	stream.linear.scatter [tilespmem:s9], [sflag:$0x1], $0x4000, $0x38;
	[tilespmem:$0xD180] =	vst v63  }
0x1b: {  	_ =	swait.ge [sflag:s10], $0x4000  }
0x1c: {  	s17 =	sadd.s32 s14, s23;
	[sflag:s10] =	ssyncset.done $0x0  }
0x1d: {  	s14 =	simm.s32 $0x3;
	s15 =	sadd.s32 $0x2C00, s17;
	[sflag:s10] =	ssyncadd.s32 $0xFFFFC000  }
0x1e: {  	[hbm4b:s15+s4] =	stream.linear.scatter [tilespmem:s11], [sflag:$0x2], $0x4000, $0x38;
	[tilespmem:$0xD180] =	vst v63  }
0x1f: {  	_ =	swait.ge [sflag:s14], $0x4000  }
0x20: {  	s16 =	sadd.s32 $0x2A00, s23;
	[sflag:s14] =	ssyncset.done $0x0  }
0x21: {  	p0 =	sne.s32 s18, $0x0;
	s17 =	sadd.s32 $0x12C00, s17;
	[sflag:s14] =	ssyncadd.s32 $0xFFFFC000  }
0x22: {  	[hbm4b:s17+s4] =	stream.linear.scatter [tilespmem:s12], [sflag:$0x3], $0x4000, $0x38;
	[tilespmem:$0xD180] =	vst v63  }
0x23: {  	s18 =	simm.s32 @!p0 $0x0;
	s19 =	simm.s32 @!p0 $0xC100;
	s20 =	simm.s32 @!p0 $0x4  }
0x24: {  	[tilespmem:s19], [sflag:$0x4] =	stream.linear.gather @!p0 [hbm4b:s16+s18], $0x80, $0x38;
	[tilespmem:$0xD180] =	vst v63  }
0x25: {  	_ =	swait.ge @!p0 [sflag:s20], $0x80  }
0x26: {  	[sflag:s20] =	ssyncset.done @!p0 $0x0  }
0x27: {  	s21 =	simm.s32 @!p0 $0x20;
	s22 =	simm.s32 @!p0 $0xC180;
	[sflag:s20] =	ssyncadd.s32 @!p0 $0xFFFFFF80  }
0x28: {  	[tilespmem:s22], [sflag:$0x4] =	stream.indirect.gather @!p0 [hbm4b:s0+s21], $0x80, s19, s21, $0xb8;
	[tilespmem:$0xD180] =	vst v63  }
0x29: {  	_ =	swait.ge @!p0 [sflag:s20], $0x1000  }
0x2a: {  	[sflag:s20] =	ssyncset.done @!p0 $0x0  }
0x2b: {  	s23 =	sadd.s32 $0x22C00, s23;
	[sflag:s20] =	ssyncadd.s32 @!p0 $0xFFFFF000  }
0x2c: {  	[hbm4b:s23+s18] =	stream.linear.scatter @!p0 [tilespmem:s22], [sflag:$0x4], $0x1000, $0x38;
	[tilespmem:$0xD180] =	vst v63  }
0x2d: {  	s24 =	ssub.s32 $0x2, s24;
	_ =	swait.ge @!p0 [sflag:s20], $0x1000  }
0x2e: {  	s25 =	sshrl.u32 s24, $0x1;
	[sflag:s20] =	ssyncset.done @!p0 $0x0  }
0x2f: {  	s24 =	ssub.s32 s24, s25;
	[sflag:s20] =	ssyncadd.s32 @!p0 $0xFFFFF000  }
0x30: {  	s24 =	smax.u32 s24, $0x1;
	_ =	swait.ge [sflag:s8], $0x4000  }
0x31: {  	s24 =	sadd.s32 $0xFFFFFFFF, s24;
	[sflag:s8] =	ssyncset.done $0x0  }
0x32: {  	p1 =	sne.s32 s24, $0x0;
	[sflag:s8] =	ssyncadd.s32 $0xFFFFC000  }
.Ltmp0:
0x33: {  	_ =	swait.ge [sflag:s10], $0x4000;
	(pc) =	sbr.rel @!p1 .LBB2_2-.Ltmp0, $4  }
0x34: {  	[sflag:s10] =	ssyncset.done $0x0  }
0x35: {  	[sflag:s10] =	ssyncadd.s32 $0xFFFFC000  }
0x36: {  	_ =	swait.ge [sflag:s14], $0x4000  }
0x37: {  	[sflag:s14] =	ssyncset.done $0x0  }
.LBB2_1:
0x38: {  	s24 =	sadd.s32 $0xFFFFFFFF, s24;
	[sflag:s14] =	ssyncadd.s32 $0xFFFFC000  }
0x39: {  	[tilespmem:s4], [sflag:$0x1] =	stream.linear.gather [hbm4b:s5+s4], $0x80, $0x38;
	[tilespmem:$0xD180] =	vst v63  }
0x3a: {  	p1 =	sne.s32 s24, $0x0  }
0x3b: {  	[tilespmem:s7], [sflag:$0x2] =	stream.linear.gather [hbm4b:s6+s4], $0x80, $0x38;
	[tilespmem:$0xD180] =	vst v63  }
0x3c: {  	_ =	swait.ge [sflag:s8], $0x80  }
0x3d: {  	[sflag:s8] =	ssyncset.done $0x0  }
0x3e: {  	[sflag:s8] =	ssyncadd.s32 $0xFFFFFF80  }
0x3f: {  	[tilespmem:s9], [sflag:$0x1] =	stream.indirect.gather [hbm4b:s0+s7], $0x80, s4, s7, $0xb8;
	[tilespmem:$0xD180] =	vst v63  }
0x40: {  	_ =	swait.ge [sflag:s10], $0x80  }
0x41: {  	[sflag:s10] =	ssyncset.done $0x0  }
0x42: {  	[sflag:s10] =	ssyncadd.s32 $0xFFFFFF80  }
0x43: {  	[tilespmem:s11], [sflag:$0x2] =	stream.indirect.gather [hbm4b:s0+s7], $0x80, s7, s7, $0xb8;
	[tilespmem:$0xD180] =	vst v63  }
0x44: {  	_ = 	snop  }
0x45: {  	[tilespmem:s12], [sflag:$0x3] =	stream.indirect.gather [hbm4b:s2+s7], $0x80, s7, s7, $0xb8;
	[tilespmem:$0xD180] =	vst v63  }
0x46: {  	_ =	swait.ge [sflag:s8], $0x4000  }
0x47: {  	[sflag:s8] =	ssyncset.done $0x0  }
0x48: {  	[sflag:s8] =	ssyncadd.s32 $0xFFFFC000  }
0x49: {  	[hbm4b:s13+s4] =	stream.linear.scatter [tilespmem:s9], [sflag:$0x1], $0x4000, $0x38;
	[tilespmem:$0xD180] =	vst v63  }
0x4a: {  	_ =	swait.ge [sflag:s10], $0x4000  }
0x4b: {  	[sflag:s10] =	ssyncset.done $0x0  }
0x4c: {  	[sflag:s10] =	ssyncadd.s32 $0xFFFFC000  }
0x4d: {  	[hbm4b:s15+s4] =	stream.linear.scatter [tilespmem:s11], [sflag:$0x2], $0x4000, $0x38;
	[tilespmem:$0xD180] =	vst v63  }
0x4e: {  	_ =	swait.ge [sflag:s14], $0x4000  }
0x4f: {  	[sflag:s14] =	ssyncset.done $0x0  }
0x50: {  	[sflag:s14] =	ssyncadd.s32 $0xFFFFC000  }
0x51: {  	[hbm4b:s17+s4] =	stream.linear.scatter [tilespmem:s12], [sflag:$0x3], $0x4000, $0x38;
	[tilespmem:$0xD180] =	vst v63  }
0x52: {  	_ = 	snop  }
0x53: {  	[tilespmem:s19], [sflag:$0x4] =	stream.linear.gather @!p0 [hbm4b:s16+s18], $0x80, $0x38;
	[tilespmem:$0xD180] =	vst v63  }
0x54: {  	_ =	swait.ge @!p0 [sflag:s20], $0x80  }
0x55: {  	[sflag:s20] =	ssyncset.done @!p0 $0x0  }
0x56: {  	[sflag:s20] =	ssyncadd.s32 @!p0 $0xFFFFFF80  }
0x57: {  	[tilespmem:s22], [sflag:$0x4] =	stream.indirect.gather @!p0 [hbm4b:s0+s21], $0x80, s19, s21, $0xb8;
	[tilespmem:$0xD180] =	vst v63  }
0x58: {  	_ =	swait.ge @!p0 [sflag:s20], $0x1000  }
0x59: {  	[sflag:s20] =	ssyncset.done @!p0 $0x0  }
0x5a: {  	[sflag:s20] =	ssyncadd.s32 @!p0 $0xFFFFF000  }
0x5b: {  	[hbm4b:s23+s18] =	stream.linear.scatter @!p0 [tilespmem:s22], [sflag:$0x4], $0x1000, $0x38;
	[tilespmem:$0xD180] =	vst v63  }
0x5c: {  	_ =	swait.ge @!p0 [sflag:s20], $0x1000  }
0x5d: {  	[sflag:s20] =	ssyncset.done @!p0 $0x0  }
0x5e: {  	[sflag:s20] =	ssyncadd.s32 @!p0 $0xFFFFF000  }
0x5f: {  	_ =	swait.ge [sflag:s8], $0x4000  }
0x60: {  	[sflag:s8] =	ssyncset.done $0x0  }
0x61: {  	[sflag:s8] =	ssyncadd.s32 $0xFFFFC000  }
.Ltmp1:
0x62: {  	_ =	swait.ge [sflag:s10], $0x4000;
	(pc) =	sbr.rel @p1 .LBB2_1-.Ltmp1, $4  }
0x63: {  	[sflag:s10] =	ssyncset.done $0x0  }
0x64: {  	[sflag:s10] =	ssyncadd.s32 $0xFFFFC000  }
0x65: {  	_ =	swait.ge [sflag:s14], $0x4000  }
0x66: {  	[sflag:s14] =	ssyncset.done $0x0  }
.LBB2_2:
0x67: {  	[sflag:s14] =	ssyncadd.s32 $0xFFFFC000  }
0x68: {  	_ =	sfence.sel $0x180000  }
0x69: {  	[bflag:$0x0] =	sbarrier.arrive $0xFFFF  }
0x6a: {  	p0 =	sne.s32 s1, $0x0;
	_ =	strace $0x90000047  }
0x6b: {  	s0 =	sadd.s32 @!p0 $0x100000, s3;
	[bflag:$0x2] =	sbarrier.arrive $0xFFFF  }
0x6c: {  	[sflag:s0] =	ssyncadd.tile.s32 @!p0 $0x1;
	_ =	shalt  }
.Lfunc_end2:
_tile_overlayer_lowered:
.L_overlay_start_2:
0x6d: {  	(tag) =	ssettag $0x2  }
0x6e: {  	s0 =	rddreg [dreg:$0x0];
	s2 =	stileid.u32  }
0x6f: {  	s1 =	rddreg [dreg:$0x1];
	p0 =	sne.s32 s2, $0x0  }
0x70: {  	s3 =	rddreg [dreg:$0x2];
	[bflag:$0x3] =	sbarrier.arrive $0xFFFF;
	s2 =	simm.s32 @!p0 $0x1C05  }
0x71: {  	[timem:s3], [sflag:s2] =	dma.local @!p0 [hbm:s0], s1  }
0x72: {  	s0 =	simm.s32 @!p0 $0x5  }
0x73: {  	_ =	swait.ge @!p0 [sflag:s0], s1  }
0x74: {  	s1 =	ssub.s32 @!p0 $0x0, s1;
	[sflag:s0] =	ssyncset.done @!p0 $0x0  }
0x75: {  	[sflag:s0] =	ssyncadd.s32 @!p0 s1  }
0x76: {  	[bflag:$0x3] =	sbarrier.arrive $0xFFFF  }
0x77: {  	_ =	shalt  }

</sc_bundles>
